<compile_context>
chip_gen: v7x
topology: tpu7x:2x2x1
jax: 0.10.2.dev20260603
libtpu: 0.0.44.dev20260713+nightly
codegen_flags: <defaults>
</compile_context>

<pallas_src>
import jax
import jax.numpy as jnp
from jax.experimental import pallas as pl

_S = 196
_P = 256
_LOG = 8
_NEG = -1e30


def _bitrev(i, bits=_LOG):
    r = 0
    for _ in range(bits):
        r = (r << 1) | (i & 1)
        i >>= 1
    return r


def _cmpex_aligned(v, D, B):
    n = v.shape[0]
    pieces = []
    for t in range(0, n // D, 2):
        E = v[t * D:(t + 1) * D]
        O = v[(t + 1) * D:(t + 2) * D]
        mn = jnp.minimum(E, O)
        mx = jnp.maximum(E, O)
        if B is None:
            newE, newO = mx, mn
        elif B >= 8:
            ep, op = [], []
            for u in range(0, D, B):
                if (u & B) == 0:
                    ep.append(mx[u:u + B])
                    op.append(mn[u:u + B])
                else:
                    ep.append(mn[u:u + B])
                    op.append(mx[u:u + B])
            newE = jnp.concatenate(ep, axis=0)
            newO = jnp.concatenate(op, axis=0)
        else:
            dm = (jax.lax.broadcasted_iota(jnp.int32, E.shape, 0) & B) != 0
            newE = jnp.where(dm, mn, mx)
            newO = jnp.where(dm, mx, mn)
        pieces += [newE, newO]
    return jnp.concatenate(pieces, axis=0)


def _cmpex_small(v, D, B):
    n = v.shape[0]
    iota = jax.lax.broadcasted_iota(jnp.int32, v.shape, 0)
    up = jnp.concatenate([v[D:], v[:D]], axis=0)
    dn = jnp.concatenate([v[n - D:], v[:n - D]], axis=0)
    is_hi = (iota & D) != 0
    partner = jnp.where(is_hi, dn, up)
    dirm = (iota & B) != 0
    want_max = is_hi == dirm
    return jnp.where(want_max, jnp.maximum(v, partner),
                     jnp.minimum(v, partner))


def _sort_pool_body(x_ref, w_ref, b_ref, o_ref):
    v = x_ref[0]

    for a in range(1, _LOG + 1):
        B = None if a == _LOG else (1 << (_LOG - 1 - a))
        for m in range(a - 1, -1, -1):
            D = 1 << (_LOG - 1 - m)
            if D >= 8:
                v = _cmpex_aligned(v, D, B)
            else:
                v = _cmpex_small(v, D, B if B is not None else 0)

    o_ref[0, 0, :] = jnp.sum(v * w_ref[...], axis=0) + b_ref[...]


@jax.jit
def kernel(x, W, b):
    B, C, H, Wd = x.shape
    S = H * Wd
    L = 128

    xt = jnp.transpose(x.reshape(B, C, S), (0, 2, 1))
    xt = jnp.pad(xt, ((0, 0), (0, _P - S), (0, 0)), constant_values=_NEG)

    rev = jnp.array([_bitrev(i) for i in range(_P)], dtype=jnp.int32)
    Wt = jnp.pad(W[:, 0, :].T, ((0, _P - S), (0, 0)))[rev, :]

    grid = (B, C // L)
    out = pl.pallas_call(
        _sort_pool_body,
        grid=grid,
        in_specs=[
            pl.BlockSpec((1, _P, L), lambda i, j: (i, 0, j)),
            pl.BlockSpec((_P, L), lambda i, j: (0, j)),
            pl.BlockSpec((L,), lambda i, j: (j,)),
        ],
        out_specs=pl.BlockSpec((1, 1, L), lambda i, j: (i, 0, j)),
        out_shape=jax.ShapeDtypeStruct((B, 1, C), jnp.float32),
    )(xt, Wt, b)
    return out.reshape(B, C)

# --- scband reference (transcript-rebuilt; emitter-appended) ---
"""Pipeline reference for scband-global-rank-pooling-5617817223587 (READ-ONLY COPY).

The authoritative reference and input builder live on the scoring server;
editing this copy changes nothing except your own understanding.
"""

import jax, jax.numpy as jnp
import numpy as np


def setup_inputs(seed: int = 0) -> dict:
    key = jax.random.key(seed)
    k1, k2, k3 = jax.random.split(key, 3)
    x = jax.random.normal(k1, (64, 768, 14, 14), dtype=jnp.float32)
    # depthwise Conv1d weights: [num_features, 1, kernel_size=spatial_size]
    fan_in = 196
    bound = 1.0 / np.sqrt(fan_in)
    W = jax.random.uniform(k2, (768, 1, 196), dtype=jnp.float32, minval=-bound, maxval=bound)
    b = jax.random.uniform(k3, (768,), dtype=jnp.float32, minval=-bound, maxval=bound)
    return {"x": x, "W": W, "b": b}


def reference(x, W, b):
    B, C, H, Wd = x.shape
    S = H * Wd
    xf = x.reshape(B, C, S)
    # topk with k == spatial_size -> full descending sort along spatial dim
    x_sorted, _ = jax.lax.top_k(xf, S)
    # depthwise Conv1d with kernel covering the whole length collapses to a
    # per-channel weighted sum: out[b,c] = sum_s x_sorted[b,c,s] * W[c,0,s] + b[c]
    y = jnp.einsum('bcs,cs->bc', x_sorted, W[:, 0, :]) + b
    return y

if __name__ == "__main__":
    import jax
    _d = setup_inputs()
    print(jax.jit(kernel)(*tuple(_d.values())))

</pallas_src>

<mosaic_0001>
module attributes {stable_mosaic.version = 14 : i64} {
  func.func @_sort_pool_body(%arg0: i32, %arg1: i32, %arg2: memref<1x256x128xf32, #tpu.memory_space<vmem>>, %arg3: memref<256x128xf32, #tpu.memory_space<vmem>>, %arg4: memref<128xf32, #tpu.memory_space<vmem>>, %arg5: memref<1x1x128xf32, #tpu.memory_space<vmem>>) attributes {dimension_semantics = [#tpu.dimension_semantics<arbitrary>, #tpu.dimension_semantics<arbitrary>], iteration_bounds = array<i64: 64, 6>, scalar_prefetch = 0 : i64, scratch_operands = 0 : i64, tpu.core_type = #tpu.core_type<tc>, window_params = [{transform_indices = @transform_0, window_bounds = array<i64: 1, 256, 128>}, {transform_indices = @transform_1, window_bounds = array<i64: 256, 128>}, {transform_indices = @transform_2, window_bounds = array<i64: 128>}, {transform_indices = @transform_3, window_bounds = array<i64: 1, 1, 128>}]} {
    %get3A = arith.constant 0 : index
    %get3A_0 = arith.constant 0 : index
    %get3A_1 = arith.constant 0 : index
    %get3A_2 = vector.load %arg2[%get3A, %get3A_0, %get3A_1] : memref<1x256x128xf32, #tpu.memory_space<vmem>>, vector<1x256x128xf32>
    %get3A_3 = vector.shape_cast %get3A_2 : vector<1x256x128xf32> to vector<256x128xf32>
    %slice3A = vector.extract_strided_slice %get3A_3 {offsets = [0, 0], sizes = [128, 128], strides = [1, 1]} : vector<256x128xf32> to vector<128x128xf32>
    %slice3A_4 = vector.extract_strided_slice %get3A_3 {offsets = [128, 0], sizes = [128, 128], strides = [1, 1]} : vector<256x128xf32> to vector<128x128xf32>
    %min3A = arith.minimumf %slice3A, %slice3A_4 : vector<128x128xf32>
    %max3A = arith.maximumf %slice3A, %slice3A_4 : vector<128x128xf32>
    %slice3A_5 = vector.extract_strided_slice %max3A {offsets = [0, 0], sizes = [64, 128], strides = [1, 1]} : vector<128x128xf32> to vector<64x128xf32>
    %slice3A_6 = vector.extract_strided_slice %min3A {offsets = [0, 0], sizes = [64, 128], strides = [1, 1]} : vector<128x128xf32> to vector<64x128xf32>
    %slice3A_7 = vector.extract_strided_slice %min3A {offsets = [64, 0], sizes = [64, 128], strides = [1, 1]} : vector<128x128xf32> to vector<64x128xf32>
    %slice3A_8 = vector.extract_strided_slice %max3A {offsets = [64, 0], sizes = [64, 128], strides = [1, 1]} : vector<128x128xf32> to vector<64x128xf32>
    %concatenate3A = tpu.concatenate %slice3A_5, %slice3A_7 in 0 : vector<64x128xf32>, vector<64x128xf32> -> vector<128x128xf32>
    %concatenate3A_9 = tpu.concatenate %slice3A_6, %slice3A_8 in 0 : vector<64x128xf32>, vector<64x128xf32> -> vector<128x128xf32>
    %concatenate3A_10 = tpu.concatenate %concatenate3A, %concatenate3A_9 in 0 : vector<128x128xf32>, vector<128x128xf32> -> vector<256x128xf32>
    %slice3A_11 = vector.extract_strided_slice %concatenate3A_10 {offsets = [0, 0], sizes = [64, 128], strides = [1, 1]} : vector<256x128xf32> to vector<64x128xf32>
    %slice3A_12 = vector.extract_strided_slice %concatenate3A_10 {offsets = [64, 0], sizes = [64, 128], strides = [1, 1]} : vector<256x128xf32> to vector<64x128xf32>
    %min3A_13 = arith.minimumf %slice3A_11, %slice3A_12 : vector<64x128xf32>
    %max3A_14 = arith.maximumf %slice3A_11, %slice3A_12 : vector<64x128xf32>
    %slice3A_15 = vector.extract_strided_slice %max3A_14 {offsets = [0, 0], sizes = [32, 128], strides = [1, 1]} : vector<64x128xf32> to vector<32x128xf32>
    %slice3A_16 = vector.extract_strided_slice %min3A_13 {offsets = [0, 0], sizes = [32, 128], strides = [1, 1]} : vector<64x128xf32> to vector<32x128xf32>
    %slice3A_17 = vector.extract_strided_slice %min3A_13 {offsets = [32, 0], sizes = [32, 128], strides = [1, 1]} : vector<64x128xf32> to vector<32x128xf32>
    %slice3A_18 = vector.extract_strided_slice %max3A_14 {offsets = [32, 0], sizes = [32, 128], strides = [1, 1]} : vector<64x128xf32> to vector<32x128xf32>
    %concatenate3A_19 = tpu.concatenate %slice3A_15, %slice3A_17 in 0 : vector<32x128xf32>, vector<32x128xf32> -> vector<64x128xf32>
    %concatenate3A_20 = tpu.concatenate %slice3A_16, %slice3A_18 in 0 : vector<32x128xf32>, vector<32x128xf32> -> vector<64x128xf32>
    %slice3A_21 = vector.extract_strided_slice %concatenate3A_10 {offsets = [128, 0], sizes = [64, 128], strides = [1, 1]} : vector<256x128xf32> to vector<64x128xf32>
    %slice3A_22 = vector.extract_strided_slice %concatenate3A_10 {offsets = [192, 0], sizes = [64, 128], strides = [1, 1]} : vector<256x128xf32> to vector<64x128xf32>
    %min3A_23 = arith.minimumf %slice3A_21, %slice3A_22 : vector<64x128xf32>
    %max3A_24 = arith.maximumf %slice3A_21, %slice3A_22 : vector<64x128xf32>
    %slice3A_25 = vector.extract_strided_slice %max3A_24 {offsets = [0, 0], sizes = [32, 128], strides = [1, 1]} : vector<64x128xf32> to vector<32x128xf32>
    %slice3A_26 = vector.extract_strided_slice %min3A_23 {offsets = [0, 0], sizes = [32, 128], strides = [1, 1]} : vector<64x128xf32> to vector<32x128xf32>
    %slice3A_27 = vector.extract_strided_slice %min3A_23 {offsets = [32, 0], sizes = [32, 128], strides = [1, 1]} : vector<64x128xf32> to vector<32x128xf32>
    %slice3A_28 = vector.extract_strided_slice %max3A_24 {offsets = [32, 0], sizes = [32, 128], strides = [1, 1]} : vector<64x128xf32> to vector<32x128xf32>
    %concatenate3A_29 = tpu.concatenate %slice3A_25, %slice3A_27 in 0 : vector<32x128xf32>, vector<32x128xf32> -> vector<64x128xf32>
    %concatenate3A_30 = tpu.concatenate %slice3A_26, %slice3A_28 in 0 : vector<32x128xf32>, vector<32x128xf32> -> vector<64x128xf32>
    %concatenate3A_31 = tpu.concatenate %concatenate3A_19, %concatenate3A_20, %concatenate3A_29, %concatenate3A_30 in 0 : vector<64x128xf32>, vector<64x128xf32>, vector<64x128xf32>, vector<64x128xf32> -> vector<256x128xf32>
    %slice3A_32 = vector.extract_strided_slice %concatenate3A_31 {offsets = [0, 0], sizes = [128, 128], strides = [1, 1]} : vector<256x128xf32> to vector<128x128xf32>
    %slice3A_33 = vector.extract_strided_slice %concatenate3A_31 {offsets = [128, 0], sizes = [128, 128], strides = [1, 1]} : vector<256x128xf32> to vector<128x128xf32>
    %min3A_34 = arith.minimumf %slice3A_32, %slice3A_33 : vector<128x128xf32>
    %max3A_35 = arith.maximumf %slice3A_32, %slice3A_33 : vector<128x128xf32>
    %slice3A_36 = vector.extract_strided_slice %max3A_35 {offsets = [0, 0], sizes = [32, 128], strides = [1, 1]} : vector<128x128xf32> to vector<32x128xf32>
    %slice3A_37 = vector.extract_strided_slice %min3A_34 {offsets = [0, 0], sizes = [32, 128], strides = [1, 1]} : vector<128x128xf32> to vector<32x128xf32>
    %slice3A_38 = vector.extract_strided_slice %min3A_34 {offsets = [32, 0], sizes = [32, 128], strides = [1, 1]} : vector<128x128xf32> to vector<32x128xf32>
    %slice3A_39 = vector.extract_strided_slice %max3A_35 {offsets = [32, 0], sizes = [32, 128], strides = [1, 1]} : vector<128x128xf32> to vector<32x128xf32>
    %slice3A_40 = vector.extract_strided_slice %max3A_35 {offsets = [64, 0], sizes = [32, 128], strides = [1, 1]} : vector<128x128xf32> to vector<32x128xf32>
    %slice3A_41 = vector.extract_strided_slice %min3A_34 {offsets = [64, 0], sizes = [32, 128], strides = [1, 1]} : vector<128x128xf32> to vector<32x128xf32>
    %slice3A_42 = vector.extract_strided_slice %min3A_34 {offsets = [96, 0], sizes = [32, 128], strides = [1, 1]} : vector<128x128xf32> to vector<32x128xf32>
    %slice3A_43 = vector.extract_strided_slice %max3A_35 {offsets = [96, 0], sizes = [32, 128], strides = [1, 1]} : vector<128x128xf32> to vector<32x128xf32>
    %concatenate3A_44 = tpu.concatenate %slice3A_36, %slice3A_38, %slice3A_40, %slice3A_42 in 0 : vector<32x128xf32>, vector<32x128xf32>, vector<32x128xf32>, vector<32x128xf32> -> vector<128x128xf32>
    %concatenate3A_45 = tpu.concatenate %slice3A_37, %slice3A_39, %slice3A_41, %slice3A_43 in 0 : vector<32x128xf32>, vector<32x128xf32>, vector<32x128xf32>, vector<32x128xf32> -> vector<128x128xf32>
    %concatenate3A_46 = tpu.concatenate %concatenate3A_44, %concatenate3A_45 in 0 : vector<128x128xf32>, vector<128x128xf32> -> vector<256x128xf32>
    %slice3A_47 = vector.extract_strided_slice %concatenate3A_46 {offsets = [0, 0], sizes = [32, 128], strides = [1, 1]} : vector<256x128xf32> to vector<32x128xf32>
    %slice3A_48 = vector.extract_strided_slice %concatenate3A_46 {offsets = [32, 0], sizes = [32, 128], strides = [1, 1]} : vector<256x128xf32> to vector<32x128xf32>
    %min3A_49 = arith.minimumf %slice3A_47, %slice3A_48 : vector<32x128xf32>
    %max3A_50 = arith.maximumf %slice3A_47, %slice3A_48 : vector<32x128xf32>
    %slice3A_51 = vector.extract_strided_slice %max3A_50 {offsets = [0, 0], sizes = [16, 128], strides = [1, 1]} : vector<32x128xf32> to vector<16x128xf32>
    %slice3A_52 = vector.extract_strided_slice %min3A_49 {offsets = [0, 0], sizes = [16, 128], strides = [1, 1]} : vector<32x128xf32> to vector<16x128xf32>
    %slice3A_53 = vector.extract_strided_slice %min3A_49 {offsets = [16, 0], sizes = [16, 128], strides = [1, 1]} : vector<32x128xf32> to vector<16x128xf32>
    %slice3A_54 = vector.extract_strided_slice %max3A_50 {offsets = [16, 0], sizes = [16, 128], strides = [1, 1]} : vector<32x128xf32> to vector<16x128xf32>
    %concatenate3A_55 = tpu.concatenate %slice3A_51, %slice3A_53 in 0 : vector<16x128xf32>, vector<16x128xf32> -> vector<32x128xf32>
    %concatenate3A_56 = tpu.concatenate %slice3A_52, %slice3A_54 in 0 : vector<16x128xf32>, vector<16x128xf32> -> vector<32x128xf32>
    %slice3A_57 = vector.extract_strided_slice %concatenate3A_46 {offsets = [64, 0], sizes = [32, 128], strides = [1, 1]} : vector<256x128xf32> to vector<32x128xf32>
    %slice3A_58 = vector.extract_strided_slice %concatenate3A_46 {offsets = [96, 0], sizes = [32, 128], strides = [1, 1]} : vector<256x128xf32> to vector<32x128xf32>
    %min3A_59 = arith.minimumf %slice3A_57, %slice3A_58 : vector<32x128xf32>
    %max3A_60 = arith.maximumf %slice3A_57, %slice3A_58 : vector<32x128xf32>
    %slice3A_61 = vector.extract_strided_slice %max3A_60 {offsets = [0, 0], sizes = [16, 128], strides = [1, 1]} : vector<32x128xf32> to vector<16x128xf32>
    %slice3A_62 = vector.extract_strided_slice %min3A_59 {offsets = [0, 0], sizes = [16, 128], strides = [1, 1]} : vector<32x128xf32> to vector<16x128xf32>
    %slice3A_63 = vector.extract_strided_slice %min3A_59 {offsets = [16, 0], sizes = [16, 128], strides = [1, 1]} : vector<32x128xf32> to vector<16x128xf32>
    %slice3A_64 = vector.extract_strided_slice %max3A_60 {offsets = [16, 0], sizes = [16, 128], strides = [1, 1]} : vector<32x128xf32> to vector<16x128xf32>
    %concatenate3A_65 = tpu.concatenate %slice3A_61, %slice3A_63 in 0 : vector<16x128xf32>, vector<16x128xf32> -> vector<32x128xf32>
    %concatenate3A_66 = tpu.concatenate %slice3A_62, %slice3A_64 in 0 : vector<16x128xf32>, vector<16x128xf32> -> vector<32x128xf32>
    %slice3A_67 = vector.extract_strided_slice %concatenate3A_46 {offsets = [128, 0], sizes = [32, 128], strides = [1, 1]} : vector<256x128xf32> to vector<32x128xf32>
    %slice3A_68 = vector.extract_strided_slice %concatenate3A_46 {offsets = [160, 0], sizes = [32, 128], strides = [1, 1]} : vector<256x128xf32> to vector<32x128xf32>
    %min3A_69 = arith.minimumf %slice3A_67, %slice3A_68 : vector<32x128xf32>
    %max3A_70 = arith.maximumf %slice3A_67, %slice3A_68 : vector<32x128xf32>
    %slice3A_71 = vector.extract_strided_slice %max3A_70 {offsets = [0, 0], sizes = [16, 128], strides = [1, 1]} : vector<32x128xf32> to vector<16x128xf32>
    %slice3A_72 = vector.extract_strided_slice %min3A_69 {offsets = [0, 0], sizes = [16, 128], strides = [1, 1]} : vector<32x128xf32> to vector<16x128xf32>
    %slice3A_73 = vector.extract_strided_slice %min3A_69 {offsets = [16, 0], sizes = [16, 128], strides = [1, 1]} : vector<32x128xf32> to vector<16x128xf32>
    %slice3A_74 = vector.extract_strided_slice %max3A_70 {offsets = [16, 0], sizes = [16, 128], strides = [1, 1]} : vector<32x128xf32> to vector<16x128xf32>
    %concatenate3A_75 = tpu.concatenate %slice3A_71, %slice3A_73 in 0 : vector<16x128xf32>, vector<16x128xf32> -> vector<32x128xf32>
    %concatenate3A_76 = tpu.concatenate %slice3A_72, %slice3A_74 in 0 : vector<16x128xf32>, vector<16x128xf32> -> vector<32x128xf32>
    %slice3A_77 = vector.extract_strided_slice %concatenate3A_46 {offsets = [192, 0], sizes = [32, 128], strides = [1, 1]} : vector<256x128xf32> to vector<32x128xf32>
    %slice3A_78 = vector.extract_strided_slice %concatenate3A_46 {offsets = [224, 0], sizes = [32, 128], strides = [1, 1]} : vector<256x128xf32> to vector<32x128xf32>
    %min3A_79 = arith.minimumf %slice3A_77, %slice3A_78 : vector<32x128xf32>
    %max3A_80 = arith.maximumf %slice3A_77, %slice3A_78 : vector<32x128xf32>
    %slice3A_81 = vector.extract_strided_slice %max3A_80 {offsets = [0, 0], sizes = [16, 128], strides = [1, 1]} : vector<32x128xf32> to vector<16x128xf32>
    %slice3A_82 = vector.extract_strided_slice %min3A_79 {offsets = [0, 0], sizes = [16, 128], strides = [1, 1]} : vector<32x128xf32> to vector<16x128xf32>
    %slice3A_83 = vector.extract_strided_slice %min3A_79 {offsets = [16, 0], sizes = [16, 128], strides = [1, 1]} : vector<32x128xf32> to vector<16x128xf32>
    %slice3A_84 = vector.extract_strided_slice %max3A_80 {offsets = [16, 0], sizes = [16, 128], strides = [1, 1]} : vector<32x128xf32> to vector<16x128xf32>
    %concatenate3A_85 = tpu.concatenate %slice3A_81, %slice3A_83 in 0 : vector<16x128xf32>, vector<16x128xf32> -> vector<32x128xf32>
    %concatenate3A_86 = tpu.concatenate %slice3A_82, %slice3A_84 in 0 : vector<16x128xf32>, vector<16x128xf32> -> vector<32x128xf32>
    %concatenate3A_87 = tpu.concatenate %concatenate3A_55, %concatenate3A_56, %concatenate3A_65, %concatenate3A_66, %concatenate3A_75, %concatenate3A_76, %concatenate3A_85, %concatenate3A_86 in 0 : vector<32x128xf32>, vector<32x128xf32>, vector<32x128xf32>, vector<32x128xf32>, vector<32x128xf32>, vector<32x128xf32>, vector<32x128xf32>, vector<32x128xf32> -> vector<256x128xf32>
    %slice3A_88 = vector.extract_strided_slice %concatenate3A_87 {offsets = [0, 0], sizes = [64, 128], strides = [1, 1]} : vector<256x128xf32> to vector<64x128xf32>
    %slice3A_89 = vector.extract_strided_slice %concatenate3A_87 {offsets = [64, 0], sizes = [64, 128], strides = [1, 1]} : vector<256x128xf32> to vector<64x128xf32>
    %min3A_90 = arith.minimumf %slice3A_88, %slice3A_89 : vector<64x128xf32>
    %max3A_91 = arith.maximumf %slice3A_88, %slice3A_89 : vector<64x128xf32>
    %slice3A_92 = vector.extract_strided_slice %max3A_91 {offsets = [0, 0], sizes = [16, 128], strides = [1, 1]} : vector<64x128xf32> to vector<16x128xf32>
    %slice3A_93 = vector.extract_strided_slice %min3A_90 {offsets = [0, 0], sizes = [16, 128], strides = [1, 1]} : vector<64x128xf32> to vector<16x128xf32>
    %slice3A_94 = vector.extract_strided_slice %min3A_90 {offsets = [16, 0], sizes = [16, 128], strides = [1, 1]} : vector<64x128xf32> to vector<16x128xf32>
    %slice3A_95 = vector.extract_strided_slice %max3A_91 {offsets = [16, 0], sizes = [16, 128], strides = [1, 1]} : vector<64x128xf32> to vector<16x128xf32>
    %slice3A_96 = vector.extract_strided_slice %max3A_91 {offsets = [32, 0], sizes = [16, 128], strides = [1, 1]} : vector<64x128xf32> to vector<16x128xf32>
    %slice3A_97 = vector.extract_strided_slice %min3A_90 {offsets = [32, 0], sizes = [16, 128], strides = [1, 1]} : vector<64x128xf32> to vector<16x128xf32>
    %slice3A_98 = vector.extract_strided_slice %min3A_90 {offsets = [48, 0], sizes = [16, 128], strides = [1, 1]} : vector<64x128xf32> to vector<16x128xf32>
    %slice3A_99 = vector.extract_strided_slice %max3A_91 {offsets = [48, 0], sizes = [16, 128], strides = [1, 1]} : vector<64x128xf32> to vector<16x128xf32>
    %concatenate3A_100 = tpu.concatenate %slice3A_92, %slice3A_94, %slice3A_96, %slice3A_98 in 0 : vector<16x128xf32>, vector<16x128xf32>, vector<16x128xf32>, vector<16x128xf32> -> vector<64x128xf32>
    %concatenate3A_101 = tpu.concatenate %slice3A_93, %slice3A_95, %slice3A_97, %slice3A_99 in 0 : vector<16x128xf32>, vector<16x128xf32>, vector<16x128xf32>, vector<16x128xf32> -> vector<64x128xf32>
    %slice3A_102 = vector.extract_strided_slice %concatenate3A_87 {offsets = [128, 0], sizes = [64, 128], strides = [1, 1]} : vector<256x128xf32> to vector<64x128xf32>
    %slice3A_103 = vector.extract_strided_slice %concatenate3A_87 {offsets = [192, 0], sizes = [64, 128], strides = [1, 1]} : vector<256x128xf32> to vector<64x128xf32>
    %min3A_104 = arith.minimumf %slice3A_102, %slice3A_103 : vector<64x128xf32>
    %max3A_105 = arith.maximumf %slice3A_102, %slice3A_103 : vector<64x128xf32>
    %slice3A_106 = vector.extract_strided_slice %max3A_105 {offsets = [0, 0], sizes = [16, 128], strides = [1, 1]} : vector<64x128xf32> to vector<16x128xf32>
    %slice3A_107 = vector.extract_strided_slice %min3A_104 {offsets = [0, 0], sizes = [16, 128], strides = [1, 1]} : vector<64x128xf32> to vector<16x128xf32>
    %slice3A_108 = vector.extract_strided_slice %min3A_104 {offsets = [16, 0], sizes = [16, 128], strides = [1, 1]} : vector<64x128xf32> to vector<16x128xf32>
    %slice3A_109 = vector.extract_strided_slice %max3A_105 {offsets = [16, 0], sizes = [16, 128], strides = [1, 1]} : vector<64x128xf32> to vector<16x128xf32>
    %slice3A_110 = vector.extract_strided_slice %max3A_105 {offsets = [32, 0], sizes = [16, 128], strides = [1, 1]} : vector<64x128xf32> to vector<16x128xf32>
    %slice3A_111 = vector.extract_strided_slice %min3A_104 {offsets = [32, 0], sizes = [16, 128], strides = [1, 1]} : vector<64x128xf32> to vector<16x128xf32>
    %slice3A_112 = vector.extract_strided_slice %min3A_104 {offsets = [48, 0], sizes = [16, 128], strides = [1, 1]} : vector<64x128xf32> to vector<16x128xf32>
    %slice3A_113 = vector.extract_strided_slice %max3A_105 {offsets = [48, 0], sizes = [16, 128], strides = [1, 1]} : vector<64x128xf32> to vector<16x128xf32>
    %concatenate3A_114 = tpu.concatenate %slice3A_106, %slice3A_108, %slice3A_110, %slice3A_112 in 0 : vector<16x128xf32>, vector<16x128xf32>, vector<16x128xf32>, vector<16x128xf32> -> vector<64x128xf32>
    %concatenate3A_115 = tpu.concatenate %slice3A_107, %slice3A_109, %slice3A_111, %slice3A_113 in 0 : vector<16x128xf32>, vector<16x128xf32>, vector<16x128xf32>, vector<16x128xf32> -> vector<64x128xf32>
    %concatenate3A_116 = tpu.concatenate %concatenate3A_100, %concatenate3A_101, %concatenate3A_114, %concatenate3A_115 in 0 : vector<64x128xf32>, vector<64x128xf32>, vector<64x128xf32>, vector<64x128xf32> -> vector<256x128xf32>
    %slice3A_117 = vector.extract_strided_slice %concatenate3A_116 {offsets = [0, 0], sizes = [128, 128], strides = [1, 1]} : vector<256x128xf32> to vector<128x128xf32>
    %slice3A_118 = vector.extract_strided_slice %concatenate3A_116 {offsets = [128, 0], sizes = [128, 128], strides = [1, 1]} : vector<256x128xf32> to vector<128x128xf32>
    %min3A_119 = arith.minimumf %slice3A_117, %slice3A_118 : vector<128x128xf32>
    %max3A_120 = arith.maximumf %slice3A_117, %slice3A_118 : vector<128x128xf32>
    %slice3A_121 = vector.extract_strided_slice %max3A_120 {offsets = [0, 0], sizes = [16, 128], strides = [1, 1]} : vector<128x128xf32> to vector<16x128xf32>
    %slice3A_122 = vector.extract_strided_slice %min3A_119 {offsets = [0, 0], sizes = [16, 128], strides = [1, 1]} : vector<128x128xf32> to vector<16x128xf32>
    %slice3A_123 = vector.extract_strided_slice %min3A_119 {offsets = [16, 0], sizes = [16, 128], strides = [1, 1]} : vector<128x128xf32> to vector<16x128xf32>
    %slice3A_124 = vector.extract_strided_slice %max3A_120 {offsets = [16, 0], sizes = [16, 128], strides = [1, 1]} : vector<128x128xf32> to vector<16x128xf32>
    %slice3A_125 = vector.extract_strided_slice %max3A_120 {offsets = [32, 0], sizes = [16, 128], strides = [1, 1]} : vector<128x128xf32> to vector<16x128xf32>
    %slice3A_126 = vector.extract_strided_slice %min3A_119 {offsets = [32, 0], sizes = [16, 128], strides = [1, 1]} : vector<128x128xf32> to vector<16x128xf32>
    %slice3A_127 = vector.extract_strided_slice %min3A_119 {offsets = [48, 0], sizes = [16, 128], strides = [1, 1]} : vector<128x128xf32> to vector<16x128xf32>
    %slice3A_128 = vector.extract_strided_slice %max3A_120 {offsets = [48, 0], sizes = [16, 128], strides = [1, 1]} : vector<128x128xf32> to vector<16x128xf32>
    %slice3A_129 = vector.extract_strided_slice %max3A_120 {offsets = [64, 0], sizes = [16, 128], strides = [1, 1]} : vector<128x128xf32> to vector<16x128xf32>
    %slice3A_130 = vector.extract_strided_slice %min3A_119 {offsets = [64, 0], sizes = [16, 128], strides = [1, 1]} : vector<128x128xf32> to vector<16x128xf32>
    %slice3A_131 = vector.extract_strided_slice %min3A_119 {offsets = [80, 0], sizes = [16, 128], strides = [1, 1]} : vector<128x128xf32> to vector<16x128xf32>
    %slice3A_132 = vector.extract_strided_slice %max3A_120 {offsets = [80, 0], sizes = [16, 128], strides = [1, 1]} : vector<128x128xf32> to vector<16x128xf32>
    %slice3A_133 = vector.extract_strided_slice %max3A_120 {offsets = [96, 0], sizes = [16, 128], strides = [1, 1]} : vector<128x128xf32> to vector<16x128xf32>
    %slice3A_134 = vector.extract_strided_slice %min3A_119 {offsets = [96, 0], sizes = [16, 128], strides = [1, 1]} : vector<128x128xf32> to vector<16x128xf32>
    %slice3A_135 = vector.extract_strided_slice %min3A_119 {offsets = [112, 0], sizes = [16, 128], strides = [1, 1]} : vector<128x128xf32> to vector<16x128xf32>
    %slice3A_136 = vector.extract_strided_slice %max3A_120 {offsets = [112, 0], sizes = [16, 128], strides = [1, 1]} : vector<128x128xf32> to vector<16x128xf32>
    %concatenate3A_137 = tpu.concatenate %slice3A_121, %slice3A_123, %slice3A_125, %slice3A_127, %slice3A_129, %slice3A_131, %slice3A_133, %slice3A_135 in 0 : vector<16x128xf32>, vector<16x128xf32>, vector<16x128xf32>, vector<16x128xf32>, vector<16x128xf32>, vector<16x128xf32>, vector<16x128xf32>, vector<16x128xf32> -> vector<128x128xf32>
    %concatenate3A_138 = tpu.concatenate %slice3A_122, %slice3A_124, %slice3A_126, %slice3A_128, %slice3A_130, %slice3A_132, %slice3A_134, %slice3A_136 in 0 : vector<16x128xf32>, vector<16x128xf32>, vector<16x128xf32>, vector<16x128xf32>, vector<16x128xf32>, vector<16x128xf32>, vector<16x128xf32>, vector<16x128xf32> -> vector<128x128xf32>
    %concatenate3A_139 = tpu.concatenate %concatenate3A_137, %concatenate3A_138 in 0 : vector<128x128xf32>, vector<128x128xf32> -> vector<256x128xf32>
    %slice3A_140 = vector.extract_strided_slice %concatenate3A_139 {offsets = [0, 0], sizes = [16, 128], strides = [1, 1]} : vector<256x128xf32> to vector<16x128xf32>
    %slice3A_141 = vector.extract_strided_slice %concatenate3A_139 {offsets = [16, 0], sizes = [16, 128], strides = [1, 1]} : vector<256x128xf32> to vector<16x128xf32>
    %min3A_142 = arith.minimumf %slice3A_140, %slice3A_141 : vector<16x128xf32>
    %max3A_143 = arith.maximumf %slice3A_140, %slice3A_141 : vector<16x128xf32>
    %slice3A_144 = vector.extract_strided_slice %max3A_143 {offsets = [0, 0], sizes = [8, 128], strides = [1, 1]} : vector<16x128xf32> to vector<8x128xf32>
    %slice3A_145 = vector.extract_strided_slice %min3A_142 {offsets = [0, 0], sizes = [8, 128], strides = [1, 1]} : vector<16x128xf32> to vector<8x128xf32>
    %slice3A_146 = vector.extract_strided_slice %min3A_142 {offsets = [8, 0], sizes = [8, 128], strides = [1, 1]} : vector<16x128xf32> to vector<8x128xf32>
    %slice3A_147 = vector.extract_strided_slice %max3A_143 {offsets = [8, 0], sizes = [8, 128], strides = [1, 1]} : vector<16x128xf32> to vector<8x128xf32>
    %concatenate3A_148 = tpu.concatenate %slice3A_144, %slice3A_146 in 0 : vector<8x128xf32>, vector<8x128xf32> -> vector<16x128xf32>
    %concatenate3A_149 = tpu.concatenate %slice3A_145, %slice3A_147 in 0 : vector<8x128xf32>, vector<8x128xf32> -> vector<16x128xf32>
    %slice3A_150 = vector.extract_strided_slice %concatenate3A_139 {offsets = [32, 0], sizes = [16, 128], strides = [1, 1]} : vector<256x128xf32> to vector<16x128xf32>
    %slice3A_151 = vector.extract_strided_slice %concatenate3A_139 {offsets = [48, 0], sizes = [16, 128], strides = [1, 1]} : vector<256x128xf32> to vector<16x128xf32>
    %min3A_152 = arith.minimumf %slice3A_150, %slice3A_151 : vector<16x128xf32>
    %max3A_153 = arith.maximumf %slice3A_150, %slice3A_151 : vector<16x128xf32>
    %slice3A_154 = vector.extract_strided_slice %max3A_153 {offsets = [0, 0], sizes = [8, 128], strides = [1, 1]} : vector<16x128xf32> to vector<8x128xf32>
    %slice3A_155 = vector.extract_strided_slice %min3A_152 {offsets = [0, 0], sizes = [8, 128], strides = [1, 1]} : vector<16x128xf32> to vector<8x128xf32>
    %slice3A_156 = vector.extract_strided_slice %min3A_152 {offsets = [8, 0], sizes = [8, 128], strides = [1, 1]} : vector<16x128xf32> to vector<8x128xf32>
    %slice3A_157 = vector.extract_strided_slice %max3A_153 {offsets = [8, 0], sizes = [8, 128], strides = [1, 1]} : vector<16x128xf32> to vector<8x128xf32>
    %concatenate3A_158 = tpu.concatenate %slice3A_154, %slice3A_156 in 0 : vector<8x128xf32>, vector<8x128xf32> -> vector<16x128xf32>
    %concatenate3A_159 = tpu.concatenate %slice3A_155, %slice3A_157 in 0 : vector<8x128xf32>, vector<8x128xf32> -> vector<16x128xf32>
    %slice3A_160 = vector.extract_strided_slice %concatenate3A_139 {offsets = [64, 0], sizes = [16, 128], strides = [1, 1]} : vector<256x128xf32> to vector<16x128xf32>
    %slice3A_161 = vector.extract_strided_slice %concatenate3A_139 {offsets = [80, 0], sizes = [16, 128], strides = [1, 1]} : vector<256x128xf32> to vector<16x128xf32>
    %min3A_162 = arith.minimumf %slice3A_160, %slice3A_161 : vector<16x128xf32>
    %max3A_163 = arith.maximumf %slice3A_160, %slice3A_161 : vector<16x128xf32>
    %slice3A_164 = vector.extract_strided_slice %max3A_163 {offsets = [0, 0], sizes = [8, 128], strides = [1, 1]} : vector<16x128xf32> to vector<8x128xf32>
    %slice3A_165 = vector.extract_strided_slice %min3A_162 {offsets = [0, 0], sizes = [8, 128], strides = [1, 1]} : vector<16x128xf32> to vector<8x128xf32>
    %slice3A_166 = vector.extract_strided_slice %min3A_162 {offsets = [8, 0], sizes = [8, 128], strides = [1, 1]} : vector<16x128xf32> to vector<8x128xf32>
    %slice3A_167 = vector.extract_strided_slice %max3A_163 {offsets = [8, 0], sizes = [8, 128], strides = [1, 1]} : vector<16x128xf32> to vector<8x128xf32>
    %concatenate3A_168 = tpu.concatenate %slice3A_164, %slice3A_166 in 0 : vector<8x128xf32>, vector<8x128xf32> -> vector<16x128xf32>
    %concatenate3A_169 = tpu.concatenate %slice3A_165, %slice3A_167 in 0 : vector<8x128xf32>, vector<8x128xf32> -> vector<16x128xf32>
    %slice3A_170 = vector.extract_strided_slice %concatenate3A_139 {offsets = [96, 0], sizes = [16, 128], strides = [1, 1]} : vector<256x128xf32> to vector<16x128xf32>
    %slice3A_171 = vector.extract_strided_slice %concatenate3A_139 {offsets = [112, 0], sizes = [16, 128], strides = [1, 1]} : vector<256x128xf32> to vector<16x128xf32>
    %min3A_172 = arith.minimumf %slice3A_170, %slice3A_171 : vector<16x128xf32>
    %max3A_173 = arith.maximumf %slice3A_170, %slice3A_171 : vector<16x128xf32>
    %slice3A_174 = vector.extract_strided_slice %max3A_173 {offsets = [0, 0], sizes = [8, 128], strides = [1, 1]} : vector<16x128xf32> to vector<8x128xf32>
    %slice3A_175 = vector.extract_strided_slice %min3A_172 {offsets = [0, 0], sizes = [8, 128], strides = [1, 1]} : vector<16x128xf32> to vector<8x128xf32>
    %slice3A_176 = vector.extract_strided_slice %min3A_172 {offsets = [8, 0], sizes = [8, 128], strides = [1, 1]} : vector<16x128xf32> to vector<8x128xf32>
    %slice3A_177 = vector.extract_strided_slice %max3A_173 {offsets = [8, 0], sizes = [8, 128], strides = [1, 1]} : vector<16x128xf32> to vector<8x128xf32>
    %concatenate3A_178 = tpu.concatenate %slice3A_174, %slice3A_176 in 0 : vector<8x128xf32>, vector<8x128xf32> -> vector<16x128xf32>
    %concatenate3A_179 = tpu.concatenate %slice3A_175, %slice3A_177 in 0 : vector<8x128xf32>, vector<8x128xf32> -> vector<16x128xf32>
    %slice3A_180 = vector.extract_strided_slice %concatenate3A_139 {offsets = [128, 0], sizes = [16, 128], strides = [1, 1]} : vector<256x128xf32> to vector<16x128xf32>
    %slice3A_181 = vector.extract_strided_slice %concatenate3A_139 {offsets = [144, 0], sizes = [16, 128], strides = [1, 1]} : vector<256x128xf32> to vector<16x128xf32>
    %min3A_182 = arith.minimumf %slice3A_180, %slice3A_181 : vector<16x128xf32>
    %max3A_183 = arith.maximumf %slice3A_180, %slice3A_181 : vector<16x128xf32>
    %slice3A_184 = vector.extract_strided_slice %max3A_183 {offsets = [0, 0], sizes = [8, 128], strides = [1, 1]} : vector<16x128xf32> to vector<8x128xf32>
    %slice3A_185 = vector.extract_strided_slice %min3A_182 {offsets = [0, 0], sizes = [8, 128], strides = [1, 1]} : vector<16x128xf32> to vector<8x128xf32>
    %slice3A_186 = vector.extract_strided_slice %min3A_182 {offsets = [8, 0], sizes = [8, 128], strides = [1, 1]} : vector<16x128xf32> to vector<8x128xf32>
    %slice3A_187 = vector.extract_strided_slice %max3A_183 {offsets = [8, 0], sizes = [8, 128], strides = [1, 1]} : vector<16x128xf32> to vector<8x128xf32>
    %concatenate3A_188 = tpu.concatenate %slice3A_184, %slice3A_186 in 0 : vector<8x128xf32>, vector<8x128xf32> -> vector<16x128xf32>
    %concatenate3A_189 = tpu.concatenate %slice3A_185, %slice3A_187 in 0 : vector<8x128xf32>, vector<8x128xf32> -> vector<16x128xf32>
    %slice3A_190 = vector.extract_strided_slice %concatenate3A_139 {offsets = [160, 0], sizes = [16, 128], strides = [1, 1]} : vector<256x128xf32> to vector<16x128xf32>
    %slice3A_191 = vector.extract_strided_slice %concatenate3A_139 {offsets = [176, 0], sizes = [16, 128], strides = [1, 1]} : vector<256x128xf32> to vector<16x128xf32>
    %min3A_192 = arith.minimumf %slice3A_190, %slice3A_191 : vector<16x128xf32>
    %max3A_193 = arith.maximumf %slice3A_190, %slice3A_191 : vector<16x128xf32>
    %slice3A_194 = vector.extract_strided_slice %max3A_193 {offsets = [0, 0], sizes = [8, 128], strides = [1, 1]} : vector<16x128xf32> to vector<8x128xf32>
    %slice3A_195 = vector.extract_strided_slice %min3A_192 {offsets = [0, 0], sizes = [8, 128], strides = [1, 1]} : vector<16x128xf32> to vector<8x128xf32>
    %slice3A_196 = vector.extract_strided_slice %min3A_192 {offsets = [8, 0], sizes = [8, 128], strides = [1, 1]} : vector<16x128xf32> to vector<8x128xf32>
    %slice3A_197 = vector.extract_strided_slice %max3A_193 {offsets = [8, 0], sizes = [8, 128], strides = [1, 1]} : vector<16x128xf32> to vector<8x128xf32>
    %concatenate3A_198 = tpu.concatenate %slice3A_194, %slice3A_196 in 0 : vector<8x128xf32>, vector<8x128xf32> -> vector<16x128xf32>
    %concatenate3A_199 = tpu.concatenate %slice3A_195, %slice3A_197 in 0 : vector<8x128xf32>, vector<8x128xf32> -> vector<16x128xf32>
    %slice3A_200 = vector.extract_strided_slice %concatenate3A_139 {offsets = [192, 0], sizes = [16, 128], strides = [1, 1]} : vector<256x128xf32> to vector<16x128xf32>
    %slice3A_201 = vector.extract_strided_slice %concatenate3A_139 {offsets = [208, 0], sizes = [16, 128], strides = [1, 1]} : vector<256x128xf32> to vector<16x128xf32>
    %min3A_202 = arith.minimumf %slice3A_200, %slice3A_201 : vector<16x128xf32>
    %max3A_203 = arith.maximumf %slice3A_200, %slice3A_201 : vector<16x128xf32>
    %slice3A_204 = vector.extract_strided_slice %max3A_203 {offsets = [0, 0], sizes = [8, 128], strides = [1, 1]} : vector<16x128xf32> to vector<8x128xf32>
    %slice3A_205 = vector.extract_strided_slice %min3A_202 {offsets = [0, 0], sizes = [8, 128], strides = [1, 1]} : vector<16x128xf32> to vector<8x128xf32>
    %slice3A_206 = vector.extract_strided_slice %min3A_202 {offsets = [8, 0], sizes = [8, 128], strides = [1, 1]} : vector<16x128xf32> to vector<8x128xf32>
    %slice3A_207 = vector.extract_strided_slice %max3A_203 {offsets = [8, 0], sizes = [8, 128], strides = [1, 1]} : vector<16x128xf32> to vector<8x128xf32>
    %concatenate3A_208 = tpu.concatenate %slice3A_204, %slice3A_206 in 0 : vector<8x128xf32>, vector<8x128xf32> -> vector<16x128xf32>
    %concatenate3A_209 = tpu.concatenate %slice3A_205, %slice3A_207 in 0 : vector<8x128xf32>, vector<8x128xf32> -> vector<16x128xf32>
    %slice3A_210 = vector.extract_strided_slice %concatenate3A_139 {offsets = [224, 0], sizes = [16, 128], strides = [1, 1]} : vector<256x128xf32> to vector<16x128xf32>
    %slice3A_211 = vector.extract_strided_slice %concatenate3A_139 {offsets = [240, 0], sizes = [16, 128], strides = [1, 1]} : vector<256x128xf32> to vector<16x128xf32>
    %min3A_212 = arith.minimumf %slice3A_210, %slice3A_211 : vector<16x128xf32>
    %max3A_213 = arith.maximumf %slice3A_210, %slice3A_211 : vector<16x128xf32>
    %slice3A_214 = vector.extract_strided_slice %max3A_213 {offsets = [0, 0], sizes = [8, 128], strides = [1, 1]} : vector<16x128xf32> to vector<8x128xf32>
    %slice3A_215 = vector.extract_strided_slice %min3A_212 {offsets = [0, 0], sizes = [8, 128], strides = [1, 1]} : vector<16x128xf32> to vector<8x128xf32>
    %slice3A_216 = vector.extract_strided_slice %min3A_212 {offsets = [8, 0], sizes = [8, 128], strides = [1, 1]} : vector<16x128xf32> to vector<8x128xf32>
    %slice3A_217 = vector.extract_strided_slice %max3A_213 {offsets = [8, 0], sizes = [8, 128], strides = [1, 1]} : vector<16x128xf32> to vector<8x128xf32>
    %concatenate3A_218 = tpu.concatenate %slice3A_214, %slice3A_216 in 0 : vector<8x128xf32>, vector<8x128xf32> -> vector<16x128xf32>
    %concatenate3A_219 = tpu.concatenate %slice3A_215, %slice3A_217 in 0 : vector<8x128xf32>, vector<8x128xf32> -> vector<16x128xf32>
    %concatenate3A_220 = tpu.concatenate %concatenate3A_148, %concatenate3A_149, %concatenate3A_158, %concatenate3A_159, %concatenate3A_168, %concatenate3A_169, %concatenate3A_178, %concatenate3A_179, %concatenate3A_188, %concatenate3A_189, %concatenate3A_198, %concatenate3A_199, %concatenate3A_208, %concatenate3A_209, %concatenate3A_218, %concatenate3A_219 in 0 : vector<16x128xf32>, vector<16x128xf32>, vector<16x128xf32>, vector<16x128xf32>, vector<16x128xf32>, vector<16x128xf32>, vector<16x128xf32>, vector<16x128xf32>, vector<16x128xf32>, vector<16x128xf32>, vector<16x128xf32>, vector<16x128xf32>, vector<16x128xf32>, vector<16x128xf32>, vector<16x128xf32>, vector<16x128xf32> -> vector<256x128xf32>
    %slice3A_221 = vector.extract_strided_slice %concatenate3A_220 {offsets = [0, 0], sizes = [32, 128], strides = [1, 1]} : vector<256x128xf32> to vector<32x128xf32>
    %slice3A_222 = vector.extract_strided_slice %concatenate3A_220 {offsets = [32, 0], sizes = [32, 128], strides = [1, 1]} : vector<256x128xf32> to vector<32x128xf32>
    %min3A_223 = arith.minimumf %slice3A_221, %slice3A_222 : vector<32x128xf32>
    %max3A_224 = arith.maximumf %slice3A_221, %slice3A_222 : vector<32x128xf32>
    %slice3A_225 = vector.extract_strided_slice %max3A_224 {offsets = [0, 0], sizes = [8, 128], strides = [1, 1]} : vector<32x128xf32> to vector<8x128xf32>
    %slice3A_226 = vector.extract_strided_slice %min3A_223 {offsets = [0, 0], sizes = [8, 128], strides = [1, 1]} : vector<32x128xf32> to vector<8x128xf32>
    %slice3A_227 = vector.extract_strided_slice %min3A_223 {offsets = [8, 0], sizes = [8, 128], strides = [1, 1]} : vector<32x128xf32> to vector<8x128xf32>
    %slice3A_228 = vector.extract_strided_slice %max3A_224 {offsets = [8, 0], sizes = [8, 128], strides = [1, 1]} : vector<32x128xf32> to vector<8x128xf32>
    %slice3A_229 = vector.extract_strided_slice %max3A_224 {offsets = [16, 0], sizes = [8, 128], strides = [1, 1]} : vector<32x128xf32> to vector<8x128xf32>
    %slice3A_230 = vector.extract_strided_slice %min3A_223 {offsets = [16, 0], sizes = [8, 128], strides = [1, 1]} : vector<32x128xf32> to vector<8x128xf32>
    %slice3A_231 = vector.extract_strided_slice %min3A_223 {offsets = [24, 0], sizes = [8, 128], strides = [1, 1]} : vector<32x128xf32> to vector<8x128xf32>
    %slice3A_232 = vector.extract_strided_slice %max3A_224 {offsets = [24, 0], sizes = [8, 128], strides = [1, 1]} : vector<32x128xf32> to vector<8x128xf32>
    %concatenate3A_233 = tpu.concatenate %slice3A_225, %slice3A_227, %slice3A_229, %slice3A_231 in 0 : vector<8x128xf32>, vector<8x128xf32>, vector<8x128xf32>, vector<8x128xf32> -> vector<32x128xf32>
    %concatenate3A_234 = tpu.concatenate %slice3A_226, %slice3A_228, %slice3A_230, %slice3A_232 in 0 : vector<8x128xf32>, vector<8x128xf32>, vector<8x128xf32>, vector<8x128xf32> -> vector<32x128xf32>
    %slice3A_235 = vector.extract_strided_slice %concatenate3A_220 {offsets = [64, 0], sizes = [32, 128], strides = [1, 1]} : vector<256x128xf32> to vector<32x128xf32>
    %slice3A_236 = vector.extract_strided_slice %concatenate3A_220 {offsets = [96, 0], sizes = [32, 128], strides = [1, 1]} : vector<256x128xf32> to vector<32x128xf32>
    %min3A_237 = arith.minimumf %slice3A_235, %slice3A_236 : vector<32x128xf32>
    %max3A_238 = arith.maximumf %slice3A_235, %slice3A_236 : vector<32x128xf32>
    %slice3A_239 = vector.extract_strided_slice %max3A_238 {offsets = [0, 0], sizes = [8, 128], strides = [1, 1]} : vector<32x128xf32> to vector<8x128xf32>
    %slice3A_240 = vector.extract_strided_slice %min3A_237 {offsets = [0, 0], sizes = [8, 128], strides = [1, 1]} : vector<32x128xf32> to vector<8x128xf32>
    %slice3A_241 = vector.extract_strided_slice %min3A_237 {offsets = [8, 0], sizes = [8, 128], strides = [1, 1]} : vector<32x128xf32> to vector<8x128xf32>
    %slice3A_242 = vector.extract_strided_slice %max3A_238 {offsets = [8, 0], sizes = [8, 128], strides = [1, 1]} : vector<32x128xf32> to vector<8x128xf32>
    %slice3A_243 = vector.extract_strided_slice %max3A_238 {offsets = [16, 0], sizes = [8, 128], strides = [1, 1]} : vector<32x128xf32> to vector<8x128xf32>
    %slice3A_244 = vector.extract_strided_slice %min3A_237 {offsets = [16, 0], sizes = [8, 128], strides = [1, 1]} : vector<32x128xf32> to vector<8x128xf32>
    %slice3A_245 = vector.extract_strided_slice %min3A_237 {offsets = [24, 0], sizes = [8, 128], strides = [1, 1]} : vector<32x128xf32> to vector<8x128xf32>
    %slice3A_246 = vector.extract_strided_slice %max3A_238 {offsets = [24, 0], sizes = [8, 128], strides = [1, 1]} : vector<32x128xf32> to vector<8x128xf32>
    %concatenate3A_247 = tpu.concatenate %slice3A_239, %slice3A_241, %slice3A_243, %slice3A_245 in 0 : vector<8x128xf32>, vector<8x128xf32>, vector<8x128xf32>, vector<8x128xf32> -> vector<32x128xf32>
    %concatenate3A_248 = tpu.concatenate %slice3A_240, %slice3A_242, %slice3A_244, %slice3A_246 in 0 : vector<8x128xf32>, vector<8x128xf32>, vector<8x128xf32>, vector<8x128xf32> -> vector<32x128xf32>
    %slice3A_249 = vector.extract_strided_slice %concatenate3A_220 {offsets = [128, 0], sizes = [32, 128], strides = [1, 1]} : vector<256x128xf32> to vector<32x128xf32>
    %slice3A_250 = vector.extract_strided_slice %concatenate3A_220 {offsets = [160, 0], sizes = [32, 128], strides = [1, 1]} : vector<256x128xf32> to vector<32x128xf32>
    %min3A_251 = arith.minimumf %slice3A_249, %slice3A_250 : vector<32x128xf32>
    %max3A_252 = arith.maximumf %slice3A_249, %slice3A_250 : vector<32x128xf32>
    %slice3A_253 = vector.extract_strided_slice %max3A_252 {offsets = [0, 0], sizes = [8, 128], strides = [1, 1]} : vector<32x128xf32> to vector<8x128xf32>
    %slice3A_254 = vector.extract_strided_slice %min3A_251 {offsets = [0, 0], sizes = [8, 128], strides = [1, 1]} : vector<32x128xf32> to vector<8x128xf32>
    %slice3A_255 = vector.extract_strided_slice %min3A_251 {offsets = [8, 0], sizes = [8, 128], strides = [1, 1]} : vector<32x128xf32> to vector<8x128xf32>
    %slice3A_256 = vector.extract_strided_slice %max3A_252 {offsets = [8, 0], sizes = [8, 128], strides = [1, 1]} : vector<32x128xf32> to vector<8x128xf32>
    %slice3A_257 = vector.extract_strided_slice %max3A_252 {offsets = [16, 0], sizes = [8, 128], strides = [1, 1]} : vector<32x128xf32> to vector<8x128xf32>
    %slice3A_258 = vector.extract_strided_slice %min3A_251 {offsets = [16, 0], sizes = [8, 128], strides = [1, 1]} : vector<32x128xf32> to vector<8x128xf32>
    %slice3A_259 = vector.extract_strided_slice %min3A_251 {offsets = [24, 0], sizes = [8, 128], strides = [1, 1]} : vector<32x128xf32> to vector<8x128xf32>
    %slice3A_260 = vector.extract_strided_slice %max3A_252 {offsets = [24, 0], sizes = [8, 128], strides = [1, 1]} : vector<32x128xf32> to vector<8x128xf32>
    %concatenate3A_261 = tpu.concatenate %slice3A_253, %slice3A_255, %slice3A_257, %slice3A_259 in 0 : vector<8x128xf32>, vector<8x128xf32>, vector<8x128xf32>, vector<8x128xf32> -> vector<32x128xf32>
    %concatenate3A_262 = tpu.concatenate %slice3A_254, %slice3A_256, %slice3A_258, %slice3A_260 in 0 : vector<8x128xf32>, vector<8x128xf32>, vector<8x128xf32>, vector<8x128xf32> -> vector<32x128xf32>
    %slice3A_263 = vector.extract_strided_slice %concatenate3A_220 {offsets = [192, 0], sizes = [32, 128], strides = [1, 1]} : vector<256x128xf32> to vector<32x128xf32>
    %slice3A_264 = vector.extract_strided_slice %concatenate3A_220 {offsets = [224, 0], sizes = [32, 128], strides = [1, 1]} : vector<256x128xf32> to vector<32x128xf32>
    %min3A_265 = arith.minimumf %slice3A_263, %slice3A_264 : vector<32x128xf32>
    %max3A_266 = arith.maximumf %slice3A_263, %slice3A_264 : vector<32x128xf32>
    %slice3A_267 = vector.extract_strided_slice %max3A_266 {offsets = [0, 0], sizes = [8, 128], strides = [1, 1]} : vector<32x128xf32> to vector<8x128xf32>
    %slice3A_268 = vector.extract_strided_slice %min3A_265 {offsets = [0, 0], sizes = [8, 128], strides = [1, 1]} : vector<32x128xf32> to vector<8x128xf32>
    %slice3A_269 = vector.extract_strided_slice %min3A_265 {offsets = [8, 0], sizes = [8, 128], strides = [1, 1]} : vector<32x128xf32> to vector<8x128xf32>
    %slice3A_270 = vector.extract_strided_slice %max3A_266 {offsets = [8, 0], sizes = [8, 128], strides = [1, 1]} : vector<32x128xf32> to vector<8x128xf32>
    %slice3A_271 = vector.extract_strided_slice %max3A_266 {offsets = [16, 0], sizes = [8, 128], strides = [1, 1]} : vector<32x128xf32> to vector<8x128xf32>
    %slice3A_272 = vector.extract_strided_slice %min3A_265 {offsets = [16, 0], sizes = [8, 128], strides = [1, 1]} : vector<32x128xf32> to vector<8x128xf32>
    %slice3A_273 = vector.extract_strided_slice %min3A_265 {offsets = [24, 0], sizes = [8, 128], strides = [1, 1]} : vector<32x128xf32> to vector<8x128xf32>
    %slice3A_274 = vector.extract_strided_slice %max3A_266 {offsets = [24, 0], sizes = [8, 128], strides = [1, 1]} : vector<32x128xf32> to vector<8x128xf32>
    %concatenate3A_275 = tpu.concatenate %slice3A_267, %slice3A_269, %slice3A_271, %slice3A_273 in 0 : vector<8x128xf32>, vector<8x128xf32>, vector<8x128xf32>, vector<8x128xf32> -> vector<32x128xf32>
    %concatenate3A_276 = tpu.concatenate %slice3A_268, %slice3A_270, %slice3A_272, %slice3A_274 in 0 : vector<8x128xf32>, vector<8x128xf32>, vector<8x128xf32>, vector<8x128xf32> -> vector<32x128xf32>
    %concatenate3A_277 = tpu.concatenate %concatenate3A_233, %concatenate3A_234, %concatenate3A_247, %concatenate3A_248, %concatenate3A_261, %concatenate3A_262, %concatenate3A_275, %concatenate3A_276 in 0 : vector<32x128xf32>, vector<32x128xf32>, vector<32x128xf32>, vector<32x128xf32>, vector<32x128xf32>, vector<32x128xf32>, vector<32x128xf32>, vector<32x128xf32> -> vector<256x128xf32>
    %slice3A_278 = vector.extract_strided_slice %concatenate3A_277 {offsets = [0, 0], sizes = [64, 128], strides = [1, 1]} : vector<256x128xf32> to vector<64x128xf32>
    %slice3A_279 = vector.extract_strided_slice %concatenate3A_277 {offsets = [64, 0], sizes = [64, 128], strides = [1, 1]} : vector<256x128xf32> to vector<64x128xf32>
    %min3A_280 = arith.minimumf %slice3A_278, %slice3A_279 : vector<64x128xf32>
    %max3A_281 = arith.maximumf %slice3A_278, %slice3A_279 : vector<64x128xf32>
    %slice3A_282 = vector.extract_strided_slice %max3A_281 {offsets = [0, 0], sizes = [8, 128], strides = [1, 1]} : vector<64x128xf32> to vector<8x128xf32>
    %slice3A_283 = vector.extract_strided_slice %min3A_280 {offsets = [0, 0], sizes = [8, 128], strides = [1, 1]} : vector<64x128xf32> to vector<8x128xf32>
    %slice3A_284 = vector.extract_strided_slice %min3A_280 {offsets = [8, 0], sizes = [8, 128], strides = [1, 1]} : vector<64x128xf32> to vector<8x128xf32>
    %slice3A_285 = vector.extract_strided_slice %max3A_281 {offsets = [8, 0], sizes = [8, 128], strides = [1, 1]} : vector<64x128xf32> to vector<8x128xf32>
    %slice3A_286 = vector.extract_strided_slice %max3A_281 {offsets = [16, 0], sizes = [8, 128], strides = [1, 1]} : vector<64x128xf32> to vector<8x128xf32>
    %slice3A_287 = vector.extract_strided_slice %min3A_280 {offsets = [16, 0], sizes = [8, 128], strides = [1, 1]} : vector<64x128xf32> to vector<8x128xf32>
    %slice3A_288 = vector.extract_strided_slice %min3A_280 {offsets = [24, 0], sizes = [8, 128], strides = [1, 1]} : vector<64x128xf32> to vector<8x128xf32>
    %slice3A_289 = vector.extract_strided_slice %max3A_281 {offsets = [24, 0], sizes = [8, 128], strides = [1, 1]} : vector<64x128xf32> to vector<8x128xf32>
    %slice3A_290 = vector.extract_strided_slice %max3A_281 {offsets = [32, 0], sizes = [8, 128], strides = [1, 1]} : vector<64x128xf32> to vector<8x128xf32>
    %slice3A_291 = vector.extract_strided_slice %min3A_280 {offsets = [32, 0], sizes = [8, 128], strides = [1, 1]} : vector<64x128xf32> to vector<8x128xf32>
    %slice3A_292 = vector.extract_strided_slice %min3A_280 {offsets = [40, 0], sizes = [8, 128], strides = [1, 1]} : vector<64x128xf32> to vector<8x128xf32>
    %slice3A_293 = vector.extract_strided_slice %max3A_281 {offsets = [40, 0], sizes = [8, 128], strides = [1, 1]} : vector<64x128xf32> to vector<8x128xf32>
    %slice3A_294 = vector.extract_strided_slice %max3A_281 {offsets = [48, 0], sizes = [8, 128], strides = [1, 1]} : vector<64x128xf32> to vector<8x128xf32>
    %slice3A_295 = vector.extract_strided_slice %min3A_280 {offsets = [48, 0], sizes = [8, 128], strides = [1, 1]} : vector<64x128xf32> to vector<8x128xf32>
    %slice3A_296 = vector.extract_strided_slice %min3A_280 {offsets = [56, 0], sizes = [8, 128], strides = [1, 1]} : vector<64x128xf32> to vector<8x128xf32>
    %slice3A_297 = vector.extract_strided_slice %max3A_281 {offsets = [56, 0], sizes = [8, 128], strides = [1, 1]} : vector<64x128xf32> to vector<8x128xf32>
    %concatenate3A_298 = tpu.concatenate %slice3A_282, %slice3A_284, %slice3A_286, %slice3A_288, %slice3A_290, %slice3A_292, %slice3A_294, %slice3A_296 in 0 : vector<8x128xf32>, vector<8x128xf32>, vector<8x128xf32>, vector<8x128xf32>, vector<8x128xf32>, vector<8x128xf32>, vector<8x128xf32>, vector<8x128xf32> -> vector<64x128xf32>
    %concatenate3A_299 = tpu.concatenate %slice3A_283, %slice3A_285, %slice3A_287, %slice3A_289, %slice3A_291, %slice3A_293, %slice3A_295, %slice3A_297 in 0 : vector<8x128xf32>, vector<8x128xf32>, vector<8x128xf32>, vector<8x128xf32>, vector<8x128xf32>, vector<8x128xf32>, vector<8x128xf32>, vector<8x128xf32> -> vector<64x128xf32>
    %slice3A_300 = vector.extract_strided_slice %concatenate3A_277 {offsets = [128, 0], sizes = [64, 128], strides = [1, 1]} : vector<256x128xf32> to vector<64x128xf32>
    %slice3A_301 = vector.extract_strided_slice %concatenate3A_277 {offsets = [192, 0], sizes = [64, 128], strides = [1, 1]} : vector<256x128xf32> to vector<64x128xf32>
    %min3A_302 = arith.minimumf %slice3A_300, %slice3A_301 : vector<64x128xf32>
    %max3A_303 = arith.maximumf %slice3A_300, %slice3A_301 : vector<64x128xf32>
    %slice3A_304 = vector.extract_strided_slice %max3A_303 {offsets = [0, 0], sizes = [8, 128], strides = [1, 1]} : vector<64x128xf32> to vector<8x128xf32>
    %slice3A_305 = vector.extract_strided_slice %min3A_302 {offsets = [0, 0], sizes = [8, 128], strides = [1, 1]} : vector<64x128xf32> to vector<8x128xf32>
    %slice3A_306 = vector.extract_strided_slice %min3A_302 {offsets = [8, 0], sizes = [8, 128], strides = [1, 1]} : vector<64x128xf32> to vector<8x128xf32>
    %slice3A_307 = vector.extract_strided_slice %max3A_303 {offsets = [8, 0], sizes = [8, 128], strides = [1, 1]} : vector<64x128xf32> to vector<8x128xf32>
    %slice3A_308 = vector.extract_strided_slice %max3A_303 {offsets = [16, 0], sizes = [8, 128], strides = [1, 1]} : vector<64x128xf32> to vector<8x128xf32>
    %slice3A_309 = vector.extract_strided_slice %min3A_302 {offsets = [16, 0], sizes = [8, 128], strides = [1, 1]} : vector<64x128xf32> to vector<8x128xf32>
    %slice3A_310 = vector.extract_strided_slice %min3A_302 {offsets = [24, 0], sizes = [8, 128], strides = [1, 1]} : vector<64x128xf32> to vector<8x128xf32>
    %slice3A_311 = vector.extract_strided_slice %max3A_303 {offsets = [24, 0], sizes = [8, 128], strides = [1, 1]} : vector<64x128xf32> to vector<8x128xf32>
    %slice3A_312 = vector.extract_strided_slice %max3A_303 {offsets = [32, 0], sizes = [8, 128], strides = [1, 1]} : vector<64x128xf32> to vector<8x128xf32>
    %slice3A_313 = vector.extract_strided_slice %min3A_302 {offsets = [32, 0], sizes = [8, 128], strides = [1, 1]} : vector<64x128xf32> to vector<8x128xf32>
    %slice3A_314 = vector.extract_strided_slice %min3A_302 {offsets = [40, 0], sizes = [8, 128], strides = [1, 1]} : vector<64x128xf32> to vector<8x128xf32>
    %slice3A_315 = vector.extract_strided_slice %max3A_303 {offsets = [40, 0], sizes = [8, 128], strides = [1, 1]} : vector<64x128xf32> to vector<8x128xf32>
    %slice3A_316 = vector.extract_strided_slice %max3A_303 {offsets = [48, 0], sizes = [8, 128], strides = [1, 1]} : vector<64x128xf32> to vector<8x128xf32>
    %slice3A_317 = vector.extract_strided_slice %min3A_302 {offsets = [48, 0], sizes = [8, 128], strides = [1, 1]} : vector<64x128xf32> to vector<8x128xf32>
    %slice3A_318 = vector.extract_strided_slice %min3A_302 {offsets = [56, 0], sizes = [8, 128], strides = [1, 1]} : vector<64x128xf32> to vector<8x128xf32>
    %slice3A_319 = vector.extract_strided_slice %max3A_303 {offsets = [56, 0], sizes = [8, 128], strides = [1, 1]} : vector<64x128xf32> to vector<8x128xf32>
    %concatenate3A_320 = tpu.concatenate %slice3A_304, %slice3A_306, %slice3A_308, %slice3A_310, %slice3A_312, %slice3A_314, %slice3A_316, %slice3A_318 in 0 : vector<8x128xf32>, vector<8x128xf32>, vector<8x128xf32>, vector<8x128xf32>, vector<8x128xf32>, vector<8x128xf32>, vector<8x128xf32>, vector<8x128xf32> -> vector<64x128xf32>
    %concatenate3A_321 = tpu.concatenate %slice3A_305, %slice3A_307, %slice3A_309, %slice3A_311, %slice3A_313, %slice3A_315, %slice3A_317, %slice3A_319 in 0 : vector<8x128xf32>, vector<8x128xf32>, vector<8x128xf32>, vector<8x128xf32>, vector<8x128xf32>, vector<8x128xf32>, vector<8x128xf32>, vector<8x128xf32> -> vector<64x128xf32>
    %concatenate3A_322 = tpu.concatenate %concatenate3A_298, %concatenate3A_299, %concatenate3A_320, %concatenate3A_321 in 0 : vector<64x128xf32>, vector<64x128xf32>, vector<64x128xf32>, vector<64x128xf32> -> vector<256x128xf32>
    %slice3A_323 = vector.extract_strided_slice %concatenate3A_322 {offsets = [0, 0], sizes = [128, 128], strides = [1, 1]} : vector<256x128xf32> to vector<128x128xf32>
    %slice3A_324 = vector.extract_strided_slice %concatenate3A_322 {offsets = [128, 0], sizes = [128, 128], strides = [1, 1]} : vector<256x128xf32> to vector<128x128xf32>
    %min3A_325 = arith.minimumf %slice3A_323, %slice3A_324 : vector<128x128xf32>
    %max3A_326 = arith.maximumf %slice3A_323, %slice3A_324 : vector<128x128xf32>
    %slice3A_327 = vector.extract_strided_slice %max3A_326 {offsets = [0, 0], sizes = [8, 128], strides = [1, 1]} : vector<128x128xf32> to vector<8x128xf32>
    %slice3A_328 = vector.extract_strided_slice %min3A_325 {offsets = [0, 0], sizes = [8, 128], strides = [1, 1]} : vector<128x128xf32> to vector<8x128xf32>
    %slice3A_329 = vector.extract_strided_slice %min3A_325 {offsets = [8, 0], sizes = [8, 128], strides = [1, 1]} : vector<128x128xf32> to vector<8x128xf32>
    %slice3A_330 = vector.extract_strided_slice %max3A_326 {offsets = [8, 0], sizes = [8, 128], strides = [1, 1]} : vector<128x128xf32> to vector<8x128xf32>
    %slice3A_331 = vector.extract_strided_slice %max3A_326 {offsets = [16, 0], sizes = [8, 128], strides = [1, 1]} : vector<128x128xf32> to vector<8x128xf32>
    %slice3A_332 = vector.extract_strided_slice %min3A_325 {offsets = [16, 0], sizes = [8, 128], strides = [1, 1]} : vector<128x128xf32> to vector<8x128xf32>
    %slice3A_333 = vector.extract_strided_slice %min3A_325 {offsets = [24, 0], sizes = [8, 128], strides = [1, 1]} : vector<128x128xf32> to vector<8x128xf32>
    %slice3A_334 = vector.extract_strided_slice %max3A_326 {offsets = [24, 0], sizes = [8, 128], strides = [1, 1]} : vector<128x128xf32> to vector<8x128xf32>
    %slice3A_335 = vector.extract_strided_slice %max3A_326 {offsets = [32, 0], sizes = [8, 128], strides = [1, 1]} : vector<128x128xf32> to vector<8x128xf32>
    %slice3A_336 = vector.extract_strided_slice %min3A_325 {offsets = [32, 0], sizes = [8, 128], strides = [1, 1]} : vector<128x128xf32> to vector<8x128xf32>
    %slice3A_337 = vector.extract_strided_slice %min3A_325 {offsets = [40, 0], sizes = [8, 128], strides = [1, 1]} : vector<128x128xf32> to vector<8x128xf32>
    %slice3A_338 = vector.extract_strided_slice %max3A_326 {offsets = [40, 0], sizes = [8, 128], strides = [1, 1]} : vector<128x128xf32> to vector<8x128xf32>
    %slice3A_339 = vector.extract_strided_slice %max3A_326 {offsets = [48, 0], sizes = [8, 128], strides = [1, 1]} : vector<128x128xf32> to vector<8x128xf32>
    %slice3A_340 = vector.extract_strided_slice %min3A_325 {offsets = [48, 0], sizes = [8, 128], strides = [1, 1]} : vector<128x128xf32> to vector<8x128xf32>
    %slice3A_341 = vector.extract_strided_slice %min3A_325 {offsets = [56, 0], sizes = [8, 128], strides = [1, 1]} : vector<128x128xf32> to vector<8x128xf32>
    %slice3A_342 = vector.extract_strided_slice %max3A_326 {offsets = [56, 0], sizes = [8, 128], strides = [1, 1]} : vector<128x128xf32> to vector<8x128xf32>
    %slice3A_343 = vector.extract_strided_slice %max3A_326 {offsets = [64, 0], sizes = [8, 128], strides = [1, 1]} : vector<128x128xf32> to vector<8x128xf32>
    %slice3A_344 = vector.extract_strided_slice %min3A_325 {offsets = [64, 0], sizes = [8, 128], strides = [1, 1]} : vector<128x128xf32> to vector<8x128xf32>
    %slice3A_345 = vector.extract_strided_slice %min3A_325 {offsets = [72, 0], sizes = [8, 128], strides = [1, 1]} : vector<128x128xf32> to vector<8x128xf32>
    %slice3A_346 = vector.extract_strided_slice %max3A_326 {offsets = [72, 0], sizes = [8, 128], strides = [1, 1]} : vector<128x128xf32> to vector<8x128xf32>
    %slice3A_347 = vector.extract_strided_slice %max3A_326 {offsets = [80, 0], sizes = [8, 128], strides = [1, 1]} : vector<128x128xf32> to vector<8x128xf32>
    %slice3A_348 = vector.extract_strided_slice %min3A_325 {offsets = [80, 0], sizes = [8, 128], strides = [1, 1]} : vector<128x128xf32> to vector<8x128xf32>
    %slice3A_349 = vector.extract_strided_slice %min3A_325 {offsets = [88, 0], sizes = [8, 128], strides = [1, 1]} : vector<128x128xf32> to vector<8x128xf32>
    %slice3A_350 = vector.extract_strided_slice %max3A_326 {offsets = [88, 0], sizes = [8, 128], strides = [1, 1]} : vector<128x128xf32> to vector<8x128xf32>
    %slice3A_351 = vector.extract_strided_slice %max3A_326 {offsets = [96, 0], sizes = [8, 128], strides = [1, 1]} : vector<128x128xf32> to vector<8x128xf32>
    %slice3A_352 = vector.extract_strided_slice %min3A_325 {offsets = [96, 0], sizes = [8, 128], strides = [1, 1]} : vector<128x128xf32> to vector<8x128xf32>
    %slice3A_353 = vector.extract_strided_slice %min3A_325 {offsets = [104, 0], sizes = [8, 128], strides = [1, 1]} : vector<128x128xf32> to vector<8x128xf32>
    %slice3A_354 = vector.extract_strided_slice %max3A_326 {offsets = [104, 0], sizes = [8, 128], strides = [1, 1]} : vector<128x128xf32> to vector<8x128xf32>
    %slice3A_355 = vector.extract_strided_slice %max3A_326 {offsets = [112, 0], sizes = [8, 128], strides = [1, 1]} : vector<128x128xf32> to vector<8x128xf32>
    %slice3A_356 = vector.extract_strided_slice %min3A_325 {offsets = [112, 0], sizes = [8, 128], strides = [1, 1]} : vector<128x128xf32> to vector<8x128xf32>
    %slice3A_357 = vector.extract_strided_slice %min3A_325 {offsets = [120, 0], sizes = [8, 128], strides = [1, 1]} : vector<128x128xf32> to vector<8x128xf32>
    %slice3A_358 = vector.extract_strided_slice %max3A_326 {offsets = [120, 0], sizes = [8, 128], strides = [1, 1]} : vector<128x128xf32> to vector<8x128xf32>
    %concatenate3A_359 = tpu.concatenate %slice3A_327, %slice3A_329, %slice3A_331, %slice3A_333, %slice3A_335, %slice3A_337, %slice3A_339, %slice3A_341, %slice3A_343, %slice3A_345, %slice3A_347, %slice3A_349, %slice3A_351, %slice3A_353, %slice3A_355, %slice3A_357 in 0 : vector<8x128xf32>, vector<8x128xf32>, vector<8x128xf32>, vector<8x128xf32>, vector<8x128xf32>, vector<8x128xf32>, vector<8x128xf32>, vector<8x128xf32>, vector<8x128xf32>, vector<8x128xf32>, vector<8x128xf32>, vector<8x128xf32>, vector<8x128xf32>, vector<8x128xf32>, vector<8x128xf32>, vector<8x128xf32> -> vector<128x128xf32>
    %concatenate3A_360 = tpu.concatenate %slice3A_328, %slice3A_330, %slice3A_332, %slice3A_334, %slice3A_336, %slice3A_338, %slice3A_340, %slice3A_342, %slice3A_344, %slice3A_346, %slice3A_348, %slice3A_350, %slice3A_352, %slice3A_354, %slice3A_356, %slice3A_358 in 0 : vector<8x128xf32>, vector<8x128xf32>, vector<8x128xf32>, vector<8x128xf32>, vector<8x128xf32>, vector<8x128xf32>, vector<8x128xf32>, vector<8x128xf32>, vector<8x128xf32>, vector<8x128xf32>, vector<8x128xf32>, vector<8x128xf32>, vector<8x128xf32>, vector<8x128xf32>, vector<8x128xf32>, vector<8x128xf32> -> vector<128x128xf32>
    %concatenate3A_361 = tpu.concatenate %concatenate3A_359, %concatenate3A_360 in 0 : vector<128x128xf32>, vector<128x128xf32> -> vector<256x128xf32>
    %slice3A_362 = vector.extract_strided_slice %concatenate3A_361 {offsets = [0, 0], sizes = [8, 128], strides = [1, 1]} : vector<256x128xf32> to vector<8x128xf32>
    %slice3A_363 = vector.extract_strided_slice %concatenate3A_361 {offsets = [8, 0], sizes = [8, 128], strides = [1, 1]} : vector<256x128xf32> to vector<8x128xf32>
    %min3A_364 = arith.minimumf %slice3A_362, %slice3A_363 : vector<8x128xf32>
    %max3A_365 = arith.maximumf %slice3A_362, %slice3A_363 : vector<8x128xf32>
    %iota3A = tpu.iota {dimensions = array<i32: 0>} : vector<8x128xi32>
    %and3A = arith.constant 4 : i32
    %and3A_366 = vector.broadcast %and3A : i32 to vector<8x128xi32>
    %and3A_367 = arith.andi %iota3A, %and3A_366 : vector<8x128xi32>
    %ne3A = arith.constant 0 : i32
    %ne3A_368 = vector.broadcast %ne3A : i32 to vector<8x128xi32>
    %ne3A_369 = arith.cmpi ne, %and3A_367, %ne3A_368 : vector<8x128xi32>
    %select_n3A = arith.select %ne3A_369, %min3A_364, %max3A_365 : vector<8x128xi1>, vector<8x128xf32>
    %select_n3A_370 = arith.select %ne3A_369, %max3A_365, %min3A_364 : vector<8x128xi1>, vector<8x128xf32>
    %slice3A_371 = vector.extract_strided_slice %concatenate3A_361 {offsets = [16, 0], sizes = [8, 128], strides = [1, 1]} : vector<256x128xf32> to vector<8x128xf32>
    %slice3A_372 = vector.extract_strided_slice %concatenate3A_361 {offsets = [24, 0], sizes = [8, 128], strides = [1, 1]} : vector<256x128xf32> to vector<8x128xf32>
    %min3A_373 = arith.minimumf %slice3A_371, %slice3A_372 : vector<8x128xf32>
    %max3A_374 = arith.maximumf %slice3A_371, %slice3A_372 : vector<8x128xf32>
    %iota3A_375 = tpu.iota {dimensions = array<i32: 0>} : vector<8x128xi32>
    %and3A_376 = arith.constant 4 : i32
    %and3A_377 = vector.broadcast %and3A_376 : i32 to vector<8x128xi32>
    %and3A_378 = arith.andi %iota3A_375, %and3A_377 : vector<8x128xi32>
    %ne3A_379 = arith.constant 0 : i32
    %ne3A_380 = vector.broadcast %ne3A_379 : i32 to vector<8x128xi32>
    %ne3A_381 = arith.cmpi ne, %and3A_378, %ne3A_380 : vector<8x128xi32>
    %select_n3A_382 = arith.select %ne3A_381, %min3A_373, %max3A_374 : vector<8x128xi1>, vector<8x128xf32>
    %select_n3A_383 = arith.select %ne3A_381, %max3A_374, %min3A_373 : vector<8x128xi1>, vector<8x128xf32>
    %slice3A_384 = vector.extract_strided_slice %concatenate3A_361 {offsets = [32, 0], sizes = [8, 128], strides = [1, 1]} : vector<256x128xf32> to vector<8x128xf32>
    %slice3A_385 = vector.extract_strided_slice %concatenate3A_361 {offsets = [40, 0], sizes = [8, 128], strides = [1, 1]} : vector<256x128xf32> to vector<8x128xf32>
    %min3A_386 = arith.minimumf %slice3A_384, %slice3A_385 : vector<8x128xf32>
    %max3A_387 = arith.maximumf %slice3A_384, %slice3A_385 : vector<8x128xf32>
    %iota3A_388 = tpu.iota {dimensions = array<i32: 0>} : vector<8x128xi32>
    %and3A_389 = arith.constant 4 : i32
    %and3A_390 = vector.broadcast %and3A_389 : i32 to vector<8x128xi32>
    %and3A_391 = arith.andi %iota3A_388, %and3A_390 : vector<8x128xi32>
    %ne3A_392 = arith.constant 0 : i32
    %ne3A_393 = vector.broadcast %ne3A_392 : i32 to vector<8x128xi32>
    %ne3A_394 = arith.cmpi ne, %and3A_391, %ne3A_393 : vector<8x128xi32>
    %select_n3A_395 = arith.select %ne3A_394, %min3A_386, %max3A_387 : vector<8x128xi1>, vector<8x128xf32>
    %select_n3A_396 = arith.select %ne3A_394, %max3A_387, %min3A_386 : vector<8x128xi1>, vector<8x128xf32>
    %slice3A_397 = vector.extract_strided_slice %concatenate3A_361 {offsets = [48, 0], sizes = [8, 128], strides = [1, 1]} : vector<256x128xf32> to vector<8x128xf32>
    %slice3A_398 = vector.extract_strided_slice %concatenate3A_361 {offsets = [56, 0], sizes = [8, 128], strides = [1, 1]} : vector<256x128xf32> to vector<8x128xf32>
    %min3A_399 = arith.minimumf %slice3A_397, %slice3A_398 : vector<8x128xf32>
    %max3A_400 = arith.maximumf %slice3A_397, %slice3A_398 : vector<8x128xf32>
    %iota3A_401 = tpu.iota {dimensions = array<i32: 0>} : vector<8x128xi32>
    %and3A_402 = arith.constant 4 : i32
    %and3A_403 = vector.broadcast %and3A_402 : i32 to vector<8x128xi32>
    %and3A_404 = arith.andi %iota3A_401, %and3A_403 : vector<8x128xi32>
    %ne3A_405 = arith.constant 0 : i32
    %ne3A_406 = vector.broadcast %ne3A_405 : i32 to vector<8x128xi32>
    %ne3A_407 = arith.cmpi ne, %and3A_404, %ne3A_406 : vector<8x128xi32>
    %select_n3A_408 = arith.select %ne3A_407, %min3A_399, %max3A_400 : vector<8x128xi1>, vector<8x128xf32>
    %select_n3A_409 = arith.select %ne3A_407, %max3A_400, %min3A_399 : vector<8x128xi1>, vector<8x128xf32>
    %slice3A_410 = vector.extract_strided_slice %concatenate3A_361 {offsets = [64, 0], sizes = [8, 128], strides = [1, 1]} : vector<256x128xf32> to vector<8x128xf32>
    %slice3A_411 = vector.extract_strided_slice %concatenate3A_361 {offsets = [72, 0], sizes = [8, 128], strides = [1, 1]} : vector<256x128xf32> to vector<8x128xf32>
    %min3A_412 = arith.minimumf %slice3A_410, %slice3A_411 : vector<8x128xf32>
    %max3A_413 = arith.maximumf %slice3A_410, %slice3A_411 : vector<8x128xf32>
    %iota3A_414 = tpu.iota {dimensions = array<i32: 0>} : vector<8x128xi32>
    %and3A_415 = arith.constant 4 : i32
    %and3A_416 = vector.broadcast %and3A_415 : i32 to vector<8x128xi32>
    %and3A_417 = arith.andi %iota3A_414, %and3A_416 : vector<8x128xi32>
    %ne3A_418 = arith.constant 0 : i32
    %ne3A_419 = vector.broadcast %ne3A_418 : i32 to vector<8x128xi32>
    %ne3A_420 = arith.cmpi ne, %and3A_417, %ne3A_419 : vector<8x128xi32>
    %select_n3A_421 = arith.select %ne3A_420, %min3A_412, %max3A_413 : vector<8x128xi1>, vector<8x128xf32>
    %select_n3A_422 = arith.select %ne3A_420, %max3A_413, %min3A_412 : vector<8x128xi1>, vector<8x128xf32>
    %slice3A_423 = vector.extract_strided_slice %concatenate3A_361 {offsets = [80, 0], sizes = [8, 128], strides = [1, 1]} : vector<256x128xf32> to vector<8x128xf32>
    %slice3A_424 = vector.extract_strided_slice %concatenate3A_361 {offsets = [88, 0], sizes = [8, 128], strides = [1, 1]} : vector<256x128xf32> to vector<8x128xf32>
    %min3A_425 = arith.minimumf %slice3A_423, %slice3A_424 : vector<8x128xf32>
    %max3A_426 = arith.maximumf %slice3A_423, %slice3A_424 : vector<8x128xf32>
    %iota3A_427 = tpu.iota {dimensions = array<i32: 0>} : vector<8x128xi32>
    %and3A_428 = arith.constant 4 : i32
    %and3A_429 = vector.broadcast %and3A_428 : i32 to vector<8x128xi32>
    %and3A_430 = arith.andi %iota3A_427, %and3A_429 : vector<8x128xi32>
    %ne3A_431 = arith.constant 0 : i32
    %ne3A_432 = vector.broadcast %ne3A_431 : i32 to vector<8x128xi32>
    %ne3A_433 = arith.cmpi ne, %and3A_430, %ne3A_432 : vector<8x128xi32>
    %select_n3A_434 = arith.select %ne3A_433, %min3A_425, %max3A_426 : vector<8x128xi1>, vector<8x128xf32>
    %select_n3A_435 = arith.select %ne3A_433, %max3A_426, %min3A_425 : vector<8x128xi1>, vector<8x128xf32>
    %slice3A_436 = vector.extract_strided_slice %concatenate3A_361 {offsets = [96, 0], sizes = [8, 128], strides = [1, 1]} : vector<256x128xf32> to vector<8x128xf32>
    %slice3A_437 = vector.extract_strided_slice %concatenate3A_361 {offsets = [104, 0], sizes = [8, 128], strides = [1, 1]} : vector<256x128xf32> to vector<8x128xf32>
    %min3A_438 = arith.minimumf %slice3A_436, %slice3A_437 : vector<8x128xf32>
    %max3A_439 = arith.maximumf %slice3A_436, %slice3A_437 : vector<8x128xf32>
    %iota3A_440 = tpu.iota {dimensions = array<i32: 0>} : vector<8x128xi32>
    %and3A_441 = arith.constant 4 : i32
    %and3A_442 = vector.broadcast %and3A_441 : i32 to vector<8x128xi32>
    %and3A_443 = arith.andi %iota3A_440, %and3A_442 : vector<8x128xi32>
    %ne3A_444 = arith.constant 0 : i32
    %ne3A_445 = vector.broadcast %ne3A_444 : i32 to vector<8x128xi32>
    %ne3A_446 = arith.cmpi ne, %and3A_443, %ne3A_445 : vector<8x128xi32>
    %select_n3A_447 = arith.select %ne3A_446, %min3A_438, %max3A_439 : vector<8x128xi1>, vector<8x128xf32>
    %select_n3A_448 = arith.select %ne3A_446, %max3A_439, %min3A_438 : vector<8x128xi1>, vector<8x128xf32>
    %slice3A_449 = vector.extract_strided_slice %concatenate3A_361 {offsets = [112, 0], sizes = [8, 128], strides = [1, 1]} : vector<256x128xf32> to vector<8x128xf32>
    %slice3A_450 = vector.extract_strided_slice %concatenate3A_361 {offsets = [120, 0], sizes = [8, 128], strides = [1, 1]} : vector<256x128xf32> to vector<8x128xf32>
    %min3A_451 = arith.minimumf %slice3A_449, %slice3A_450 : vector<8x128xf32>
    %max3A_452 = arith.maximumf %slice3A_449, %slice3A_450 : vector<8x128xf32>
    %iota3A_453 = tpu.iota {dimensions = array<i32: 0>} : vector<8x128xi32>
    %and3A_454 = arith.constant 4 : i32
    %and3A_455 = vector.broadcast %and3A_454 : i32 to vector<8x128xi32>
    %and3A_456 = arith.andi %iota3A_453, %and3A_455 : vector<8x128xi32>
    %ne3A_457 = arith.constant 0 : i32
    %ne3A_458 = vector.broadcast %ne3A_457 : i32 to vector<8x128xi32>
    %ne3A_459 = arith.cmpi ne, %and3A_456, %ne3A_458 : vector<8x128xi32>
    %select_n3A_460 = arith.select %ne3A_459, %min3A_451, %max3A_452 : vector<8x128xi1>, vector<8x128xf32>
    %select_n3A_461 = arith.select %ne3A_459, %max3A_452, %min3A_451 : vector<8x128xi1>, vector<8x128xf32>
    %slice3A_462 = vector.extract_strided_slice %concatenate3A_361 {offsets = [128, 0], sizes = [8, 128], strides = [1, 1]} : vector<256x128xf32> to vector<8x128xf32>
    %slice3A_463 = vector.extract_strided_slice %concatenate3A_361 {offsets = [136, 0], sizes = [8, 128], strides = [1, 1]} : vector<256x128xf32> to vector<8x128xf32>
    %min3A_464 = arith.minimumf %slice3A_462, %slice3A_463 : vector<8x128xf32>
    %max3A_465 = arith.maximumf %slice3A_462, %slice3A_463 : vector<8x128xf32>
    %iota3A_466 = tpu.iota {dimensions = array<i32: 0>} : vector<8x128xi32>
    %and3A_467 = arith.constant 4 : i32
    %and3A_468 = vector.broadcast %and3A_467 : i32 to vector<8x128xi32>
    %and3A_469 = arith.andi %iota3A_466, %and3A_468 : vector<8x128xi32>
    %ne3A_470 = arith.constant 0 : i32
    %ne3A_471 = vector.broadcast %ne3A_470 : i32 to vector<8x128xi32>
    %ne3A_472 = arith.cmpi ne, %and3A_469, %ne3A_471 : vector<8x128xi32>
    %select_n3A_473 = arith.select %ne3A_472, %min3A_464, %max3A_465 : vector<8x128xi1>, vector<8x128xf32>
    %select_n3A_474 = arith.select %ne3A_472, %max3A_465, %min3A_464 : vector<8x128xi1>, vector<8x128xf32>
    %slice3A_475 = vector.extract_strided_slice %concatenate3A_361 {offsets = [144, 0], sizes = [8, 128], strides = [1, 1]} : vector<256x128xf32> to vector<8x128xf32>
    %slice3A_476 = vector.extract_strided_slice %concatenate3A_361 {offsets = [152, 0], sizes = [8, 128], strides = [1, 1]} : vector<256x128xf32> to vector<8x128xf32>
    %min3A_477 = arith.minimumf %slice3A_475, %slice3A_476 : vector<8x128xf32>
    %max3A_478 = arith.maximumf %slice3A_475, %slice3A_476 : vector<8x128xf32>
    %iota3A_479 = tpu.iota {dimensions = array<i32: 0>} : vector<8x128xi32>
    %and3A_480 = arith.constant 4 : i32
    %and3A_481 = vector.broadcast %and3A_480 : i32 to vector<8x128xi32>
    %and3A_482 = arith.andi %iota3A_479, %and3A_481 : vector<8x128xi32>
    %ne3A_483 = arith.constant 0 : i32
    %ne3A_484 = vector.broadcast %ne3A_483 : i32 to vector<8x128xi32>
    %ne3A_485 = arith.cmpi ne, %and3A_482, %ne3A_484 : vector<8x128xi32>
    %select_n3A_486 = arith.select %ne3A_485, %min3A_477, %max3A_478 : vector<8x128xi1>, vector<8x128xf32>
    %select_n3A_487 = arith.select %ne3A_485, %max3A_478, %min3A_477 : vector<8x128xi1>, vector<8x128xf32>
    %slice3A_488 = vector.extract_strided_slice %concatenate3A_361 {offsets = [160, 0], sizes = [8, 128], strides = [1, 1]} : vector<256x128xf32> to vector<8x128xf32>
    %slice3A_489 = vector.extract_strided_slice %concatenate3A_361 {offsets = [168, 0], sizes = [8, 128], strides = [1, 1]} : vector<256x128xf32> to vector<8x128xf32>
    %min3A_490 = arith.minimumf %slice3A_488, %slice3A_489 : vector<8x128xf32>
    %max3A_491 = arith.maximumf %slice3A_488, %slice3A_489 : vector<8x128xf32>
    %iota3A_492 = tpu.iota {dimensions = array<i32: 0>} : vector<8x128xi32>
    %and3A_493 = arith.constant 4 : i32
    %and3A_494 = vector.broadcast %and3A_493 : i32 to vector<8x128xi32>
    %and3A_495 = arith.andi %iota3A_492, %and3A_494 : vector<8x128xi32>
    %ne3A_496 = arith.constant 0 : i32
    %ne3A_497 = vector.broadcast %ne3A_496 : i32 to vector<8x128xi32>
    %ne3A_498 = arith.cmpi ne, %and3A_495, %ne3A_497 : vector<8x128xi32>
    %select_n3A_499 = arith.select %ne3A_498, %min3A_490, %max3A_491 : vector<8x128xi1>, vector<8x128xf32>
    %select_n3A_500 = arith.select %ne3A_498, %max3A_491, %min3A_490 : vector<8x128xi1>, vector<8x128xf32>
    %slice3A_501 = vector.extract_strided_slice %concatenate3A_361 {offsets = [176, 0], sizes = [8, 128], strides = [1, 1]} : vector<256x128xf32> to vector<8x128xf32>
    %slice3A_502 = vector.extract_strided_slice %concatenate3A_361 {offsets = [184, 0], sizes = [8, 128], strides = [1, 1]} : vector<256x128xf32> to vector<8x128xf32>
    %min3A_503 = arith.minimumf %slice3A_501, %slice3A_502 : vector<8x128xf32>
    %max3A_504 = arith.maximumf %slice3A_501, %slice3A_502 : vector<8x128xf32>
    %iota3A_505 = tpu.iota {dimensions = array<i32: 0>} : vector<8x128xi32>
    %and3A_506 = arith.constant 4 : i32
    %and3A_507 = vector.broadcast %and3A_506 : i32 to vector<8x128xi32>
    %and3A_508 = arith.andi %iota3A_505, %and3A_507 : vector<8x128xi32>
    %ne3A_509 = arith.constant 0 : i32
    %ne3A_510 = vector.broadcast %ne3A_509 : i32 to vector<8x128xi32>
    %ne3A_511 = arith.cmpi ne, %and3A_508, %ne3A_510 : vector<8x128xi32>
    %select_n3A_512 = arith.select %ne3A_511, %min3A_503, %max3A_504 : vector<8x128xi1>, vector<8x128xf32>
    %select_n3A_513 = arith.select %ne3A_511, %max3A_504, %min3A_503 : vector<8x128xi1>, vector<8x128xf32>
    %slice3A_514 = vector.extract_strided_slice %concatenate3A_361 {offsets = [192, 0], sizes = [8, 128], strides = [1, 1]} : vector<256x128xf32> to vector<8x128xf32>
    %slice3A_515 = vector.extract_strided_slice %concatenate3A_361 {offsets = [200, 0], sizes = [8, 128], strides = [1, 1]} : vector<256x128xf32> to vector<8x128xf32>
    %min3A_516 = arith.minimumf %slice3A_514, %slice3A_515 : vector<8x128xf32>
    %max3A_517 = arith.maximumf %slice3A_514, %slice3A_515 : vector<8x128xf32>
    %iota3A_518 = tpu.iota {dimensions = array<i32: 0>} : vector<8x128xi32>
    %and3A_519 = arith.constant 4 : i32
    %and3A_520 = vector.broadcast %and3A_519 : i32 to vector<8x128xi32>
    %and3A_521 = arith.andi %iota3A_518, %and3A_520 : vector<8x128xi32>
    %ne3A_522 = arith.constant 0 : i32
    %ne3A_523 = vector.broadcast %ne3A_522 : i32 to vector<8x128xi32>
    %ne3A_524 = arith.cmpi ne, %and3A_521, %ne3A_523 : vector<8x128xi32>
    %select_n3A_525 = arith.select %ne3A_524, %min3A_516, %max3A_517 : vector<8x128xi1>, vector<8x128xf32>
    %select_n3A_526 = arith.select %ne3A_524, %max3A_517, %min3A_516 : vector<8x128xi1>, vector<8x128xf32>
    %slice3A_527 = vector.extract_strided_slice %concatenate3A_361 {offsets = [208, 0], sizes = [8, 128], strides = [1, 1]} : vector<256x128xf32> to vector<8x128xf32>
    %slice3A_528 = vector.extract_strided_slice %concatenate3A_361 {offsets = [216, 0], sizes = [8, 128], strides = [1, 1]} : vector<256x128xf32> to vector<8x128xf32>
    %min3A_529 = arith.minimumf %slice3A_527, %slice3A_528 : vector<8x128xf32>
    %max3A_530 = arith.maximumf %slice3A_527, %slice3A_528 : vector<8x128xf32>
    %iota3A_531 = tpu.iota {dimensions = array<i32: 0>} : vector<8x128xi32>
    %and3A_532 = arith.constant 4 : i32
    %and3A_533 = vector.broadcast %and3A_532 : i32 to vector<8x128xi32>
    %and3A_534 = arith.andi %iota3A_531, %and3A_533 : vector<8x128xi32>
    %ne3A_535 = arith.constant 0 : i32
    %ne3A_536 = vector.broadcast %ne3A_535 : i32 to vector<8x128xi32>
    %ne3A_537 = arith.cmpi ne, %and3A_534, %ne3A_536 : vector<8x128xi32>
    %select_n3A_538 = arith.select %ne3A_537, %min3A_529, %max3A_530 : vector<8x128xi1>, vector<8x128xf32>
    %select_n3A_539 = arith.select %ne3A_537, %max3A_530, %min3A_529 : vector<8x128xi1>, vector<8x128xf32>
    %slice3A_540 = vector.extract_strided_slice %concatenate3A_361 {offsets = [224, 0], sizes = [8, 128], strides = [1, 1]} : vector<256x128xf32> to vector<8x128xf32>
    %slice3A_541 = vector.extract_strided_slice %concatenate3A_361 {offsets = [232, 0], sizes = [8, 128], strides = [1, 1]} : vector<256x128xf32> to vector<8x128xf32>
    %min3A_542 = arith.minimumf %slice3A_540, %slice3A_541 : vector<8x128xf32>
    %max3A_543 = arith.maximumf %slice3A_540, %slice3A_541 : vector<8x128xf32>
    %iota3A_544 = tpu.iota {dimensions = array<i32: 0>} : vector<8x128xi32>
    %and3A_545 = arith.constant 4 : i32
    %and3A_546 = vector.broadcast %and3A_545 : i32 to vector<8x128xi32>
    %and3A_547 = arith.andi %iota3A_544, %and3A_546 : vector<8x128xi32>
    %ne3A_548 = arith.constant 0 : i32
    %ne3A_549 = vector.broadcast %ne3A_548 : i32 to vector<8x128xi32>
    %ne3A_550 = arith.cmpi ne, %and3A_547, %ne3A_549 : vector<8x128xi32>
    %select_n3A_551 = arith.select %ne3A_550, %min3A_542, %max3A_543 : vector<8x128xi1>, vector<8x128xf32>
    %select_n3A_552 = arith.select %ne3A_550, %max3A_543, %min3A_542 : vector<8x128xi1>, vector<8x128xf32>
    %slice3A_553 = vector.extract_strided_slice %concatenate3A_361 {offsets = [240, 0], sizes = [8, 128], strides = [1, 1]} : vector<256x128xf32> to vector<8x128xf32>
    %slice3A_554 = vector.extract_strided_slice %concatenate3A_361 {offsets = [248, 0], sizes = [8, 128], strides = [1, 1]} : vector<256x128xf32> to vector<8x128xf32>
    %min3A_555 = arith.minimumf %slice3A_553, %slice3A_554 : vector<8x128xf32>
    %max3A_556 = arith.maximumf %slice3A_553, %slice3A_554 : vector<8x128xf32>
    %iota3A_557 = tpu.iota {dimensions = array<i32: 0>} : vector<8x128xi32>
    %and3A_558 = arith.constant 4 : i32
    %and3A_559 = vector.broadcast %and3A_558 : i32 to vector<8x128xi32>
    %and3A_560 = arith.andi %iota3A_557, %and3A_559 : vector<8x128xi32>
    %ne3A_561 = arith.constant 0 : i32
    %ne3A_562 = vector.broadcast %ne3A_561 : i32 to vector<8x128xi32>
    %ne3A_563 = arith.cmpi ne, %and3A_560, %ne3A_562 : vector<8x128xi32>
    %select_n3A_564 = arith.select %ne3A_563, %min3A_555, %max3A_556 : vector<8x128xi1>, vector<8x128xf32>
    %select_n3A_565 = arith.select %ne3A_563, %max3A_556, %min3A_555 : vector<8x128xi1>, vector<8x128xf32>
    %concatenate3A_566 = tpu.concatenate %select_n3A, %select_n3A_370, %select_n3A_382, %select_n3A_383, %select_n3A_395, %select_n3A_396, %select_n3A_408, %select_n3A_409, %select_n3A_421, %select_n3A_422, %select_n3A_434, %select_n3A_435, %select_n3A_447, %select_n3A_448, %select_n3A_460, %select_n3A_461, %select_n3A_473, %select_n3A_474, %select_n3A_486, %select_n3A_487, %select_n3A_499, %select_n3A_500, %select_n3A_512, %select_n3A_513, %select_n3A_525, %select_n3A_526, %select_n3A_538, %select_n3A_539, %select_n3A_551, %select_n3A_552, %select_n3A_564, %select_n3A_565 in 0 : vector<8x128xf32>, vector<8x128xf32>, vector<8x128xf32>, vector<8x128xf32>, vector<8x128xf32>, vector<8x128xf32>, vector<8x128xf32>, vector<8x128xf32>, vector<8x128xf32>, vector<8x128xf32>, vector<8x128xf32>, vector<8x128xf32>, vector<8x128xf32>, vector<8x128xf32>, vector<8x128xf32>, vector<8x128xf32>, vector<8x128xf32>, vector<8x128xf32>, vector<8x128xf32>, vector<8x128xf32>, vector<8x128xf32>, vector<8x128xf32>, vector<8x128xf32>, vector<8x128xf32>, vector<8x128xf32>, vector<8x128xf32>, vector<8x128xf32>, vector<8x128xf32>, vector<8x128xf32>, vector<8x128xf32>, vector<8x128xf32>, vector<8x128xf32> -> vector<256x128xf32>
    %slice3A_567 = vector.extract_strided_slice %concatenate3A_566 {offsets = [0, 0], sizes = [16, 128], strides = [1, 1]} : vector<256x128xf32> to vector<16x128xf32>
    %slice3A_568 = vector.extract_strided_slice %concatenate3A_566 {offsets = [16, 0], sizes = [16, 128], strides = [1, 1]} : vector<256x128xf32> to vector<16x128xf32>
    %min3A_569 = arith.minimumf %slice3A_567, %slice3A_568 : vector<16x128xf32>
    %max3A_570 = arith.maximumf %slice3A_567, %slice3A_568 : vector<16x128xf32>
    %iota3A_571 = tpu.iota {dimensions = array<i32: 0>} : vector<16x128xi32>
    %and3A_572 = arith.constant 4 : i32
    %and3A_573 = vector.broadcast %and3A_572 : i32 to vector<16x128xi32>
    %and3A_574 = arith.andi %iota3A_571, %and3A_573 : vector<16x128xi32>
    %ne3A_575 = arith.constant 0 : i32
    %ne3A_576 = vector.broadcast %ne3A_575 : i32 to vector<16x128xi32>
    %ne3A_577 = arith.cmpi ne, %and3A_574, %ne3A_576 : vector<16x128xi32>
    %select_n3A_578 = arith.select %ne3A_577, %min3A_569, %max3A_570 : vector<16x128xi1>, vector<16x128xf32>
    %select_n3A_579 = arith.select %ne3A_577, %max3A_570, %min3A_569 : vector<16x128xi1>, vector<16x128xf32>
    %slice3A_580 = vector.extract_strided_slice %concatenate3A_566 {offsets = [32, 0], sizes = [16, 128], strides = [1, 1]} : vector<256x128xf32> to vector<16x128xf32>
    %slice3A_581 = vector.extract_strided_slice %concatenate3A_566 {offsets = [48, 0], sizes = [16, 128], strides = [1, 1]} : vector<256x128xf32> to vector<16x128xf32>
    %min3A_582 = arith.minimumf %slice3A_580, %slice3A_581 : vector<16x128xf32>
    %max3A_583 = arith.maximumf %slice3A_580, %slice3A_581 : vector<16x128xf32>
    %iota3A_584 = tpu.iota {dimensions = array<i32: 0>} : vector<16x128xi32>
    %and3A_585 = arith.constant 4 : i32
    %and3A_586 = vector.broadcast %and3A_585 : i32 to vector<16x128xi32>
    %and3A_587 = arith.andi %iota3A_584, %and3A_586 : vector<16x128xi32>
    %ne3A_588 = arith.constant 0 : i32
    %ne3A_589 = vector.broadcast %ne3A_588 : i32 to vector<16x128xi32>
    %ne3A_590 = arith.cmpi ne, %and3A_587, %ne3A_589 : vector<16x128xi32>
    %select_n3A_591 = arith.select %ne3A_590, %min3A_582, %max3A_583 : vector<16x128xi1>, vector<16x128xf32>
    %select_n3A_592 = arith.select %ne3A_590, %max3A_583, %min3A_582 : vector<16x128xi1>, vector<16x128xf32>
    %slice3A_593 = vector.extract_strided_slice %concatenate3A_566 {offsets = [64, 0], sizes = [16, 128], strides = [1, 1]} : vector<256x128xf32> to vector<16x128xf32>
    %slice3A_594 = vector.extract_strided_slice %concatenate3A_566 {offsets = [80, 0], sizes = [16, 128], strides = [1, 1]} : vector<256x128xf32> to vector<16x128xf32>
    %min3A_595 = arith.minimumf %slice3A_593, %slice3A_594 : vector<16x128xf32>
    %max3A_596 = arith.maximumf %slice3A_593, %slice3A_594 : vector<16x128xf32>
    %iota3A_597 = tpu.iota {dimensions = array<i32: 0>} : vector<16x128xi32>
    %and3A_598 = arith.constant 4 : i32
    %and3A_599 = vector.broadcast %and3A_598 : i32 to vector<16x128xi32>
    %and3A_600 = arith.andi %iota3A_597, %and3A_599 : vector<16x128xi32>
    %ne3A_601 = arith.constant 0 : i32
    %ne3A_602 = vector.broadcast %ne3A_601 : i32 to vector<16x128xi32>
    %ne3A_603 = arith.cmpi ne, %and3A_600, %ne3A_602 : vector<16x128xi32>
    %select_n3A_604 = arith.select %ne3A_603, %min3A_595, %max3A_596 : vector<16x128xi1>, vector<16x128xf32>
    %select_n3A_605 = arith.select %ne3A_603, %max3A_596, %min3A_595 : vector<16x128xi1>, vector<16x128xf32>
    %slice3A_606 = vector.extract_strided_slice %concatenate3A_566 {offsets = [96, 0], sizes = [16, 128], strides = [1, 1]} : vector<256x128xf32> to vector<16x128xf32>
    %slice3A_607 = vector.extract_strided_slice %concatenate3A_566 {offsets = [112, 0], sizes = [16, 128], strides = [1, 1]} : vector<256x128xf32> to vector<16x128xf32>
    %min3A_608 = arith.minimumf %slice3A_606, %slice3A_607 : vector<16x128xf32>
    %max3A_609 = arith.maximumf %slice3A_606, %slice3A_607 : vector<16x128xf32>
    %iota3A_610 = tpu.iota {dimensions = array<i32: 0>} : vector<16x128xi32>
    %and3A_611 = arith.constant 4 : i32
    %and3A_612 = vector.broadcast %and3A_611 : i32 to vector<16x128xi32>
    %and3A_613 = arith.andi %iota3A_610, %and3A_612 : vector<16x128xi32>
    %ne3A_614 = arith.constant 0 : i32
    %ne3A_615 = vector.broadcast %ne3A_614 : i32 to vector<16x128xi32>
    %ne3A_616 = arith.cmpi ne, %and3A_613, %ne3A_615 : vector<16x128xi32>
    %select_n3A_617 = arith.select %ne3A_616, %min3A_608, %max3A_609 : vector<16x128xi1>, vector<16x128xf32>
    %select_n3A_618 = arith.select %ne3A_616, %max3A_609, %min3A_608 : vector<16x128xi1>, vector<16x128xf32>
    %slice3A_619 = vector.extract_strided_slice %concatenate3A_566 {offsets = [128, 0], sizes = [16, 128], strides = [1, 1]} : vector<256x128xf32> to vector<16x128xf32>
    %slice3A_620 = vector.extract_strided_slice %concatenate3A_566 {offsets = [144, 0], sizes = [16, 128], strides = [1, 1]} : vector<256x128xf32> to vector<16x128xf32>
    %min3A_621 = arith.minimumf %slice3A_619, %slice3A_620 : vector<16x128xf32>
    %max3A_622 = arith.maximumf %slice3A_619, %slice3A_620 : vector<16x128xf32>
    %iota3A_623 = tpu.iota {dimensions = array<i32: 0>} : vector<16x128xi32>
    %and3A_624 = arith.constant 4 : i32
    %and3A_625 = vector.broadcast %and3A_624 : i32 to vector<16x128xi32>
    %and3A_626 = arith.andi %iota3A_623, %and3A_625 : vector<16x128xi32>
    %ne3A_627 = arith.constant 0 : i32
    %ne3A_628 = vector.broadcast %ne3A_627 : i32 to vector<16x128xi32>
    %ne3A_629 = arith.cmpi ne, %and3A_626, %ne3A_628 : vector<16x128xi32>
    %select_n3A_630 = arith.select %ne3A_629, %min3A_621, %max3A_622 : vector<16x128xi1>, vector<16x128xf32>
    %select_n3A_631 = arith.select %ne3A_629, %max3A_622, %min3A_621 : vector<16x128xi1>, vector<16x128xf32>
    %slice3A_632 = vector.extract_strided_slice %concatenate3A_566 {offsets = [160, 0], sizes = [16, 128], strides = [1, 1]} : vector<256x128xf32> to vector<16x128xf32>
    %slice3A_633 = vector.extract_strided_slice %concatenate3A_566 {offsets = [176, 0], sizes = [16, 128], strides = [1, 1]} : vector<256x128xf32> to vector<16x128xf32>
    %min3A_634 = arith.minimumf %slice3A_632, %slice3A_633 : vector<16x128xf32>
    %max3A_635 = arith.maximumf %slice3A_632, %slice3A_633 : vector<16x128xf32>
    %iota3A_636 = tpu.iota {dimensions = array<i32: 0>} : vector<16x128xi32>
    %and3A_637 = arith.constant 4 : i32
    %and3A_638 = vector.broadcast %and3A_637 : i32 to vector<16x128xi32>
    %and3A_639 = arith.andi %iota3A_636, %and3A_638 : vector<16x128xi32>
    %ne3A_640 = arith.constant 0 : i32
    %ne3A_641 = vector.broadcast %ne3A_640 : i32 to vector<16x128xi32>
    %ne3A_642 = arith.cmpi ne, %and3A_639, %ne3A_641 : vector<16x128xi32>
    %select_n3A_643 = arith.select %ne3A_642, %min3A_634, %max3A_635 : vector<16x128xi1>, vector<16x128xf32>
    %select_n3A_644 = arith.select %ne3A_642, %max3A_635, %min3A_634 : vector<16x128xi1>, vector<16x128xf32>
    %slice3A_645 = vector.extract_strided_slice %concatenate3A_566 {offsets = [192, 0], sizes = [16, 128], strides = [1, 1]} : vector<256x128xf32> to vector<16x128xf32>
    %slice3A_646 = vector.extract_strided_slice %concatenate3A_566 {offsets = [208, 0], sizes = [16, 128], strides = [1, 1]} : vector<256x128xf32> to vector<16x128xf32>
    %min3A_647 = arith.minimumf %slice3A_645, %slice3A_646 : vector<16x128xf32>
    %max3A_648 = arith.maximumf %slice3A_645, %slice3A_646 : vector<16x128xf32>
    %iota3A_649 = tpu.iota {dimensions = array<i32: 0>} : vector<16x128xi32>
    %and3A_650 = arith.constant 4 : i32
    %and3A_651 = vector.broadcast %and3A_650 : i32 to vector<16x128xi32>
    %and3A_652 = arith.andi %iota3A_649, %and3A_651 : vector<16x128xi32>
    %ne3A_653 = arith.constant 0 : i32
    %ne3A_654 = vector.broadcast %ne3A_653 : i32 to vector<16x128xi32>
    %ne3A_655 = arith.cmpi ne, %and3A_652, %ne3A_654 : vector<16x128xi32>
    %select_n3A_656 = arith.select %ne3A_655, %min3A_647, %max3A_648 : vector<16x128xi1>, vector<16x128xf32>
    %select_n3A_657 = arith.select %ne3A_655, %max3A_648, %min3A_647 : vector<16x128xi1>, vector<16x128xf32>
    %slice3A_658 = vector.extract_strided_slice %concatenate3A_566 {offsets = [224, 0], sizes = [16, 128], strides = [1, 1]} : vector<256x128xf32> to vector<16x128xf32>
    %slice3A_659 = vector.extract_strided_slice %concatenate3A_566 {offsets = [240, 0], sizes = [16, 128], strides = [1, 1]} : vector<256x128xf32> to vector<16x128xf32>
    %min3A_660 = arith.minimumf %slice3A_658, %slice3A_659 : vector<16x128xf32>
    %max3A_661 = arith.maximumf %slice3A_658, %slice3A_659 : vector<16x128xf32>
    %iota3A_662 = tpu.iota {dimensions = array<i32: 0>} : vector<16x128xi32>
    %and3A_663 = arith.constant 4 : i32
    %and3A_664 = vector.broadcast %and3A_663 : i32 to vector<16x128xi32>
    %and3A_665 = arith.andi %iota3A_662, %and3A_664 : vector<16x128xi32>
    %ne3A_666 = arith.constant 0 : i32
    %ne3A_667 = vector.broadcast %ne3A_666 : i32 to vector<16x128xi32>
    %ne3A_668 = arith.cmpi ne, %and3A_665, %ne3A_667 : vector<16x128xi32>
    %select_n3A_669 = arith.select %ne3A_668, %min3A_660, %max3A_661 : vector<16x128xi1>, vector<16x128xf32>
    %select_n3A_670 = arith.select %ne3A_668, %max3A_661, %min3A_660 : vector<16x128xi1>, vector<16x128xf32>
    %concatenate3A_671 = tpu.concatenate %select_n3A_578, %select_n3A_579, %select_n3A_591, %select_n3A_592, %select_n3A_604, %select_n3A_605, %select_n3A_617, %select_n3A_618, %select_n3A_630, %select_n3A_631, %select_n3A_643, %select_n3A_644, %select_n3A_656, %select_n3A_657, %select_n3A_669, %select_n3A_670 in 0 : vector<16x128xf32>, vector<16x128xf32>, vector<16x128xf32>, vector<16x128xf32>, vector<16x128xf32>, vector<16x128xf32>, vector<16x128xf32>, vector<16x128xf32>, vector<16x128xf32>, vector<16x128xf32>, vector<16x128xf32>, vector<16x128xf32>, vector<16x128xf32>, vector<16x128xf32>, vector<16x128xf32>, vector<16x128xf32> -> vector<256x128xf32>
    %slice3A_672 = vector.extract_strided_slice %concatenate3A_671 {offsets = [0, 0], sizes = [32, 128], strides = [1, 1]} : vector<256x128xf32> to vector<32x128xf32>
    %slice3A_673 = vector.extract_strided_slice %concatenate3A_671 {offsets = [32, 0], sizes = [32, 128], strides = [1, 1]} : vector<256x128xf32> to vector<32x128xf32>
    %min3A_674 = arith.minimumf %slice3A_672, %slice3A_673 : vector<32x128xf32>
    %max3A_675 = arith.maximumf %slice3A_672, %slice3A_673 : vector<32x128xf32>
    %iota3A_676 = tpu.iota {dimensions = array<i32: 0>} : vector<32x128xi32>
    %and3A_677 = arith.constant 4 : i32
    %and3A_678 = vector.broadcast %and3A_677 : i32 to vector<32x128xi32>
    %and3A_679 = arith.andi %iota3A_676, %and3A_678 : vector<32x128xi32>
    %ne3A_680 = arith.constant 0 : i32
    %ne3A_681 = vector.broadcast %ne3A_680 : i32 to vector<32x128xi32>
    %ne3A_682 = arith.cmpi ne, %and3A_679, %ne3A_681 : vector<32x128xi32>
    %select_n3A_683 = arith.select %ne3A_682, %min3A_674, %max3A_675 : vector<32x128xi1>, vector<32x128xf32>
    %select_n3A_684 = arith.select %ne3A_682, %max3A_675, %min3A_674 : vector<32x128xi1>, vector<32x128xf32>
    %slice3A_685 = vector.extract_strided_slice %concatenate3A_671 {offsets = [64, 0], sizes = [32, 128], strides = [1, 1]} : vector<256x128xf32> to vector<32x128xf32>
    %slice3A_686 = vector.extract_strided_slice %concatenate3A_671 {offsets = [96, 0], sizes = [32, 128], strides = [1, 1]} : vector<256x128xf32> to vector<32x128xf32>
    %min3A_687 = arith.minimumf %slice3A_685, %slice3A_686 : vector<32x128xf32>
    %max3A_688 = arith.maximumf %slice3A_685, %slice3A_686 : vector<32x128xf32>
    %iota3A_689 = tpu.iota {dimensions = array<i32: 0>} : vector<32x128xi32>
    %and3A_690 = arith.constant 4 : i32
    %and3A_691 = vector.broadcast %and3A_690 : i32 to vector<32x128xi32>
    %and3A_692 = arith.andi %iota3A_689, %and3A_691 : vector<32x128xi32>
    %ne3A_693 = arith.constant 0 : i32
    %ne3A_694 = vector.broadcast %ne3A_693 : i32 to vector<32x128xi32>
    %ne3A_695 = arith.cmpi ne, %and3A_692, %ne3A_694 : vector<32x128xi32>
    %select_n3A_696 = arith.select %ne3A_695, %min3A_687, %max3A_688 : vector<32x128xi1>, vector<32x128xf32>
    %select_n3A_697 = arith.select %ne3A_695, %max3A_688, %min3A_687 : vector<32x128xi1>, vector<32x128xf32>
    %slice3A_698 = vector.extract_strided_slice %concatenate3A_671 {offsets = [128, 0], sizes = [32, 128], strides = [1, 1]} : vector<256x128xf32> to vector<32x128xf32>
    %slice3A_699 = vector.extract_strided_slice %concatenate3A_671 {offsets = [160, 0], sizes = [32, 128], strides = [1, 1]} : vector<256x128xf32> to vector<32x128xf32>
    %min3A_700 = arith.minimumf %slice3A_698, %slice3A_699 : vector<32x128xf32>
    %max3A_701 = arith.maximumf %slice3A_698, %slice3A_699 : vector<32x128xf32>
    %iota3A_702 = tpu.iota {dimensions = array<i32: 0>} : vector<32x128xi32>
    %and3A_703 = arith.constant 4 : i32
    %and3A_704 = vector.broadcast %and3A_703 : i32 to vector<32x128xi32>
    %and3A_705 = arith.andi %iota3A_702, %and3A_704 : vector<32x128xi32>
    %ne3A_706 = arith.constant 0 : i32
    %ne3A_707 = vector.broadcast %ne3A_706 : i32 to vector<32x128xi32>
    %ne3A_708 = arith.cmpi ne, %and3A_705, %ne3A_707 : vector<32x128xi32>
    %select_n3A_709 = arith.select %ne3A_708, %min3A_700, %max3A_701 : vector<32x128xi1>, vector<32x128xf32>
    %select_n3A_710 = arith.select %ne3A_708, %max3A_701, %min3A_700 : vector<32x128xi1>, vector<32x128xf32>
    %slice3A_711 = vector.extract_strided_slice %concatenate3A_671 {offsets = [192, 0], sizes = [32, 128], strides = [1, 1]} : vector<256x128xf32> to vector<32x128xf32>
    %slice3A_712 = vector.extract_strided_slice %concatenate3A_671 {offsets = [224, 0], sizes = [32, 128], strides = [1, 1]} : vector<256x128xf32> to vector<32x128xf32>
    %min3A_713 = arith.minimumf %slice3A_711, %slice3A_712 : vector<32x128xf32>
    %max3A_714 = arith.maximumf %slice3A_711, %slice3A_712 : vector<32x128xf32>
    %iota3A_715 = tpu.iota {dimensions = array<i32: 0>} : vector<32x128xi32>
    %and3A_716 = arith.constant 4 : i32
    %and3A_717 = vector.broadcast %and3A_716 : i32 to vector<32x128xi32>
    %and3A_718 = arith.andi %iota3A_715, %and3A_717 : vector<32x128xi32>
    %ne3A_719 = arith.constant 0 : i32
    %ne3A_720 = vector.broadcast %ne3A_719 : i32 to vector<32x128xi32>
    %ne3A_721 = arith.cmpi ne, %and3A_718, %ne3A_720 : vector<32x128xi32>
    %select_n3A_722 = arith.select %ne3A_721, %min3A_713, %max3A_714 : vector<32x128xi1>, vector<32x128xf32>
    %select_n3A_723 = arith.select %ne3A_721, %max3A_714, %min3A_713 : vector<32x128xi1>, vector<32x128xf32>
    %concatenate3A_724 = tpu.concatenate %select_n3A_683, %select_n3A_684, %select_n3A_696, %select_n3A_697, %select_n3A_709, %select_n3A_710, %select_n3A_722, %select_n3A_723 in 0 : vector<32x128xf32>, vector<32x128xf32>, vector<32x128xf32>, vector<32x128xf32>, vector<32x128xf32>, vector<32x128xf32>, vector<32x128xf32>, vector<32x128xf32> -> vector<256x128xf32>
    %slice3A_725 = vector.extract_strided_slice %concatenate3A_724 {offsets = [0, 0], sizes = [64, 128], strides = [1, 1]} : vector<256x128xf32> to vector<64x128xf32>
    %slice3A_726 = vector.extract_strided_slice %concatenate3A_724 {offsets = [64, 0], sizes = [64, 128], strides = [1, 1]} : vector<256x128xf32> to vector<64x128xf32>
    %min3A_727 = arith.minimumf %slice3A_725, %slice3A_726 : vector<64x128xf32>
    %max3A_728 = arith.maximumf %slice3A_725, %slice3A_726 : vector<64x128xf32>
    %iota3A_729 = tpu.iota {dimensions = array<i32: 0>} : vector<64x128xi32>
    %and3A_730 = arith.constant 4 : i32
    %and3A_731 = vector.broadcast %and3A_730 : i32 to vector<64x128xi32>
    %and3A_732 = arith.andi %iota3A_729, %and3A_731 : vector<64x128xi32>
    %ne3A_733 = arith.constant 0 : i32
    %ne3A_734 = vector.broadcast %ne3A_733 : i32 to vector<64x128xi32>
    %ne3A_735 = arith.cmpi ne, %and3A_732, %ne3A_734 : vector<64x128xi32>
    %select_n3A_736 = arith.select %ne3A_735, %min3A_727, %max3A_728 : vector<64x128xi1>, vector<64x128xf32>
    %select_n3A_737 = arith.select %ne3A_735, %max3A_728, %min3A_727 : vector<64x128xi1>, vector<64x128xf32>
    %slice3A_738 = vector.extract_strided_slice %concatenate3A_724 {offsets = [128, 0], sizes = [64, 128], strides = [1, 1]} : vector<256x128xf32> to vector<64x128xf32>
    %slice3A_739 = vector.extract_strided_slice %concatenate3A_724 {offsets = [192, 0], sizes = [64, 128], strides = [1, 1]} : vector<256x128xf32> to vector<64x128xf32>
    %min3A_740 = arith.minimumf %slice3A_738, %slice3A_739 : vector<64x128xf32>
    %max3A_741 = arith.maximumf %slice3A_738, %slice3A_739 : vector<64x128xf32>
    %iota3A_742 = tpu.iota {dimensions = array<i32: 0>} : vector<64x128xi32>
    %and3A_743 = arith.constant 4 : i32
    %and3A_744 = vector.broadcast %and3A_743 : i32 to vector<64x128xi32>
    %and3A_745 = arith.andi %iota3A_742, %and3A_744 : vector<64x128xi32>
    %ne3A_746 = arith.constant 0 : i32
    %ne3A_747 = vector.broadcast %ne3A_746 : i32 to vector<64x128xi32>
    %ne3A_748 = arith.cmpi ne, %and3A_745, %ne3A_747 : vector<64x128xi32>
    %select_n3A_749 = arith.select %ne3A_748, %min3A_740, %max3A_741 : vector<64x128xi1>, vector<64x128xf32>
    %select_n3A_750 = arith.select %ne3A_748, %max3A_741, %min3A_740 : vector<64x128xi1>, vector<64x128xf32>
    %concatenate3A_751 = tpu.concatenate %select_n3A_736, %select_n3A_737, %select_n3A_749, %select_n3A_750 in 0 : vector<64x128xf32>, vector<64x128xf32>, vector<64x128xf32>, vector<64x128xf32> -> vector<256x128xf32>
    %slice3A_752 = vector.extract_strided_slice %concatenate3A_751 {offsets = [0, 0], sizes = [128, 128], strides = [1, 1]} : vector<256x128xf32> to vector<128x128xf32>
    %slice3A_753 = vector.extract_strided_slice %concatenate3A_751 {offsets = [128, 0], sizes = [128, 128], strides = [1, 1]} : vector<256x128xf32> to vector<128x128xf32>
    %min3A_754 = arith.minimumf %slice3A_752, %slice3A_753 : vector<128x128xf32>
    %max3A_755 = arith.maximumf %slice3A_752, %slice3A_753 : vector<128x128xf32>
    %iota3A_756 = tpu.iota {dimensions = array<i32: 0>} : vector<128x128xi32>
    %and3A_757 = arith.constant 4 : i32
    %and3A_758 = vector.broadcast %and3A_757 : i32 to vector<128x128xi32>
    %and3A_759 = arith.andi %iota3A_756, %and3A_758 : vector<128x128xi32>
    %ne3A_760 = arith.constant 0 : i32
    %ne3A_761 = vector.broadcast %ne3A_760 : i32 to vector<128x128xi32>
    %ne3A_762 = arith.cmpi ne, %and3A_759, %ne3A_761 : vector<128x128xi32>
    %select_n3A_763 = arith.select %ne3A_762, %min3A_754, %max3A_755 : vector<128x128xi1>, vector<128x128xf32>
    %select_n3A_764 = arith.select %ne3A_762, %max3A_755, %min3A_754 : vector<128x128xi1>, vector<128x128xf32>
    %concatenate3A_765 = tpu.concatenate %select_n3A_763, %select_n3A_764 in 0 : vector<128x128xf32>, vector<128x128xf32> -> vector<256x128xf32>
    %iota3A_766 = tpu.iota {dimensions = array<i32: 0>} : vector<256x128xi32>
    %slice3A_767 = vector.extract_strided_slice %concatenate3A_765 {offsets = [4, 0], sizes = [252, 128], strides = [1, 1]} : vector<256x128xf32> to vector<252x128xf32>
    %slice3A_768 = vector.extract_strided_slice %concatenate3A_765 {offsets = [0, 0], sizes = [4, 128], strides = [1, 1]} : vector<256x128xf32> to vector<4x128xf32>
    %concatenate3A_769 = tpu.concatenate %slice3A_767, %slice3A_768 in 0 : vector<252x128xf32>, vector<4x128xf32> -> vector<256x128xf32>
    %slice3A_770 = vector.extract_strided_slice %concatenate3A_765 {offsets = [252, 0], sizes = [4, 128], strides = [1, 1]} : vector<256x128xf32> to vector<4x128xf32>
    %slice3A_771 = vector.extract_strided_slice %concatenate3A_765 {offsets = [0, 0], sizes = [252, 128], strides = [1, 1]} : vector<256x128xf32> to vector<252x128xf32>
    %concatenate3A_772 = tpu.concatenate %slice3A_770, %slice3A_771 in 0 : vector<4x128xf32>, vector<252x128xf32> -> vector<256x128xf32>
    %and3A_773 = arith.constant 4 : i32
    %and3A_774 = vector.broadcast %and3A_773 : i32 to vector<256x128xi32>
    %and3A_775 = arith.andi %iota3A_766, %and3A_774 : vector<256x128xi32>
    %ne3A_776 = arith.constant 0 : i32
    %ne3A_777 = vector.broadcast %ne3A_776 : i32 to vector<256x128xi32>
    %ne3A_778 = arith.cmpi ne, %and3A_775, %ne3A_777 : vector<256x128xi32>
    %select_n3A_779 = arith.select %ne3A_778, %concatenate3A_772, %concatenate3A_769 : vector<256x128xi1>, vector<256x128xf32>
    %and3A_780 = arith.constant 2 : i32
    %and3A_781 = vector.broadcast %and3A_780 : i32 to vector<256x128xi32>
    %and3A_782 = arith.andi %iota3A_766, %and3A_781 : vector<256x128xi32>
    %ne3A_783 = arith.constant 0 : i32
    %ne3A_784 = vector.broadcast %ne3A_783 : i32 to vector<256x128xi32>
    %ne3A_785 = arith.cmpi ne, %and3A_782, %ne3A_784 : vector<256x128xi32>
    %eq3A = arith.xori %ne3A_778, %ne3A_785 : vector<256x128xi1>
    %eq3A_786 = arith.constant dense<true> : vector<256x128xi1>
    %eq3A_787 = arith.xori %eq3A, %eq3A_786 : vector<256x128xi1>
    %max3A_788 = arith.maximumf %concatenate3A_765, %select_n3A_779 : vector<256x128xf32>
    %min3A_789 = arith.minimumf %concatenate3A_765, %select_n3A_779 : vector<256x128xf32>
    %select_n3A_790 = arith.select %eq3A_787, %max3A_788, %min3A_789 : vector<256x128xi1>, vector<256x128xf32>
    %slice3A_791 = vector.extract_strided_slice %select_n3A_790 {offsets = [0, 0], sizes = [8, 128], strides = [1, 1]} : vector<256x128xf32> to vector<8x128xf32>
    %slice3A_792 = vector.extract_strided_slice %select_n3A_790 {offsets = [8, 0], sizes = [8, 128], strides = [1, 1]} : vector<256x128xf32> to vector<8x128xf32>
    %min3A_793 = arith.minimumf %slice3A_791, %slice3A_792 : vector<8x128xf32>
    %max3A_794 = arith.maximumf %slice3A_791, %slice3A_792 : vector<8x128xf32>
    %iota3A_795 = tpu.iota {dimensions = array<i32: 0>} : vector<8x128xi32>
    %and3A_796 = arith.constant 2 : i32
    %and3A_797 = vector.broadcast %and3A_796 : i32 to vector<8x128xi32>
    %and3A_798 = arith.andi %iota3A_795, %and3A_797 : vector<8x128xi32>
    %ne3A_799 = arith.constant 0 : i32
    %ne3A_800 = vector.broadcast %ne3A_799 : i32 to vector<8x128xi32>
    %ne3A_801 = arith.cmpi ne, %and3A_798, %ne3A_800 : vector<8x128xi32>
    %select_n3A_802 = arith.select %ne3A_801, %min3A_793, %max3A_794 : vector<8x128xi1>, vector<8x128xf32>
    %select_n3A_803 = arith.select %ne3A_801, %max3A_794, %min3A_793 : vector<8x128xi1>, vector<8x128xf32>
    %slice3A_804 = vector.extract_strided_slice %select_n3A_790 {offsets = [16, 0], sizes = [8, 128], strides = [1, 1]} : vector<256x128xf32> to vector<8x128xf32>
    %slice3A_805 = vector.extract_strided_slice %select_n3A_790 {offsets = [24, 0], sizes = [8, 128], strides = [1, 1]} : vector<256x128xf32> to vector<8x128xf32>
    %min3A_806 = arith.minimumf %slice3A_804, %slice3A_805 : vector<8x128xf32>
    %max3A_807 = arith.maximumf %slice3A_804, %slice3A_805 : vector<8x128xf32>
    %iota3A_808 = tpu.iota {dimensions = array<i32: 0>} : vector<8x128xi32>
    %and3A_809 = arith.constant 2 : i32
    %and3A_810 = vector.broadcast %and3A_809 : i32 to vector<8x128xi32>
    %and3A_811 = arith.andi %iota3A_808, %and3A_810 : vector<8x128xi32>
    %ne3A_812 = arith.constant 0 : i32
    %ne3A_813 = vector.broadcast %ne3A_812 : i32 to vector<8x128xi32>
    %ne3A_814 = arith.cmpi ne, %and3A_811, %ne3A_813 : vector<8x128xi32>
    %select_n3A_815 = arith.select %ne3A_814, %min3A_806, %max3A_807 : vector<8x128xi1>, vector<8x128xf32>
    %select_n3A_816 = arith.select %ne3A_814, %max3A_807, %min3A_806 : vector<8x128xi1>, vector<8x128xf32>
    %slice3A_817 = vector.extract_strided_slice %select_n3A_790 {offsets = [32, 0], sizes = [8, 128], strides = [1, 1]} : vector<256x128xf32> to vector<8x128xf32>
    %slice3A_818 = vector.extract_strided_slice %select_n3A_790 {offsets = [40, 0], sizes = [8, 128], strides = [1, 1]} : vector<256x128xf32> to vector<8x128xf32>
    %min3A_819 = arith.minimumf %slice3A_817, %slice3A_818 : vector<8x128xf32>
    %max3A_820 = arith.maximumf %slice3A_817, %slice3A_818 : vector<8x128xf32>
    %iota3A_821 = tpu.iota {dimensions = array<i32: 0>} : vector<8x128xi32>
    %and3A_822 = arith.constant 2 : i32
    %and3A_823 = vector.broadcast %and3A_822 : i32 to vector<8x128xi32>
    %and3A_824 = arith.andi %iota3A_821, %and3A_823 : vector<8x128xi32>
    %ne3A_825 = arith.constant 0 : i32
    %ne3A_826 = vector.broadcast %ne3A_825 : i32 to vector<8x128xi32>
    %ne3A_827 = arith.cmpi ne, %and3A_824, %ne3A_826 : vector<8x128xi32>
    %select_n3A_828 = arith.select %ne3A_827, %min3A_819, %max3A_820 : vector<8x128xi1>, vector<8x128xf32>
    %select_n3A_829 = arith.select %ne3A_827, %max3A_820, %min3A_819 : vector<8x128xi1>, vector<8x128xf32>
    %slice3A_830 = vector.extract_strided_slice %select_n3A_790 {offsets = [48, 0], sizes = [8, 128], strides = [1, 1]} : vector<256x128xf32> to vector<8x128xf32>
    %slice3A_831 = vector.extract_strided_slice %select_n3A_790 {offsets = [56, 0], sizes = [8, 128], strides = [1, 1]} : vector<256x128xf32> to vector<8x128xf32>
    %min3A_832 = arith.minimumf %slice3A_830, %slice3A_831 : vector<8x128xf32>
    %max3A_833 = arith.maximumf %slice3A_830, %slice3A_831 : vector<8x128xf32>
    %iota3A_834 = tpu.iota {dimensions = array<i32: 0>} : vector<8x128xi32>
    %and3A_835 = arith.constant 2 : i32
    %and3A_836 = vector.broadcast %and3A_835 : i32 to vector<8x128xi32>
    %and3A_837 = arith.andi %iota3A_834, %and3A_836 : vector<8x128xi32>
    %ne3A_838 = arith.constant 0 : i32
    %ne3A_839 = vector.broadcast %ne3A_838 : i32 to vector<8x128xi32>
    %ne3A_840 = arith.cmpi ne, %and3A_837, %ne3A_839 : vector<8x128xi32>
    %select_n3A_841 = arith.select %ne3A_840, %min3A_832, %max3A_833 : vector<8x128xi1>, vector<8x128xf32>
    %select_n3A_842 = arith.select %ne3A_840, %max3A_833, %min3A_832 : vector<8x128xi1>, vector<8x128xf32>
    %slice3A_843 = vector.extract_strided_slice %select_n3A_790 {offsets = [64, 0], sizes = [8, 128], strides = [1, 1]} : vector<256x128xf32> to vector<8x128xf32>
    %slice3A_844 = vector.extract_strided_slice %select_n3A_790 {offsets = [72, 0], sizes = [8, 128], strides = [1, 1]} : vector<256x128xf32> to vector<8x128xf32>
    %min3A_845 = arith.minimumf %slice3A_843, %slice3A_844 : vector<8x128xf32>
    %max3A_846 = arith.maximumf %slice3A_843, %slice3A_844 : vector<8x128xf32>
    %iota3A_847 = tpu.iota {dimensions = array<i32: 0>} : vector<8x128xi32>
    %and3A_848 = arith.constant 2 : i32
    %and3A_849 = vector.broadcast %and3A_848 : i32 to vector<8x128xi32>
    %and3A_850 = arith.andi %iota3A_847, %and3A_849 : vector<8x128xi32>
    %ne3A_851 = arith.constant 0 : i32
    %ne3A_852 = vector.broadcast %ne3A_851 : i32 to vector<8x128xi32>
    %ne3A_853 = arith.cmpi ne, %and3A_850, %ne3A_852 : vector<8x128xi32>
    %select_n3A_854 = arith.select %ne3A_853, %min3A_845, %max3A_846 : vector<8x128xi1>, vector<8x128xf32>
    %select_n3A_855 = arith.select %ne3A_853, %max3A_846, %min3A_845 : vector<8x128xi1>, vector<8x128xf32>
    %slice3A_856 = vector.extract_strided_slice %select_n3A_790 {offsets = [80, 0], sizes = [8, 128], strides = [1, 1]} : vector<256x128xf32> to vector<8x128xf32>
    %slice3A_857 = vector.extract_strided_slice %select_n3A_790 {offsets = [88, 0], sizes = [8, 128], strides = [1, 1]} : vector<256x128xf32> to vector<8x128xf32>
    %min3A_858 = arith.minimumf %slice3A_856, %slice3A_857 : vector<8x128xf32>
    %max3A_859 = arith.maximumf %slice3A_856, %slice3A_857 : vector<8x128xf32>
    %iota3A_860 = tpu.iota {dimensions = array<i32: 0>} : vector<8x128xi32>
    %and3A_861 = arith.constant 2 : i32
    %and3A_862 = vector.broadcast %and3A_861 : i32 to vector<8x128xi32>
    %and3A_863 = arith.andi %iota3A_860, %and3A_862 : vector<8x128xi32>
    %ne3A_864 = arith.constant 0 : i32
    %ne3A_865 = vector.broadcast %ne3A_864 : i32 to vector<8x128xi32>
    %ne3A_866 = arith.cmpi ne, %and3A_863, %ne3A_865 : vector<8x128xi32>
    %select_n3A_867 = arith.select %ne3A_866, %min3A_858, %max3A_859 : vector<8x128xi1>, vector<8x128xf32>
    %select_n3A_868 = arith.select %ne3A_866, %max3A_859, %min3A_858 : vector<8x128xi1>, vector<8x128xf32>
    %slice3A_869 = vector.extract_strided_slice %select_n3A_790 {offsets = [96, 0], sizes = [8, 128], strides = [1, 1]} : vector<256x128xf32> to vector<8x128xf32>
    %slice3A_870 = vector.extract_strided_slice %select_n3A_790 {offsets = [104, 0], sizes = [8, 128], strides = [1, 1]} : vector<256x128xf32> to vector<8x128xf32>
    %min3A_871 = arith.minimumf %slice3A_869, %slice3A_870 : vector<8x128xf32>
    %max3A_872 = arith.maximumf %slice3A_869, %slice3A_870 : vector<8x128xf32>
    %iota3A_873 = tpu.iota {dimensions = array<i32: 0>} : vector<8x128xi32>
    %and3A_874 = arith.constant 2 : i32
    %and3A_875 = vector.broadcast %and3A_874 : i32 to vector<8x128xi32>
    %and3A_876 = arith.andi %iota3A_873, %and3A_875 : vector<8x128xi32>
    %ne3A_877 = arith.constant 0 : i32
    %ne3A_878 = vector.broadcast %ne3A_877 : i32 to vector<8x128xi32>
    %ne3A_879 = arith.cmpi ne, %and3A_876, %ne3A_878 : vector<8x128xi32>
    %select_n3A_880 = arith.select %ne3A_879, %min3A_871, %max3A_872 : vector<8x128xi1>, vector<8x128xf32>
    %select_n3A_881 = arith.select %ne3A_879, %max3A_872, %min3A_871 : vector<8x128xi1>, vector<8x128xf32>
    %slice3A_882 = vector.extract_strided_slice %select_n3A_790 {offsets = [112, 0], sizes = [8, 128], strides = [1, 1]} : vector<256x128xf32> to vector<8x128xf32>
    %slice3A_883 = vector.extract_strided_slice %select_n3A_790 {offsets = [120, 0], sizes = [8, 128], strides = [1, 1]} : vector<256x128xf32> to vector<8x128xf32>
    %min3A_884 = arith.minimumf %slice3A_882, %slice3A_883 : vector<8x128xf32>
    %max3A_885 = arith.maximumf %slice3A_882, %slice3A_883 : vector<8x128xf32>
    %iota3A_886 = tpu.iota {dimensions = array<i32: 0>} : vector<8x128xi32>
    %and3A_887 = arith.constant 2 : i32
    %and3A_888 = vector.broadcast %and3A_887 : i32 to vector<8x128xi32>
    %and3A_889 = arith.andi %iota3A_886, %and3A_888 : vector<8x128xi32>
    %ne3A_890 = arith.constant 0 : i32
    %ne3A_891 = vector.broadcast %ne3A_890 : i32 to vector<8x128xi32>
    %ne3A_892 = arith.cmpi ne, %and3A_889, %ne3A_891 : vector<8x128xi32>
    %select_n3A_893 = arith.select %ne3A_892, %min3A_884, %max3A_885 : vector<8x128xi1>, vector<8x128xf32>
    %select_n3A_894 = arith.select %ne3A_892, %max3A_885, %min3A_884 : vector<8x128xi1>, vector<8x128xf32>
    %slice3A_895 = vector.extract_strided_slice %select_n3A_790 {offsets = [128, 0], sizes = [8, 128], strides = [1, 1]} : vector<256x128xf32> to vector<8x128xf32>
    %slice3A_896 = vector.extract_strided_slice %select_n3A_790 {offsets = [136, 0], sizes = [8, 128], strides = [1, 1]} : vector<256x128xf32> to vector<8x128xf32>
    %min3A_897 = arith.minimumf %slice3A_895, %slice3A_896 : vector<8x128xf32>
    %max3A_898 = arith.maximumf %slice3A_895, %slice3A_896 : vector<8x128xf32>
    %iota3A_899 = tpu.iota {dimensions = array<i32: 0>} : vector<8x128xi32>
    %and3A_900 = arith.constant 2 : i32
    %and3A_901 = vector.broadcast %and3A_900 : i32 to vector<8x128xi32>
    %and3A_902 = arith.andi %iota3A_899, %and3A_901 : vector<8x128xi32>
    %ne3A_903 = arith.constant 0 : i32
    %ne3A_904 = vector.broadcast %ne3A_903 : i32 to vector<8x128xi32>
    %ne3A_905 = arith.cmpi ne, %and3A_902, %ne3A_904 : vector<8x128xi32>
    %select_n3A_906 = arith.select %ne3A_905, %min3A_897, %max3A_898 : vector<8x128xi1>, vector<8x128xf32>
    %select_n3A_907 = arith.select %ne3A_905, %max3A_898, %min3A_897 : vector<8x128xi1>, vector<8x128xf32>
    %slice3A_908 = vector.extract_strided_slice %select_n3A_790 {offsets = [144, 0], sizes = [8, 128], strides = [1, 1]} : vector<256x128xf32> to vector<8x128xf32>
    %slice3A_909 = vector.extract_strided_slice %select_n3A_790 {offsets = [152, 0], sizes = [8, 128], strides = [1, 1]} : vector<256x128xf32> to vector<8x128xf32>
    %min3A_910 = arith.minimumf %slice3A_908, %slice3A_909 : vector<8x128xf32>
    %max3A_911 = arith.maximumf %slice3A_908, %slice3A_909 : vector<8x128xf32>
    %iota3A_912 = tpu.iota {dimensions = array<i32: 0>} : vector<8x128xi32>
    %and3A_913 = arith.constant 2 : i32
    %and3A_914 = vector.broadcast %and3A_913 : i32 to vector<8x128xi32>
    %and3A_915 = arith.andi %iota3A_912, %and3A_914 : vector<8x128xi32>
    %ne3A_916 = arith.constant 0 : i32
    %ne3A_917 = vector.broadcast %ne3A_916 : i32 to vector<8x128xi32>
    %ne3A_918 = arith.cmpi ne, %and3A_915, %ne3A_917 : vector<8x128xi32>
    %select_n3A_919 = arith.select %ne3A_918, %min3A_910, %max3A_911 : vector<8x128xi1>, vector<8x128xf32>
    %select_n3A_920 = arith.select %ne3A_918, %max3A_911, %min3A_910 : vector<8x128xi1>, vector<8x128xf32>
    %slice3A_921 = vector.extract_strided_slice %select_n3A_790 {offsets = [160, 0], sizes = [8, 128], strides = [1, 1]} : vector<256x128xf32> to vector<8x128xf32>
    %slice3A_922 = vector.extract_strided_slice %select_n3A_790 {offsets = [168, 0], sizes = [8, 128], strides = [1, 1]} : vector<256x128xf32> to vector<8x128xf32>
    %min3A_923 = arith.minimumf %slice3A_921, %slice3A_922 : vector<8x128xf32>
    %max3A_924 = arith.maximumf %slice3A_921, %slice3A_922 : vector<8x128xf32>
    %iota3A_925 = tpu.iota {dimensions = array<i32: 0>} : vector<8x128xi32>
    %and3A_926 = arith.constant 2 : i32
    %and3A_927 = vector.broadcast %and3A_926 : i32 to vector<8x128xi32>
    %and3A_928 = arith.andi %iota3A_925, %and3A_927 : vector<8x128xi32>
    %ne3A_929 = arith.constant 0 : i32
    %ne3A_930 = vector.broadcast %ne3A_929 : i32 to vector<8x128xi32>
    %ne3A_931 = arith.cmpi ne, %and3A_928, %ne3A_930 : vector<8x128xi32>
    %select_n3A_932 = arith.select %ne3A_931, %min3A_923, %max3A_924 : vector<8x128xi1>, vector<8x128xf32>
    %select_n3A_933 = arith.select %ne3A_931, %max3A_924, %min3A_923 : vector<8x128xi1>, vector<8x128xf32>
    %slice3A_934 = vector.extract_strided_slice %select_n3A_790 {offsets = [176, 0], sizes = [8, 128], strides = [1, 1]} : vector<256x128xf32> to vector<8x128xf32>
    %slice3A_935 = vector.extract_strided_slice %select_n3A_790 {offsets = [184, 0], sizes = [8, 128], strides = [1, 1]} : vector<256x128xf32> to vector<8x128xf32>
    %min3A_936 = arith.minimumf %slice3A_934, %slice3A_935 : vector<8x128xf32>
    %max3A_937 = arith.maximumf %slice3A_934, %slice3A_935 : vector<8x128xf32>
    %iota3A_938 = tpu.iota {dimensions = array<i32: 0>} : vector<8x128xi32>
    %and3A_939 = arith.constant 2 : i32
    %and3A_940 = vector.broadcast %and3A_939 : i32 to vector<8x128xi32>
    %and3A_941 = arith.andi %iota3A_938, %and3A_940 : vector<8x128xi32>
    %ne3A_942 = arith.constant 0 : i32
    %ne3A_943 = vector.broadcast %ne3A_942 : i32 to vector<8x128xi32>
    %ne3A_944 = arith.cmpi ne, %and3A_941, %ne3A_943 : vector<8x128xi32>
    %select_n3A_945 = arith.select %ne3A_944, %min3A_936, %max3A_937 : vector<8x128xi1>, vector<8x128xf32>
    %select_n3A_946 = arith.select %ne3A_944, %max3A_937, %min3A_936 : vector<8x128xi1>, vector<8x128xf32>
    %slice3A_947 = vector.extract_strided_slice %select_n3A_790 {offsets = [192, 0], sizes = [8, 128], strides = [1, 1]} : vector<256x128xf32> to vector<8x128xf32>
    %slice3A_948 = vector.extract_strided_slice %select_n3A_790 {offsets = [200, 0], sizes = [8, 128], strides = [1, 1]} : vector<256x128xf32> to vector<8x128xf32>
    %min3A_949 = arith.minimumf %slice3A_947, %slice3A_948 : vector<8x128xf32>
    %max3A_950 = arith.maximumf %slice3A_947, %slice3A_948 : vector<8x128xf32>
    %iota3A_951 = tpu.iota {dimensions = array<i32: 0>} : vector<8x128xi32>
    %and3A_952 = arith.constant 2 : i32
    %and3A_953 = vector.broadcast %and3A_952 : i32 to vector<8x128xi32>
    %and3A_954 = arith.andi %iota3A_951, %and3A_953 : vector<8x128xi32>
    %ne3A_955 = arith.constant 0 : i32
    %ne3A_956 = vector.broadcast %ne3A_955 : i32 to vector<8x128xi32>
    %ne3A_957 = arith.cmpi ne, %and3A_954, %ne3A_956 : vector<8x128xi32>
    %select_n3A_958 = arith.select %ne3A_957, %min3A_949, %max3A_950 : vector<8x128xi1>, vector<8x128xf32>
    %select_n3A_959 = arith.select %ne3A_957, %max3A_950, %min3A_949 : vector<8x128xi1>, vector<8x128xf32>
    %slice3A_960 = vector.extract_strided_slice %select_n3A_790 {offsets = [208, 0], sizes = [8, 128], strides = [1, 1]} : vector<256x128xf32> to vector<8x128xf32>
    %slice3A_961 = vector.extract_strided_slice %select_n3A_790 {offsets = [216, 0], sizes = [8, 128], strides = [1, 1]} : vector<256x128xf32> to vector<8x128xf32>
    %min3A_962 = arith.minimumf %slice3A_960, %slice3A_961 : vector<8x128xf32>
    %max3A_963 = arith.maximumf %slice3A_960, %slice3A_961 : vector<8x128xf32>
    %iota3A_964 = tpu.iota {dimensions = array<i32: 0>} : vector<8x128xi32>
    %and3A_965 = arith.constant 2 : i32
    %and3A_966 = vector.broadcast %and3A_965 : i32 to vector<8x128xi32>
    %and3A_967 = arith.andi %iota3A_964, %and3A_966 : vector<8x128xi32>
    %ne3A_968 = arith.constant 0 : i32
    %ne3A_969 = vector.broadcast %ne3A_968 : i32 to vector<8x128xi32>
    %ne3A_970 = arith.cmpi ne, %and3A_967, %ne3A_969 : vector<8x128xi32>
    %select_n3A_971 = arith.select %ne3A_970, %min3A_962, %max3A_963 : vector<8x128xi1>, vector<8x128xf32>
    %select_n3A_972 = arith.select %ne3A_970, %max3A_963, %min3A_962 : vector<8x128xi1>, vector<8x128xf32>
    %slice3A_973 = vector.extract_strided_slice %select_n3A_790 {offsets = [224, 0], sizes = [8, 128], strides = [1, 1]} : vector<256x128xf32> to vector<8x128xf32>
    %slice3A_974 = vector.extract_strided_slice %select_n3A_790 {offsets = [232, 0], sizes = [8, 128], strides = [1, 1]} : vector<256x128xf32> to vector<8x128xf32>
    %min3A_975 = arith.minimumf %slice3A_973, %slice3A_974 : vector<8x128xf32>
    %max3A_976 = arith.maximumf %slice3A_973, %slice3A_974 : vector<8x128xf32>
    %iota3A_977 = tpu.iota {dimensions = array<i32: 0>} : vector<8x128xi32>
    %and3A_978 = arith.constant 2 : i32
    %and3A_979 = vector.broadcast %and3A_978 : i32 to vector<8x128xi32>
    %and3A_980 = arith.andi %iota3A_977, %and3A_979 : vector<8x128xi32>
    %ne3A_981 = arith.constant 0 : i32
    %ne3A_982 = vector.broadcast %ne3A_981 : i32 to vector<8x128xi32>
    %ne3A_983 = arith.cmpi ne, %and3A_980, %ne3A_982 : vector<8x128xi32>
    %select_n3A_984 = arith.select %ne3A_983, %min3A_975, %max3A_976 : vector<8x128xi1>, vector<8x128xf32>
    %select_n3A_985 = arith.select %ne3A_983, %max3A_976, %min3A_975 : vector<8x128xi1>, vector<8x128xf32>
    %slice3A_986 = vector.extract_strided_slice %select_n3A_790 {offsets = [240, 0], sizes = [8, 128], strides = [1, 1]} : vector<256x128xf32> to vector<8x128xf32>
    %slice3A_987 = vector.extract_strided_slice %select_n3A_790 {offsets = [248, 0], sizes = [8, 128], strides = [1, 1]} : vector<256x128xf32> to vector<8x128xf32>
    %min3A_988 = arith.minimumf %slice3A_986, %slice3A_987 : vector<8x128xf32>
    %max3A_989 = arith.maximumf %slice3A_986, %slice3A_987 : vector<8x128xf32>
    %iota3A_990 = tpu.iota {dimensions = array<i32: 0>} : vector<8x128xi32>
    %and3A_991 = arith.constant 2 : i32
    %and3A_992 = vector.broadcast %and3A_991 : i32 to vector<8x128xi32>
    %and3A_993 = arith.andi %iota3A_990, %and3A_992 : vector<8x128xi32>
    %ne3A_994 = arith.constant 0 : i32
    %ne3A_995 = vector.broadcast %ne3A_994 : i32 to vector<8x128xi32>
    %ne3A_996 = arith.cmpi ne, %and3A_993, %ne3A_995 : vector<8x128xi32>
    %select_n3A_997 = arith.select %ne3A_996, %min3A_988, %max3A_989 : vector<8x128xi1>, vector<8x128xf32>
    %select_n3A_998 = arith.select %ne3A_996, %max3A_989, %min3A_988 : vector<8x128xi1>, vector<8x128xf32>
    %concatenate3A_999 = tpu.concatenate %select_n3A_802, %select_n3A_803, %select_n3A_815, %select_n3A_816, %select_n3A_828, %select_n3A_829, %select_n3A_841, %select_n3A_842, %select_n3A_854, %select_n3A_855, %select_n3A_867, %select_n3A_868, %select_n3A_880, %select_n3A_881, %select_n3A_893, %select_n3A_894, %select_n3A_906, %select_n3A_907, %select_n3A_919, %select_n3A_920, %select_n3A_932, %select_n3A_933, %select_n3A_945, %select_n3A_946, %select_n3A_958, %select_n3A_959, %select_n3A_971, %select_n3A_972, %select_n3A_984, %select_n3A_985, %select_n3A_997, %select_n3A_998 in 0 : vector<8x128xf32>, vector<8x128xf32>, vector<8x128xf32>, vector<8x128xf32>, vector<8x128xf32>, vector<8x128xf32>, vector<8x128xf32>, vector<8x128xf32>, vector<8x128xf32>, vector<8x128xf32>, vector<8x128xf32>, vector<8x128xf32>, vector<8x128xf32>, vector<8x128xf32>, vector<8x128xf32>, vector<8x128xf32>, vector<8x128xf32>, vector<8x128xf32>, vector<8x128xf32>, vector<8x128xf32>, vector<8x128xf32>, vector<8x128xf32>, vector<8x128xf32>, vector<8x128xf32>, vector<8x128xf32>, vector<8x128xf32>, vector<8x128xf32>, vector<8x128xf32>, vector<8x128xf32>, vector<8x128xf32>, vector<8x128xf32>, vector<8x128xf32> -> vector<256x128xf32>
    %slice3A_1000 = vector.extract_strided_slice %concatenate3A_999 {offsets = [0, 0], sizes = [16, 128], strides = [1, 1]} : vector<256x128xf32> to vector<16x128xf32>
    %slice3A_1001 = vector.extract_strided_slice %concatenate3A_999 {offsets = [16, 0], sizes = [16, 128], strides = [1, 1]} : vector<256x128xf32> to vector<16x128xf32>
    %min3A_1002 = arith.minimumf %slice3A_1000, %slice3A_1001 : vector<16x128xf32>
    %max3A_1003 = arith.maximumf %slice3A_1000, %slice3A_1001 : vector<16x128xf32>
    %iota3A_1004 = tpu.iota {dimensions = array<i32: 0>} : vector<16x128xi32>
    %and3A_1005 = arith.constant 2 : i32
    %and3A_1006 = vector.broadcast %and3A_1005 : i32 to vector<16x128xi32>
    %and3A_1007 = arith.andi %iota3A_1004, %and3A_1006 : vector<16x128xi32>
    %ne3A_1008 = arith.constant 0 : i32
    %ne3A_1009 = vector.broadcast %ne3A_1008 : i32 to vector<16x128xi32>
    %ne3A_1010 = arith.cmpi ne, %and3A_1007, %ne3A_1009 : vector<16x128xi32>
    %select_n3A_1011 = arith.select %ne3A_1010, %min3A_1002, %max3A_1003 : vector<16x128xi1>, vector<16x128xf32>
    %select_n3A_1012 = arith.select %ne3A_1010, %max3A_1003, %min3A_1002 : vector<16x128xi1>, vector<16x128xf32>
    %slice3A_1013 = vector.extract_strided_slice %concatenate3A_999 {offsets = [32, 0], sizes = [16, 128], strides = [1, 1]} : vector<256x128xf32> to vector<16x128xf32>
    %slice3A_1014 = vector.extract_strided_slice %concatenate3A_999 {offsets = [48, 0], sizes = [16, 128], strides = [1, 1]} : vector<256x128xf32> to vector<16x128xf32>
    %min3A_1015 = arith.minimumf %slice3A_1013, %slice3A_1014 : vector<16x128xf32>
    %max3A_1016 = arith.maximumf %slice3A_1013, %slice3A_1014 : vector<16x128xf32>
    %iota3A_1017 = tpu.iota {dimensions = array<i32: 0>} : vector<16x128xi32>
    %and3A_1018 = arith.constant 2 : i32
    %and3A_1019 = vector.broadcast %and3A_1018 : i32 to vector<16x128xi32>
    %and3A_1020 = arith.andi %iota3A_1017, %and3A_1019 : vector<16x128xi32>
    %ne3A_1021 = arith.constant 0 : i32
    %ne3A_1022 = vector.broadcast %ne3A_1021 : i32 to vector<16x128xi32>
    %ne3A_1023 = arith.cmpi ne, %and3A_1020, %ne3A_1022 : vector<16x128xi32>
    %select_n3A_1024 = arith.select %ne3A_1023, %min3A_1015, %max3A_1016 : vector<16x128xi1>, vector<16x128xf32>
    %select_n3A_1025 = arith.select %ne3A_1023, %max3A_1016, %min3A_1015 : vector<16x128xi1>, vector<16x128xf32>
    %slice3A_1026 = vector.extract_strided_slice %concatenate3A_999 {offsets = [64, 0], sizes = [16, 128], strides = [1, 1]} : vector<256x128xf32> to vector<16x128xf32>
    %slice3A_1027 = vector.extract_strided_slice %concatenate3A_999 {offsets = [80, 0], sizes = [16, 128], strides = [1, 1]} : vector<256x128xf32> to vector<16x128xf32>
    %min3A_1028 = arith.minimumf %slice3A_1026, %slice3A_1027 : vector<16x128xf32>
    %max3A_1029 = arith.maximumf %slice3A_1026, %slice3A_1027 : vector<16x128xf32>
    %iota3A_1030 = tpu.iota {dimensions = array<i32: 0>} : vector<16x128xi32>
    %and3A_1031 = arith.constant 2 : i32
    %and3A_1032 = vector.broadcast %and3A_1031 : i32 to vector<16x128xi32>
    %and3A_1033 = arith.andi %iota3A_1030, %and3A_1032 : vector<16x128xi32>
    %ne3A_1034 = arith.constant 0 : i32
    %ne3A_1035 = vector.broadcast %ne3A_1034 : i32 to vector<16x128xi32>
    %ne3A_1036 = arith.cmpi ne, %and3A_1033, %ne3A_1035 : vector<16x128xi32>
    %select_n3A_1037 = arith.select %ne3A_1036, %min3A_1028, %max3A_1029 : vector<16x128xi1>, vector<16x128xf32>
    %select_n3A_1038 = arith.select %ne3A_1036, %max3A_1029, %min3A_1028 : vector<16x128xi1>, vector<16x128xf32>
    %slice3A_1039 = vector.extract_strided_slice %concatenate3A_999 {offsets = [96, 0], sizes = [16, 128], strides = [1, 1]} : vector<256x128xf32> to vector<16x128xf32>
    %slice3A_1040 = vector.extract_strided_slice %concatenate3A_999 {offsets = [112, 0], sizes = [16, 128], strides = [1, 1]} : vector<256x128xf32> to vector<16x128xf32>
    %min3A_1041 = arith.minimumf %slice3A_1039, %slice3A_1040 : vector<16x128xf32>
    %max3A_1042 = arith.maximumf %slice3A_1039, %slice3A_1040 : vector<16x128xf32>
    %iota3A_1043 = tpu.iota {dimensions = array<i32: 0>} : vector<16x128xi32>
    %and3A_1044 = arith.constant 2 : i32
    %and3A_1045 = vector.broadcast %and3A_1044 : i32 to vector<16x128xi32>
    %and3A_1046 = arith.andi %iota3A_1043, %and3A_1045 : vector<16x128xi32>
    %ne3A_1047 = arith.constant 0 : i32
    %ne3A_1048 = vector.broadcast %ne3A_1047 : i32 to vector<16x128xi32>
    %ne3A_1049 = arith.cmpi ne, %and3A_1046, %ne3A_1048 : vector<16x128xi32>
    %select_n3A_1050 = arith.select %ne3A_1049, %min3A_1041, %max3A_1042 : vector<16x128xi1>, vector<16x128xf32>
    %select_n3A_1051 = arith.select %ne3A_1049, %max3A_1042, %min3A_1041 : vector<16x128xi1>, vector<16x128xf32>
    %slice3A_1052 = vector.extract_strided_slice %concatenate3A_999 {offsets = [128, 0], sizes = [16, 128], strides = [1, 1]} : vector<256x128xf32> to vector<16x128xf32>
    %slice3A_1053 = vector.extract_strided_slice %concatenate3A_999 {offsets = [144, 0], sizes = [16, 128], strides = [1, 1]} : vector<256x128xf32> to vector<16x128xf32>
    %min3A_1054 = arith.minimumf %slice3A_1052, %slice3A_1053 : vector<16x128xf32>
    %max3A_1055 = arith.maximumf %slice3A_1052, %slice3A_1053 : vector<16x128xf32>
    %iota3A_1056 = tpu.iota {dimensions = array<i32: 0>} : vector<16x128xi32>
    %and3A_1057 = arith.constant 2 : i32
    %and3A_1058 = vector.broadcast %and3A_1057 : i32 to vector<16x128xi32>
    %and3A_1059 = arith.andi %iota3A_1056, %and3A_1058 : vector<16x128xi32>
    %ne3A_1060 = arith.constant 0 : i32
    %ne3A_1061 = vector.broadcast %ne3A_1060 : i32 to vector<16x128xi32>
    %ne3A_1062 = arith.cmpi ne, %and3A_1059, %ne3A_1061 : vector<16x128xi32>
    %select_n3A_1063 = arith.select %ne3A_1062, %min3A_1054, %max3A_1055 : vector<16x128xi1>, vector<16x128xf32>
    %select_n3A_1064 = arith.select %ne3A_1062, %max3A_1055, %min3A_1054 : vector<16x128xi1>, vector<16x128xf32>
    %slice3A_1065 = vector.extract_strided_slice %concatenate3A_999 {offsets = [160, 0], sizes = [16, 128], strides = [1, 1]} : vector<256x128xf32> to vector<16x128xf32>
    %slice3A_1066 = vector.extract_strided_slice %concatenate3A_999 {offsets = [176, 0], sizes = [16, 128], strides = [1, 1]} : vector<256x128xf32> to vector<16x128xf32>
    %min3A_1067 = arith.minimumf %slice3A_1065, %slice3A_1066 : vector<16x128xf32>
    %max3A_1068 = arith.maximumf %slice3A_1065, %slice3A_1066 : vector<16x128xf32>
    %iota3A_1069 = tpu.iota {dimensions = array<i32: 0>} : vector<16x128xi32>
    %and3A_1070 = arith.constant 2 : i32
    %and3A_1071 = vector.broadcast %and3A_1070 : i32 to vector<16x128xi32>
    %and3A_1072 = arith.andi %iota3A_1069, %and3A_1071 : vector<16x128xi32>
    %ne3A_1073 = arith.constant 0 : i32
    %ne3A_1074 = vector.broadcast %ne3A_1073 : i32 to vector<16x128xi32>
    %ne3A_1075 = arith.cmpi ne, %and3A_1072, %ne3A_1074 : vector<16x128xi32>
    %select_n3A_1076 = arith.select %ne3A_1075, %min3A_1067, %max3A_1068 : vector<16x128xi1>, vector<16x128xf32>
    %select_n3A_1077 = arith.select %ne3A_1075, %max3A_1068, %min3A_1067 : vector<16x128xi1>, vector<16x128xf32>
    %slice3A_1078 = vector.extract_strided_slice %concatenate3A_999 {offsets = [192, 0], sizes = [16, 128], strides = [1, 1]} : vector<256x128xf32> to vector<16x128xf32>
    %slice3A_1079 = vector.extract_strided_slice %concatenate3A_999 {offsets = [208, 0], sizes = [16, 128], strides = [1, 1]} : vector<256x128xf32> to vector<16x128xf32>
    %min3A_1080 = arith.minimumf %slice3A_1078, %slice3A_1079 : vector<16x128xf32>
    %max3A_1081 = arith.maximumf %slice3A_1078, %slice3A_1079 : vector<16x128xf32>
    %iota3A_1082 = tpu.iota {dimensions = array<i32: 0>} : vector<16x128xi32>
    %and3A_1083 = arith.constant 2 : i32
    %and3A_1084 = vector.broadcast %and3A_1083 : i32 to vector<16x128xi32>
    %and3A_1085 = arith.andi %iota3A_1082, %and3A_1084 : vector<16x128xi32>
    %ne3A_1086 = arith.constant 0 : i32
    %ne3A_1087 = vector.broadcast %ne3A_1086 : i32 to vector<16x128xi32>
    %ne3A_1088 = arith.cmpi ne, %and3A_1085, %ne3A_1087 : vector<16x128xi32>
    %select_n3A_1089 = arith.select %ne3A_1088, %min3A_1080, %max3A_1081 : vector<16x128xi1>, vector<16x128xf32>
    %select_n3A_1090 = arith.select %ne3A_1088, %max3A_1081, %min3A_1080 : vector<16x128xi1>, vector<16x128xf32>
    %slice3A_1091 = vector.extract_strided_slice %concatenate3A_999 {offsets = [224, 0], sizes = [16, 128], strides = [1, 1]} : vector<256x128xf32> to vector<16x128xf32>
    %slice3A_1092 = vector.extract_strided_slice %concatenate3A_999 {offsets = [240, 0], sizes = [16, 128], strides = [1, 1]} : vector<256x128xf32> to vector<16x128xf32>
    %min3A_1093 = arith.minimumf %slice3A_1091, %slice3A_1092 : vector<16x128xf32>
    %max3A_1094 = arith.maximumf %slice3A_1091, %slice3A_1092 : vector<16x128xf32>
    %iota3A_1095 = tpu.iota {dimensions = array<i32: 0>} : vector<16x128xi32>
    %and3A_1096 = arith.constant 2 : i32
    %and3A_1097 = vector.broadcast %and3A_1096 : i32 to vector<16x128xi32>
    %and3A_1098 = arith.andi %iota3A_1095, %and3A_1097 : vector<16x128xi32>
    %ne3A_1099 = arith.constant 0 : i32
    %ne3A_1100 = vector.broadcast %ne3A_1099 : i32 to vector<16x128xi32>
    %ne3A_1101 = arith.cmpi ne, %and3A_1098, %ne3A_1100 : vector<16x128xi32>
    %select_n3A_1102 = arith.select %ne3A_1101, %min3A_1093, %max3A_1094 : vector<16x128xi1>, vector<16x128xf32>
    %select_n3A_1103 = arith.select %ne3A_1101, %max3A_1094, %min3A_1093 : vector<16x128xi1>, vector<16x128xf32>
    %concatenate3A_1104 = tpu.concatenate %select_n3A_1011, %select_n3A_1012, %select_n3A_1024, %select_n3A_1025, %select_n3A_1037, %select_n3A_1038, %select_n3A_1050, %select_n3A_1051, %select_n3A_1063, %select_n3A_1064, %select_n3A_1076, %select_n3A_1077, %select_n3A_1089, %select_n3A_1090, %select_n3A_1102, %select_n3A_1103 in 0 : vector<16x128xf32>, vector<16x128xf32>, vector<16x128xf32>, vector<16x128xf32>, vector<16x128xf32>, vector<16x128xf32>, vector<16x128xf32>, vector<16x128xf32>, vector<16x128xf32>, vector<16x128xf32>, vector<16x128xf32>, vector<16x128xf32>, vector<16x128xf32>, vector<16x128xf32>, vector<16x128xf32>, vector<16x128xf32> -> vector<256x128xf32>
    %slice3A_1105 = vector.extract_strided_slice %concatenate3A_1104 {offsets = [0, 0], sizes = [32, 128], strides = [1, 1]} : vector<256x128xf32> to vector<32x128xf32>
    %slice3A_1106 = vector.extract_strided_slice %concatenate3A_1104 {offsets = [32, 0], sizes = [32, 128], strides = [1, 1]} : vector<256x128xf32> to vector<32x128xf32>
    %min3A_1107 = arith.minimumf %slice3A_1105, %slice3A_1106 : vector<32x128xf32>
    %max3A_1108 = arith.maximumf %slice3A_1105, %slice3A_1106 : vector<32x128xf32>
    %iota3A_1109 = tpu.iota {dimensions = array<i32: 0>} : vector<32x128xi32>
    %and3A_1110 = arith.constant 2 : i32
    %and3A_1111 = vector.broadcast %and3A_1110 : i32 to vector<32x128xi32>
    %and3A_1112 = arith.andi %iota3A_1109, %and3A_1111 : vector<32x128xi32>
    %ne3A_1113 = arith.constant 0 : i32
    %ne3A_1114 = vector.broadcast %ne3A_1113 : i32 to vector<32x128xi32>
    %ne3A_1115 = arith.cmpi ne, %and3A_1112, %ne3A_1114 : vector<32x128xi32>
    %select_n3A_1116 = arith.select %ne3A_1115, %min3A_1107, %max3A_1108 : vector<32x128xi1>, vector<32x128xf32>
    %select_n3A_1117 = arith.select %ne3A_1115, %max3A_1108, %min3A_1107 : vector<32x128xi1>, vector<32x128xf32>
    %slice3A_1118 = vector.extract_strided_slice %concatenate3A_1104 {offsets = [64, 0], sizes = [32, 128], strides = [1, 1]} : vector<256x128xf32> to vector<32x128xf32>
    %slice3A_1119 = vector.extract_strided_slice %concatenate3A_1104 {offsets = [96, 0], sizes = [32, 128], strides = [1, 1]} : vector<256x128xf32> to vector<32x128xf32>
    %min3A_1120 = arith.minimumf %slice3A_1118, %slice3A_1119 : vector<32x128xf32>
    %max3A_1121 = arith.maximumf %slice3A_1118, %slice3A_1119 : vector<32x128xf32>
    %iota3A_1122 = tpu.iota {dimensions = array<i32: 0>} : vector<32x128xi32>
    %and3A_1123 = arith.constant 2 : i32
    %and3A_1124 = vector.broadcast %and3A_1123 : i32 to vector<32x128xi32>
    %and3A_1125 = arith.andi %iota3A_1122, %and3A_1124 : vector<32x128xi32>
    %ne3A_1126 = arith.constant 0 : i32
    %ne3A_1127 = vector.broadcast %ne3A_1126 : i32 to vector<32x128xi32>
    %ne3A_1128 = arith.cmpi ne, %and3A_1125, %ne3A_1127 : vector<32x128xi32>
    %select_n3A_1129 = arith.select %ne3A_1128, %min3A_1120, %max3A_1121 : vector<32x128xi1>, vector<32x128xf32>
    %select_n3A_1130 = arith.select %ne3A_1128, %max3A_1121, %min3A_1120 : vector<32x128xi1>, vector<32x128xf32>
    %slice3A_1131 = vector.extract_strided_slice %concatenate3A_1104 {offsets = [128, 0], sizes = [32, 128], strides = [1, 1]} : vector<256x128xf32> to vector<32x128xf32>
    %slice3A_1132 = vector.extract_strided_slice %concatenate3A_1104 {offsets = [160, 0], sizes = [32, 128], strides = [1, 1]} : vector<256x128xf32> to vector<32x128xf32>
    %min3A_1133 = arith.minimumf %slice3A_1131, %slice3A_1132 : vector<32x128xf32>
    %max3A_1134 = arith.maximumf %slice3A_1131, %slice3A_1132 : vector<32x128xf32>
    %iota3A_1135 = tpu.iota {dimensions = array<i32: 0>} : vector<32x128xi32>
    %and3A_1136 = arith.constant 2 : i32
    %and3A_1137 = vector.broadcast %and3A_1136 : i32 to vector<32x128xi32>
    %and3A_1138 = arith.andi %iota3A_1135, %and3A_1137 : vector<32x128xi32>
    %ne3A_1139 = arith.constant 0 : i32
    %ne3A_1140 = vector.broadcast %ne3A_1139 : i32 to vector<32x128xi32>
    %ne3A_1141 = arith.cmpi ne, %and3A_1138, %ne3A_1140 : vector<32x128xi32>
    %select_n3A_1142 = arith.select %ne3A_1141, %min3A_1133, %max3A_1134 : vector<32x128xi1>, vector<32x128xf32>
    %select_n3A_1143 = arith.select %ne3A_1141, %max3A_1134, %min3A_1133 : vector<32x128xi1>, vector<32x128xf32>
    %slice3A_1144 = vector.extract_strided_slice %concatenate3A_1104 {offsets = [192, 0], sizes = [32, 128], strides = [1, 1]} : vector<256x128xf32> to vector<32x128xf32>
    %slice3A_1145 = vector.extract_strided_slice %concatenate3A_1104 {offsets = [224, 0], sizes = [32, 128], strides = [1, 1]} : vector<256x128xf32> to vector<32x128xf32>
    %min3A_1146 = arith.minimumf %slice3A_1144, %slice3A_1145 : vector<32x128xf32>
    %max3A_1147 = arith.maximumf %slice3A_1144, %slice3A_1145 : vector<32x128xf32>
    %iota3A_1148 = tpu.iota {dimensions = array<i32: 0>} : vector<32x128xi32>
    %and3A_1149 = arith.constant 2 : i32
    %and3A_1150 = vector.broadcast %and3A_1149 : i32 to vector<32x128xi32>
    %and3A_1151 = arith.andi %iota3A_1148, %and3A_1150 : vector<32x128xi32>
    %ne3A_1152 = arith.constant 0 : i32
    %ne3A_1153 = vector.broadcast %ne3A_1152 : i32 to vector<32x128xi32>
    %ne3A_1154 = arith.cmpi ne, %and3A_1151, %ne3A_1153 : vector<32x128xi32>
    %select_n3A_1155 = arith.select %ne3A_1154, %min3A_1146, %max3A_1147 : vector<32x128xi1>, vector<32x128xf32>
    %select_n3A_1156 = arith.select %ne3A_1154, %max3A_1147, %min3A_1146 : vector<32x128xi1>, vector<32x128xf32>
    %concatenate3A_1157 = tpu.concatenate %select_n3A_1116, %select_n3A_1117, %select_n3A_1129, %select_n3A_1130, %select_n3A_1142, %select_n3A_1143, %select_n3A_1155, %select_n3A_1156 in 0 : vector<32x128xf32>, vector<32x128xf32>, vector<32x128xf32>, vector<32x128xf32>, vector<32x128xf32>, vector<32x128xf32>, vector<32x128xf32>, vector<32x128xf32> -> vector<256x128xf32>
    %slice3A_1158 = vector.extract_strided_slice %concatenate3A_1157 {offsets = [0, 0], sizes = [64, 128], strides = [1, 1]} : vector<256x128xf32> to vector<64x128xf32>
    %slice3A_1159 = vector.extract_strided_slice %concatenate3A_1157 {offsets = [64, 0], sizes = [64, 128], strides = [1, 1]} : vector<256x128xf32> to vector<64x128xf32>
    %min3A_1160 = arith.minimumf %slice3A_1158, %slice3A_1159 : vector<64x128xf32>
    %max3A_1161 = arith.maximumf %slice3A_1158, %slice3A_1159 : vector<64x128xf32>
    %iota3A_1162 = tpu.iota {dimensions = array<i32: 0>} : vector<64x128xi32>
    %and3A_1163 = arith.constant 2 : i32
    %and3A_1164 = vector.broadcast %and3A_1163 : i32 to vector<64x128xi32>
    %and3A_1165 = arith.andi %iota3A_1162, %and3A_1164 : vector<64x128xi32>
    %ne3A_1166 = arith.constant 0 : i32
    %ne3A_1167 = vector.broadcast %ne3A_1166 : i32 to vector<64x128xi32>
    %ne3A_1168 = arith.cmpi ne, %and3A_1165, %ne3A_1167 : vector<64x128xi32>
    %select_n3A_1169 = arith.select %ne3A_1168, %min3A_1160, %max3A_1161 : vector<64x128xi1>, vector<64x128xf32>
    %select_n3A_1170 = arith.select %ne3A_1168, %max3A_1161, %min3A_1160 : vector<64x128xi1>, vector<64x128xf32>
    %slice3A_1171 = vector.extract_strided_slice %concatenate3A_1157 {offsets = [128, 0], sizes = [64, 128], strides = [1, 1]} : vector<256x128xf32> to vector<64x128xf32>
    %slice3A_1172 = vector.extract_strided_slice %concatenate3A_1157 {offsets = [192, 0], sizes = [64, 128], strides = [1, 1]} : vector<256x128xf32> to vector<64x128xf32>
    %min3A_1173 = arith.minimumf %slice3A_1171, %slice3A_1172 : vector<64x128xf32>
    %max3A_1174 = arith.maximumf %slice3A_1171, %slice3A_1172 : vector<64x128xf32>
    %iota3A_1175 = tpu.iota {dimensions = array<i32: 0>} : vector<64x128xi32>
    %and3A_1176 = arith.constant 2 : i32
    %and3A_1177 = vector.broadcast %and3A_1176 : i32 to vector<64x128xi32>
    %and3A_1178 = arith.andi %iota3A_1175, %and3A_1177 : vector<64x128xi32>
    %ne3A_1179 = arith.constant 0 : i32
    %ne3A_1180 = vector.broadcast %ne3A_1179 : i32 to vector<64x128xi32>
    %ne3A_1181 = arith.cmpi ne, %and3A_1178, %ne3A_1180 : vector<64x128xi32>
    %select_n3A_1182 = arith.select %ne3A_1181, %min3A_1173, %max3A_1174 : vector<64x128xi1>, vector<64x128xf32>
    %select_n3A_1183 = arith.select %ne3A_1181, %max3A_1174, %min3A_1173 : vector<64x128xi1>, vector<64x128xf32>
    %concatenate3A_1184 = tpu.concatenate %select_n3A_1169, %select_n3A_1170, %select_n3A_1182, %select_n3A_1183 in 0 : vector<64x128xf32>, vector<64x128xf32>, vector<64x128xf32>, vector<64x128xf32> -> vector<256x128xf32>
    %slice3A_1185 = vector.extract_strided_slice %concatenate3A_1184 {offsets = [0, 0], sizes = [128, 128], strides = [1, 1]} : vector<256x128xf32> to vector<128x128xf32>
    %slice3A_1186 = vector.extract_strided_slice %concatenate3A_1184 {offsets = [128, 0], sizes = [128, 128], strides = [1, 1]} : vector<256x128xf32> to vector<128x128xf32>
    %min3A_1187 = arith.minimumf %slice3A_1185, %slice3A_1186 : vector<128x128xf32>
    %max3A_1188 = arith.maximumf %slice3A_1185, %slice3A_1186 : vector<128x128xf32>
    %iota3A_1189 = tpu.iota {dimensions = array<i32: 0>} : vector<128x128xi32>
    %and3A_1190 = arith.constant 2 : i32
    %and3A_1191 = vector.broadcast %and3A_1190 : i32 to vector<128x128xi32>
    %and3A_1192 = arith.andi %iota3A_1189, %and3A_1191 : vector<128x128xi32>
    %ne3A_1193 = arith.constant 0 : i32
    %ne3A_1194 = vector.broadcast %ne3A_1193 : i32 to vector<128x128xi32>
    %ne3A_1195 = arith.cmpi ne, %and3A_1192, %ne3A_1194 : vector<128x128xi32>
    %select_n3A_1196 = arith.select %ne3A_1195, %min3A_1187, %max3A_1188 : vector<128x128xi1>, vector<128x128xf32>
    %select_n3A_1197 = arith.select %ne3A_1195, %max3A_1188, %min3A_1187 : vector<128x128xi1>, vector<128x128xf32>
    %concatenate3A_1198 = tpu.concatenate %select_n3A_1196, %select_n3A_1197 in 0 : vector<128x128xf32>, vector<128x128xf32> -> vector<256x128xf32>
    %iota3A_1199 = tpu.iota {dimensions = array<i32: 0>} : vector<256x128xi32>
    %slice3A_1200 = vector.extract_strided_slice %concatenate3A_1198 {offsets = [2, 0], sizes = [254, 128], strides = [1, 1]} : vector<256x128xf32> to vector<254x128xf32>
    %slice3A_1201 = vector.extract_strided_slice %concatenate3A_1198 {offsets = [0, 0], sizes = [2, 128], strides = [1, 1]} : vector<256x128xf32> to vector<2x128xf32>
    %concatenate3A_1202 = tpu.concatenate %slice3A_1200, %slice3A_1201 in 0 : vector<254x128xf32>, vector<2x128xf32> -> vector<256x128xf32>
    %slice3A_1203 = vector.extract_strided_slice %concatenate3A_1198 {offsets = [254, 0], sizes = [2, 128], strides = [1, 1]} : vector<256x128xf32> to vector<2x128xf32>
    %slice3A_1204 = vector.extract_strided_slice %concatenate3A_1198 {offsets = [0, 0], sizes = [254, 128], strides = [1, 1]} : vector<256x128xf32> to vector<254x128xf32>
    %concatenate3A_1205 = tpu.concatenate %slice3A_1203, %slice3A_1204 in 0 : vector<2x128xf32>, vector<254x128xf32> -> vector<256x128xf32>
    %and3A_1206 = arith.constant 2 : i32
    %and3A_1207 = vector.broadcast %and3A_1206 : i32 to vector<256x128xi32>
    %and3A_1208 = arith.andi %iota3A_1199, %and3A_1207 : vector<256x128xi32>
    %ne3A_1209 = arith.constant 0 : i32
    %ne3A_1210 = vector.broadcast %ne3A_1209 : i32 to vector<256x128xi32>
    %ne3A_1211 = arith.cmpi ne, %and3A_1208, %ne3A_1210 : vector<256x128xi32>
    %select_n3A_1212 = arith.select %ne3A_1211, %concatenate3A_1205, %concatenate3A_1202 : vector<256x128xi1>, vector<256x128xf32>
    %and3A_1213 = arith.constant 1 : i32
    %and3A_1214 = vector.broadcast %and3A_1213 : i32 to vector<256x128xi32>
    %and3A_1215 = arith.andi %iota3A_1199, %and3A_1214 : vector<256x128xi32>
    %ne3A_1216 = arith.constant 0 : i32
    %ne3A_1217 = vector.broadcast %ne3A_1216 : i32 to vector<256x128xi32>
    %ne3A_1218 = arith.cmpi ne, %and3A_1215, %ne3A_1217 : vector<256x128xi32>
    %eq3A_1219 = arith.xori %ne3A_1211, %ne3A_1218 : vector<256x128xi1>
    %eq3A_1220 = arith.constant dense<true> : vector<256x128xi1>
    %eq3A_1221 = arith.xori %eq3A_1219, %eq3A_1220 : vector<256x128xi1>
    %max3A_1222 = arith.maximumf %concatenate3A_1198, %select_n3A_1212 : vector<256x128xf32>
    %min3A_1223 = arith.minimumf %concatenate3A_1198, %select_n3A_1212 : vector<256x128xf32>
    %select_n3A_1224 = arith.select %eq3A_1221, %max3A_1222, %min3A_1223 : vector<256x128xi1>, vector<256x128xf32>
    %iota3A_1225 = tpu.iota {dimensions = array<i32: 0>} : vector<256x128xi32>
    %slice3A_1226 = vector.extract_strided_slice %select_n3A_1224 {offsets = [4, 0], sizes = [252, 128], strides = [1, 1]} : vector<256x128xf32> to vector<252x128xf32>
    %slice3A_1227 = vector.extract_strided_slice %select_n3A_1224 {offsets = [0, 0], sizes = [4, 128], strides = [1, 1]} : vector<256x128xf32> to vector<4x128xf32>
    %concatenate3A_1228 = tpu.concatenate %slice3A_1226, %slice3A_1227 in 0 : vector<252x128xf32>, vector<4x128xf32> -> vector<256x128xf32>
    %slice3A_1229 = vector.extract_strided_slice %select_n3A_1224 {offsets = [252, 0], sizes = [4, 128], strides = [1, 1]} : vector<256x128xf32> to vector<4x128xf32>
    %slice3A_1230 = vector.extract_strided_slice %select_n3A_1224 {offsets = [0, 0], sizes = [252, 128], strides = [1, 1]} : vector<256x128xf32> to vector<252x128xf32>
    %concatenate3A_1231 = tpu.concatenate %slice3A_1229, %slice3A_1230 in 0 : vector<4x128xf32>, vector<252x128xf32> -> vector<256x128xf32>
    %and3A_1232 = arith.constant 4 : i32
    %and3A_1233 = vector.broadcast %and3A_1232 : i32 to vector<256x128xi32>
    %and3A_1234 = arith.andi %iota3A_1225, %and3A_1233 : vector<256x128xi32>
    %ne3A_1235 = arith.constant 0 : i32
    %ne3A_1236 = vector.broadcast %ne3A_1235 : i32 to vector<256x128xi32>
    %ne3A_1237 = arith.cmpi ne, %and3A_1234, %ne3A_1236 : vector<256x128xi32>
    %select_n3A_1238 = arith.select %ne3A_1237, %concatenate3A_1231, %concatenate3A_1228 : vector<256x128xi1>, vector<256x128xf32>
    %and3A_1239 = arith.constant 1 : i32
    %and3A_1240 = vector.broadcast %and3A_1239 : i32 to vector<256x128xi32>
    %and3A_1241 = arith.andi %iota3A_1225, %and3A_1240 : vector<256x128xi32>
    %ne3A_1242 = arith.constant 0 : i32
    %ne3A_1243 = vector.broadcast %ne3A_1242 : i32 to vector<256x128xi32>
    %ne3A_1244 = arith.cmpi ne, %and3A_1241, %ne3A_1243 : vector<256x128xi32>
    %eq3A_1245 = arith.xori %ne3A_1237, %ne3A_1244 : vector<256x128xi1>
    %eq3A_1246 = arith.constant dense<true> : vector<256x128xi1>
    %eq3A_1247 = arith.xori %eq3A_1245, %eq3A_1246 : vector<256x128xi1>
    %max3A_1248 = arith.maximumf %select_n3A_1224, %select_n3A_1238 : vector<256x128xf32>
    %min3A_1249 = arith.minimumf %select_n3A_1224, %select_n3A_1238 : vector<256x128xf32>
    %select_n3A_1250 = arith.select %eq3A_1247, %max3A_1248, %min3A_1249 : vector<256x128xi1>, vector<256x128xf32>
    %slice3A_1251 = vector.extract_strided_slice %select_n3A_1250 {offsets = [0, 0], sizes = [8, 128], strides = [1, 1]} : vector<256x128xf32> to vector<8x128xf32>
    %slice3A_1252 = vector.extract_strided_slice %select_n3A_1250 {offsets = [8, 0], sizes = [8, 128], strides = [1, 1]} : vector<256x128xf32> to vector<8x128xf32>
    %min3A_1253 = arith.minimumf %slice3A_1251, %slice3A_1252 : vector<8x128xf32>
    %max3A_1254 = arith.maximumf %slice3A_1251, %slice3A_1252 : vector<8x128xf32>
    %iota3A_1255 = tpu.iota {dimensions = array<i32: 0>} : vector<8x128xi32>
    %and3A_1256 = arith.constant 1 : i32
    %and3A_1257 = vector.broadcast %and3A_1256 : i32 to vector<8x128xi32>
    %and3A_1258 = arith.andi %iota3A_1255, %and3A_1257 : vector<8x128xi32>
    %ne3A_1259 = arith.constant 0 : i32
    %ne3A_1260 = vector.broadcast %ne3A_1259 : i32 to vector<8x128xi32>
    %ne3A_1261 = arith.cmpi ne, %and3A_1258, %ne3A_1260 : vector<8x128xi32>
    %select_n3A_1262 = arith.select %ne3A_1261, %min3A_1253, %max3A_1254 : vector<8x128xi1>, vector<8x128xf32>
    %select_n3A_1263 = arith.select %ne3A_1261, %max3A_1254, %min3A_1253 : vector<8x128xi1>, vector<8x128xf32>
    %slice3A_1264 = vector.extract_strided_slice %select_n3A_1250 {offsets = [16, 0], sizes = [8, 128], strides = [1, 1]} : vector<256x128xf32> to vector<8x128xf32>
    %slice3A_1265 = vector.extract_strided_slice %select_n3A_1250 {offsets = [24, 0], sizes = [8, 128], strides = [1, 1]} : vector<256x128xf32> to vector<8x128xf32>
    %min3A_1266 = arith.minimumf %slice3A_1264, %slice3A_1265 : vector<8x128xf32>
    %max3A_1267 = arith.maximumf %slice3A_1264, %slice3A_1265 : vector<8x128xf32>
    %iota3A_1268 = tpu.iota {dimensions = array<i32: 0>} : vector<8x128xi32>
    %and3A_1269 = arith.constant 1 : i32
    %and3A_1270 = vector.broadcast %and3A_1269 : i32 to vector<8x128xi32>
    %and3A_1271 = arith.andi %iota3A_1268, %and3A_1270 : vector<8x128xi32>
    %ne3A_1272 = arith.constant 0 : i32
    %ne3A_1273 = vector.broadcast %ne3A_1272 : i32 to vector<8x128xi32>
    %ne3A_1274 = arith.cmpi ne, %and3A_1271, %ne3A_1273 : vector<8x128xi32>
    %select_n3A_1275 = arith.select %ne3A_1274, %min3A_1266, %max3A_1267 : vector<8x128xi1>, vector<8x128xf32>
    %select_n3A_1276 = arith.select %ne3A_1274, %max3A_1267, %min3A_1266 : vector<8x128xi1>, vector<8x128xf32>
    %slice3A_1277 = vector.extract_strided_slice %select_n3A_1250 {offsets = [32, 0], sizes = [8, 128], strides = [1, 1]} : vector<256x128xf32> to vector<8x128xf32>
    %slice3A_1278 = vector.extract_strided_slice %select_n3A_1250 {offsets = [40, 0], sizes = [8, 128], strides = [1, 1]} : vector<256x128xf32> to vector<8x128xf32>
    %min3A_1279 = arith.minimumf %slice3A_1277, %slice3A_1278 : vector<8x128xf32>
    %max3A_1280 = arith.maximumf %slice3A_1277, %slice3A_1278 : vector<8x128xf32>
    %iota3A_1281 = tpu.iota {dimensions = array<i32: 0>} : vector<8x128xi32>
    %and3A_1282 = arith.constant 1 : i32
    %and3A_1283 = vector.broadcast %and3A_1282 : i32 to vector<8x128xi32>
    %and3A_1284 = arith.andi %iota3A_1281, %and3A_1283 : vector<8x128xi32>
    %ne3A_1285 = arith.constant 0 : i32
    %ne3A_1286 = vector.broadcast %ne3A_1285 : i32 to vector<8x128xi32>
    %ne3A_1287 = arith.cmpi ne, %and3A_1284, %ne3A_1286 : vector<8x128xi32>
    %select_n3A_1288 = arith.select %ne3A_1287, %min3A_1279, %max3A_1280 : vector<8x128xi1>, vector<8x128xf32>
    %select_n3A_1289 = arith.select %ne3A_1287, %max3A_1280, %min3A_1279 : vector<8x128xi1>, vector<8x128xf32>
    %slice3A_1290 = vector.extract_strided_slice %select_n3A_1250 {offsets = [48, 0], sizes = [8, 128], strides = [1, 1]} : vector<256x128xf32> to vector<8x128xf32>
    %slice3A_1291 = vector.extract_strided_slice %select_n3A_1250 {offsets = [56, 0], sizes = [8, 128], strides = [1, 1]} : vector<256x128xf32> to vector<8x128xf32>
    %min3A_1292 = arith.minimumf %slice3A_1290, %slice3A_1291 : vector<8x128xf32>
    %max3A_1293 = arith.maximumf %slice3A_1290, %slice3A_1291 : vector<8x128xf32>
    %iota3A_1294 = tpu.iota {dimensions = array<i32: 0>} : vector<8x128xi32>
    %and3A_1295 = arith.constant 1 : i32
    %and3A_1296 = vector.broadcast %and3A_1295 : i32 to vector<8x128xi32>
    %and3A_1297 = arith.andi %iota3A_1294, %and3A_1296 : vector<8x128xi32>
    %ne3A_1298 = arith.constant 0 : i32
    %ne3A_1299 = vector.broadcast %ne3A_1298 : i32 to vector<8x128xi32>
    %ne3A_1300 = arith.cmpi ne, %and3A_1297, %ne3A_1299 : vector<8x128xi32>
    %select_n3A_1301 = arith.select %ne3A_1300, %min3A_1292, %max3A_1293 : vector<8x128xi1>, vector<8x128xf32>
    %select_n3A_1302 = arith.select %ne3A_1300, %max3A_1293, %min3A_1292 : vector<8x128xi1>, vector<8x128xf32>
    %slice3A_1303 = vector.extract_strided_slice %select_n3A_1250 {offsets = [64, 0], sizes = [8, 128], strides = [1, 1]} : vector<256x128xf32> to vector<8x128xf32>
    %slice3A_1304 = vector.extract_strided_slice %select_n3A_1250 {offsets = [72, 0], sizes = [8, 128], strides = [1, 1]} : vector<256x128xf32> to vector<8x128xf32>
    %min3A_1305 = arith.minimumf %slice3A_1303, %slice3A_1304 : vector<8x128xf32>
    %max3A_1306 = arith.maximumf %slice3A_1303, %slice3A_1304 : vector<8x128xf32>
    %iota3A_1307 = tpu.iota {dimensions = array<i32: 0>} : vector<8x128xi32>
    %and3A_1308 = arith.constant 1 : i32
    %and3A_1309 = vector.broadcast %and3A_1308 : i32 to vector<8x128xi32>
    %and3A_1310 = arith.andi %iota3A_1307, %and3A_1309 : vector<8x128xi32>
    %ne3A_1311 = arith.constant 0 : i32
    %ne3A_1312 = vector.broadcast %ne3A_1311 : i32 to vector<8x128xi32>
    %ne3A_1313 = arith.cmpi ne, %and3A_1310, %ne3A_1312 : vector<8x128xi32>
    %select_n3A_1314 = arith.select %ne3A_1313, %min3A_1305, %max3A_1306 : vector<8x128xi1>, vector<8x128xf32>
    %select_n3A_1315 = arith.select %ne3A_1313, %max3A_1306, %min3A_1305 : vector<8x128xi1>, vector<8x128xf32>
    %slice3A_1316 = vector.extract_strided_slice %select_n3A_1250 {offsets = [80, 0], sizes = [8, 128], strides = [1, 1]} : vector<256x128xf32> to vector<8x128xf32>
    %slice3A_1317 = vector.extract_strided_slice %select_n3A_1250 {offsets = [88, 0], sizes = [8, 128], strides = [1, 1]} : vector<256x128xf32> to vector<8x128xf32>
    %min3A_1318 = arith.minimumf %slice3A_1316, %slice3A_1317 : vector<8x128xf32>
    %max3A_1319 = arith.maximumf %slice3A_1316, %slice3A_1317 : vector<8x128xf32>
    %iota3A_1320 = tpu.iota {dimensions = array<i32: 0>} : vector<8x128xi32>
    %and3A_1321 = arith.constant 1 : i32
    %and3A_1322 = vector.broadcast %and3A_1321 : i32 to vector<8x128xi32>
    %and3A_1323 = arith.andi %iota3A_1320, %and3A_1322 : vector<8x128xi32>
    %ne3A_1324 = arith.constant 0 : i32
    %ne3A_1325 = vector.broadcast %ne3A_1324 : i32 to vector<8x128xi32>
    %ne3A_1326 = arith.cmpi ne, %and3A_1323, %ne3A_1325 : vector<8x128xi32>
    %select_n3A_1327 = arith.select %ne3A_1326, %min3A_1318, %max3A_1319 : vector<8x128xi1>, vector<8x128xf32>
    %select_n3A_1328 = arith.select %ne3A_1326, %max3A_1319, %min3A_1318 : vector<8x128xi1>, vector<8x128xf32>
    %slice3A_1329 = vector.extract_strided_slice %select_n3A_1250 {offsets = [96, 0], sizes = [8, 128], strides = [1, 1]} : vector<256x128xf32> to vector<8x128xf32>
    %slice3A_1330 = vector.extract_strided_slice %select_n3A_1250 {offsets = [104, 0], sizes = [8, 128], strides = [1, 1]} : vector<256x128xf32> to vector<8x128xf32>
    %min3A_1331 = arith.minimumf %slice3A_1329, %slice3A_1330 : vector<8x128xf32>
    %max3A_1332 = arith.maximumf %slice3A_1329, %slice3A_1330 : vector<8x128xf32>
    %iota3A_1333 = tpu.iota {dimensions = array<i32: 0>} : vector<8x128xi32>
    %and3A_1334 = arith.constant 1 : i32
    %and3A_1335 = vector.broadcast %and3A_1334 : i32 to vector<8x128xi32>
    %and3A_1336 = arith.andi %iota3A_1333, %and3A_1335 : vector<8x128xi32>
    %ne3A_1337 = arith.constant 0 : i32
    %ne3A_1338 = vector.broadcast %ne3A_1337 : i32 to vector<8x128xi32>
    %ne3A_1339 = arith.cmpi ne, %and3A_1336, %ne3A_1338 : vector<8x128xi32>
    %select_n3A_1340 = arith.select %ne3A_1339, %min3A_1331, %max3A_1332 : vector<8x128xi1>, vector<8x128xf32>
    %select_n3A_1341 = arith.select %ne3A_1339, %max3A_1332, %min3A_1331 : vector<8x128xi1>, vector<8x128xf32>
    %slice3A_1342 = vector.extract_strided_slice %select_n3A_1250 {offsets = [112, 0], sizes = [8, 128], strides = [1, 1]} : vector<256x128xf32> to vector<8x128xf32>
    %slice3A_1343 = vector.extract_strided_slice %select_n3A_1250 {offsets = [120, 0], sizes = [8, 128], strides = [1, 1]} : vector<256x128xf32> to vector<8x128xf32>
    %min3A_1344 = arith.minimumf %slice3A_1342, %slice3A_1343 : vector<8x128xf32>
    %max3A_1345 = arith.maximumf %slice3A_1342, %slice3A_1343 : vector<8x128xf32>
    %iota3A_1346 = tpu.iota {dimensions = array<i32: 0>} : vector<8x128xi32>
    %and3A_1347 = arith.constant 1 : i32
    %and3A_1348 = vector.broadcast %and3A_1347 : i32 to vector<8x128xi32>
    %and3A_1349 = arith.andi %iota3A_1346, %and3A_1348 : vector<8x128xi32>
    %ne3A_1350 = arith.constant 0 : i32
    %ne3A_1351 = vector.broadcast %ne3A_1350 : i32 to vector<8x128xi32>
    %ne3A_1352 = arith.cmpi ne, %and3A_1349, %ne3A_1351 : vector<8x128xi32>
    %select_n3A_1353 = arith.select %ne3A_1352, %min3A_1344, %max3A_1345 : vector<8x128xi1>, vector<8x128xf32>
    %select_n3A_1354 = arith.select %ne3A_1352, %max3A_1345, %min3A_1344 : vector<8x128xi1>, vector<8x128xf32>
    %slice3A_1355 = vector.extract_strided_slice %select_n3A_1250 {offsets = [128, 0], sizes = [8, 128], strides = [1, 1]} : vector<256x128xf32> to vector<8x128xf32>
    %slice3A_1356 = vector.extract_strided_slice %select_n3A_1250 {offsets = [136, 0], sizes = [8, 128], strides = [1, 1]} : vector<256x128xf32> to vector<8x128xf32>
    %min3A_1357 = arith.minimumf %slice3A_1355, %slice3A_1356 : vector<8x128xf32>
    %max3A_1358 = arith.maximumf %slice3A_1355, %slice3A_1356 : vector<8x128xf32>
    %iota3A_1359 = tpu.iota {dimensions = array<i32: 0>} : vector<8x128xi32>
    %and3A_1360 = arith.constant 1 : i32
    %and3A_1361 = vector.broadcast %and3A_1360 : i32 to vector<8x128xi32>
    %and3A_1362 = arith.andi %iota3A_1359, %and3A_1361 : vector<8x128xi32>
    %ne3A_1363 = arith.constant 0 : i32
    %ne3A_1364 = vector.broadcast %ne3A_1363 : i32 to vector<8x128xi32>
    %ne3A_1365 = arith.cmpi ne, %and3A_1362, %ne3A_1364 : vector<8x128xi32>
    %select_n3A_1366 = arith.select %ne3A_1365, %min3A_1357, %max3A_1358 : vector<8x128xi1>, vector<8x128xf32>
    %select_n3A_1367 = arith.select %ne3A_1365, %max3A_1358, %min3A_1357 : vector<8x128xi1>, vector<8x128xf32>
    %slice3A_1368 = vector.extract_strided_slice %select_n3A_1250 {offsets = [144, 0], sizes = [8, 128], strides = [1, 1]} : vector<256x128xf32> to vector<8x128xf32>
    %slice3A_1369 = vector.extract_strided_slice %select_n3A_1250 {offsets = [152, 0], sizes = [8, 128], strides = [1, 1]} : vector<256x128xf32> to vector<8x128xf32>
    %min3A_1370 = arith.minimumf %slice3A_1368, %slice3A_1369 : vector<8x128xf32>
    %max3A_1371 = arith.maximumf %slice3A_1368, %slice3A_1369 : vector<8x128xf32>
    %iota3A_1372 = tpu.iota {dimensions = array<i32: 0>} : vector<8x128xi32>
    %and3A_1373 = arith.constant 1 : i32
    %and3A_1374 = vector.broadcast %and3A_1373 : i32 to vector<8x128xi32>
    %and3A_1375 = arith.andi %iota3A_1372, %and3A_1374 : vector<8x128xi32>
    %ne3A_1376 = arith.constant 0 : i32
    %ne3A_1377 = vector.broadcast %ne3A_1376 : i32 to vector<8x128xi32>
    %ne3A_1378 = arith.cmpi ne, %and3A_1375, %ne3A_1377 : vector<8x128xi32>
    %select_n3A_1379 = arith.select %ne3A_1378, %min3A_1370, %max3A_1371 : vector<8x128xi1>, vector<8x128xf32>
    %select_n3A_1380 = arith.select %ne3A_1378, %max3A_1371, %min3A_1370 : vector<8x128xi1>, vector<8x128xf32>
    %slice3A_1381 = vector.extract_strided_slice %select_n3A_1250 {offsets = [160, 0], sizes = [8, 128], strides = [1, 1]} : vector<256x128xf32> to vector<8x128xf32>
    %slice3A_1382 = vector.extract_strided_slice %select_n3A_1250 {offsets = [168, 0], sizes = [8, 128], strides = [1, 1]} : vector<256x128xf32> to vector<8x128xf32>
    %min3A_1383 = arith.minimumf %slice3A_1381, %slice3A_1382 : vector<8x128xf32>
    %max3A_1384 = arith.maximumf %slice3A_1381, %slice3A_1382 : vector<8x128xf32>
    %iota3A_1385 = tpu.iota {dimensions = array<i32: 0>} : vector<8x128xi32>
    %and3A_1386 = arith.constant 1 : i32
    %and3A_1387 = vector.broadcast %and3A_1386 : i32 to vector<8x128xi32>
    %and3A_1388 = arith.andi %iota3A_1385, %and3A_1387 : vector<8x128xi32>
    %ne3A_1389 = arith.constant 0 : i32
    %ne3A_1390 = vector.broadcast %ne3A_1389 : i32 to vector<8x128xi32>
    %ne3A_1391 = arith.cmpi ne, %and3A_1388, %ne3A_1390 : vector<8x128xi32>
    %select_n3A_1392 = arith.select %ne3A_1391, %min3A_1383, %max3A_1384 : vector<8x128xi1>, vector<8x128xf32>
    %select_n3A_1393 = arith.select %ne3A_1391, %max3A_1384, %min3A_1383 : vector<8x128xi1>, vector<8x128xf32>
    %slice3A_1394 = vector.extract_strided_slice %select_n3A_1250 {offsets = [176, 0], sizes = [8, 128], strides = [1, 1]} : vector<256x128xf32> to vector<8x128xf32>
    %slice3A_1395 = vector.extract_strided_slice %select_n3A_1250 {offsets = [184, 0], sizes = [8, 128], strides = [1, 1]} : vector<256x128xf32> to vector<8x128xf32>
    %min3A_1396 = arith.minimumf %slice3A_1394, %slice3A_1395 : vector<8x128xf32>
    %max3A_1397 = arith.maximumf %slice3A_1394, %slice3A_1395 : vector<8x128xf32>
    %iota3A_1398 = tpu.iota {dimensions = array<i32: 0>} : vector<8x128xi32>
    %and3A_1399 = arith.constant 1 : i32
    %and3A_1400 = vector.broadcast %and3A_1399 : i32 to vector<8x128xi32>
    %and3A_1401 = arith.andi %iota3A_1398, %and3A_1400 : vector<8x128xi32>
    %ne3A_1402 = arith.constant 0 : i32
    %ne3A_1403 = vector.broadcast %ne3A_1402 : i32 to vector<8x128xi32>
    %ne3A_1404 = arith.cmpi ne, %and3A_1401, %ne3A_1403 : vector<8x128xi32>
    %select_n3A_1405 = arith.select %ne3A_1404, %min3A_1396, %max3A_1397 : vector<8x128xi1>, vector<8x128xf32>
    %select_n3A_1406 = arith.select %ne3A_1404, %max3A_1397, %min3A_1396 : vector<8x128xi1>, vector<8x128xf32>
    %slice3A_1407 = vector.extract_strided_slice %select_n3A_1250 {offsets = [192, 0], sizes = [8, 128], strides = [1, 1]} : vector<256x128xf32> to vector<8x128xf32>
    %slice3A_1408 = vector.extract_strided_slice %select_n3A_1250 {offsets = [200, 0], sizes = [8, 128], strides = [1, 1]} : vector<256x128xf32> to vector<8x128xf32>
    %min3A_1409 = arith.minimumf %slice3A_1407, %slice3A_1408 : vector<8x128xf32>
    %max3A_1410 = arith.maximumf %slice3A_1407, %slice3A_1408 : vector<8x128xf32>
    %iota3A_1411 = tpu.iota {dimensions = array<i32: 0>} : vector<8x128xi32>
    %and3A_1412 = arith.constant 1 : i32
    %and3A_1413 = vector.broadcast %and3A_1412 : i32 to vector<8x128xi32>
    %and3A_1414 = arith.andi %iota3A_1411, %and3A_1413 : vector<8x128xi32>
    %ne3A_1415 = arith.constant 0 : i32
    %ne3A_1416 = vector.broadcast %ne3A_1415 : i32 to vector<8x128xi32>
    %ne3A_1417 = arith.cmpi ne, %and3A_1414, %ne3A_1416 : vector<8x128xi32>
    %select_n3A_1418 = arith.select %ne3A_1417, %min3A_1409, %max3A_1410 : vector<8x128xi1>, vector<8x128xf32>
    %select_n3A_1419 = arith.select %ne3A_1417, %max3A_1410, %min3A_1409 : vector<8x128xi1>, vector<8x128xf32>
    %slice3A_1420 = vector.extract_strided_slice %select_n3A_1250 {offsets = [208, 0], sizes = [8, 128], strides = [1, 1]} : vector<256x128xf32> to vector<8x128xf32>
    %slice3A_1421 = vector.extract_strided_slice %select_n3A_1250 {offsets = [216, 0], sizes = [8, 128], strides = [1, 1]} : vector<256x128xf32> to vector<8x128xf32>
    %min3A_1422 = arith.minimumf %slice3A_1420, %slice3A_1421 : vector<8x128xf32>
    %max3A_1423 = arith.maximumf %slice3A_1420, %slice3A_1421 : vector<8x128xf32>
    %iota3A_1424 = tpu.iota {dimensions = array<i32: 0>} : vector<8x128xi32>
    %and3A_1425 = arith.constant 1 : i32
    %and3A_1426 = vector.broadcast %and3A_1425 : i32 to vector<8x128xi32>
    %and3A_1427 = arith.andi %iota3A_1424, %and3A_1426 : vector<8x128xi32>
    %ne3A_1428 = arith.constant 0 : i32
    %ne3A_1429 = vector.broadcast %ne3A_1428 : i32 to vector<8x128xi32>
    %ne3A_1430 = arith.cmpi ne, %and3A_1427, %ne3A_1429 : vector<8x128xi32>
    %select_n3A_1431 = arith.select %ne3A_1430, %min3A_1422, %max3A_1423 : vector<8x128xi1>, vector<8x128xf32>
    %select_n3A_1432 = arith.select %ne3A_1430, %max3A_1423, %min3A_1422 : vector<8x128xi1>, vector<8x128xf32>
    %slice3A_1433 = vector.extract_strided_slice %select_n3A_1250 {offsets = [224, 0], sizes = [8, 128], strides = [1, 1]} : vector<256x128xf32> to vector<8x128xf32>
    %slice3A_1434 = vector.extract_strided_slice %select_n3A_1250 {offsets = [232, 0], sizes = [8, 128], strides = [1, 1]} : vector<256x128xf32> to vector<8x128xf32>
    %min3A_1435 = arith.minimumf %slice3A_1433, %slice3A_1434 : vector<8x128xf32>
    %max3A_1436 = arith.maximumf %slice3A_1433, %slice3A_1434 : vector<8x128xf32>
    %iota3A_1437 = tpu.iota {dimensions = array<i32: 0>} : vector<8x128xi32>
    %and3A_1438 = arith.constant 1 : i32
    %and3A_1439 = vector.broadcast %and3A_1438 : i32 to vector<8x128xi32>
    %and3A_1440 = arith.andi %iota3A_1437, %and3A_1439 : vector<8x128xi32>
    %ne3A_1441 = arith.constant 0 : i32
    %ne3A_1442 = vector.broadcast %ne3A_1441 : i32 to vector<8x128xi32>
    %ne3A_1443 = arith.cmpi ne, %and3A_1440, %ne3A_1442 : vector<8x128xi32>
    %select_n3A_1444 = arith.select %ne3A_1443, %min3A_1435, %max3A_1436 : vector<8x128xi1>, vector<8x128xf32>
    %select_n3A_1445 = arith.select %ne3A_1443, %max3A_1436, %min3A_1435 : vector<8x128xi1>, vector<8x128xf32>
    %slice3A_1446 = vector.extract_strided_slice %select_n3A_1250 {offsets = [240, 0], sizes = [8, 128], strides = [1, 1]} : vector<256x128xf32> to vector<8x128xf32>
    %slice3A_1447 = vector.extract_strided_slice %select_n3A_1250 {offsets = [248, 0], sizes = [8, 128], strides = [1, 1]} : vector<256x128xf32> to vector<8x128xf32>
    %min3A_1448 = arith.minimumf %slice3A_1446, %slice3A_1447 : vector<8x128xf32>
    %max3A_1449 = arith.maximumf %slice3A_1446, %slice3A_1447 : vector<8x128xf32>
    %iota3A_1450 = tpu.iota {dimensions = array<i32: 0>} : vector<8x128xi32>
    %and3A_1451 = arith.constant 1 : i32
    %and3A_1452 = vector.broadcast %and3A_1451 : i32 to vector<8x128xi32>
    %and3A_1453 = arith.andi %iota3A_1450, %and3A_1452 : vector<8x128xi32>
    %ne3A_1454 = arith.constant 0 : i32
    %ne3A_1455 = vector.broadcast %ne3A_1454 : i32 to vector<8x128xi32>
    %ne3A_1456 = arith.cmpi ne, %and3A_1453, %ne3A_1455 : vector<8x128xi32>
    %select_n3A_1457 = arith.select %ne3A_1456, %min3A_1448, %max3A_1449 : vector<8x128xi1>, vector<8x128xf32>
    %select_n3A_1458 = arith.select %ne3A_1456, %max3A_1449, %min3A_1448 : vector<8x128xi1>, vector<8x128xf32>
    %concatenate3A_1459 = tpu.concatenate %select_n3A_1262, %select_n3A_1263, %select_n3A_1275, %select_n3A_1276, %select_n3A_1288, %select_n3A_1289, %select_n3A_1301, %select_n3A_1302, %select_n3A_1314, %select_n3A_1315, %select_n3A_1327, %select_n3A_1328, %select_n3A_1340, %select_n3A_1341, %select_n3A_1353, %select_n3A_1354, %select_n3A_1366, %select_n3A_1367, %select_n3A_1379, %select_n3A_1380, %select_n3A_1392, %select_n3A_1393, %select_n3A_1405, %select_n3A_1406, %select_n3A_1418, %select_n3A_1419, %select_n3A_1431, %select_n3A_1432, %select_n3A_1444, %select_n3A_1445, %select_n3A_1457, %select_n3A_1458 in 0 : vector<8x128xf32>, vector<8x128xf32>, vector<8x128xf32>, vector<8x128xf32>, vector<8x128xf32>, vector<8x128xf32>, vector<8x128xf32>, vector<8x128xf32>, vector<8x128xf32>, vector<8x128xf32>, vector<8x128xf32>, vector<8x128xf32>, vector<8x128xf32>, vector<8x128xf32>, vector<8x128xf32>, vector<8x128xf32>, vector<8x128xf32>, vector<8x128xf32>, vector<8x128xf32>, vector<8x128xf32>, vector<8x128xf32>, vector<8x128xf32>, vector<8x128xf32>, vector<8x128xf32>, vector<8x128xf32>, vector<8x128xf32>, vector<8x128xf32>, vector<8x128xf32>, vector<8x128xf32>, vector<8x128xf32>, vector<8x128xf32>, vector<8x128xf32> -> vector<256x128xf32>
    %slice3A_1460 = vector.extract_strided_slice %concatenate3A_1459 {offsets = [0, 0], sizes = [16, 128], strides = [1, 1]} : vector<256x128xf32> to vector<16x128xf32>
    %slice3A_1461 = vector.extract_strided_slice %concatenate3A_1459 {offsets = [16, 0], sizes = [16, 128], strides = [1, 1]} : vector<256x128xf32> to vector<16x128xf32>
    %min3A_1462 = arith.minimumf %slice3A_1460, %slice3A_1461 : vector<16x128xf32>
    %max3A_1463 = arith.maximumf %slice3A_1460, %slice3A_1461 : vector<16x128xf32>
    %iota3A_1464 = tpu.iota {dimensions = array<i32: 0>} : vector<16x128xi32>
    %and3A_1465 = arith.constant 1 : i32
    %and3A_1466 = vector.broadcast %and3A_1465 : i32 to vector<16x128xi32>
    %and3A_1467 = arith.andi %iota3A_1464, %and3A_1466 : vector<16x128xi32>
    %ne3A_1468 = arith.constant 0 : i32
    %ne3A_1469 = vector.broadcast %ne3A_1468 : i32 to vector<16x128xi32>
    %ne3A_1470 = arith.cmpi ne, %and3A_1467, %ne3A_1469 : vector<16x128xi32>
    %select_n3A_1471 = arith.select %ne3A_1470, %min3A_1462, %max3A_1463 : vector<16x128xi1>, vector<16x128xf32>
    %select_n3A_1472 = arith.select %ne3A_1470, %max3A_1463, %min3A_1462 : vector<16x128xi1>, vector<16x128xf32>
    %slice3A_1473 = vector.extract_strided_slice %concatenate3A_1459 {offsets = [32, 0], sizes = [16, 128], strides = [1, 1]} : vector<256x128xf32> to vector<16x128xf32>
    %slice3A_1474 = vector.extract_strided_slice %concatenate3A_1459 {offsets = [48, 0], sizes = [16, 128], strides = [1, 1]} : vector<256x128xf32> to vector<16x128xf32>
    %min3A_1475 = arith.minimumf %slice3A_1473, %slice3A_1474 : vector<16x128xf32>
    %max3A_1476 = arith.maximumf %slice3A_1473, %slice3A_1474 : vector<16x128xf32>
    %iota3A_1477 = tpu.iota {dimensions = array<i32: 0>} : vector<16x128xi32>
    %and3A_1478 = arith.constant 1 : i32
    %and3A_1479 = vector.broadcast %and3A_1478 : i32 to vector<16x128xi32>
    %and3A_1480 = arith.andi %iota3A_1477, %and3A_1479 : vector<16x128xi32>
    %ne3A_1481 = arith.constant 0 : i32
    %ne3A_1482 = vector.broadcast %ne3A_1481 : i32 to vector<16x128xi32>
    %ne3A_1483 = arith.cmpi ne, %and3A_1480, %ne3A_1482 : vector<16x128xi32>
    %select_n3A_1484 = arith.select %ne3A_1483, %min3A_1475, %max3A_1476 : vector<16x128xi1>, vector<16x128xf32>
    %select_n3A_1485 = arith.select %ne3A_1483, %max3A_1476, %min3A_1475 : vector<16x128xi1>, vector<16x128xf32>
    %slice3A_1486 = vector.extract_strided_slice %concatenate3A_1459 {offsets = [64, 0], sizes = [16, 128], strides = [1, 1]} : vector<256x128xf32> to vector<16x128xf32>
    %slice3A_1487 = vector.extract_strided_slice %concatenate3A_1459 {offsets = [80, 0], sizes = [16, 128], strides = [1, 1]} : vector<256x128xf32> to vector<16x128xf32>
    %min3A_1488 = arith.minimumf %slice3A_1486, %slice3A_1487 : vector<16x128xf32>
    %max3A_1489 = arith.maximumf %slice3A_1486, %slice3A_1487 : vector<16x128xf32>
    %iota3A_1490 = tpu.iota {dimensions = array<i32: 0>} : vector<16x128xi32>
    %and3A_1491 = arith.constant 1 : i32
    %and3A_1492 = vector.broadcast %and3A_1491 : i32 to vector<16x128xi32>
    %and3A_1493 = arith.andi %iota3A_1490, %and3A_1492 : vector<16x128xi32>
    %ne3A_1494 = arith.constant 0 : i32
    %ne3A_1495 = vector.broadcast %ne3A_1494 : i32 to vector<16x128xi32>
    %ne3A_1496 = arith.cmpi ne, %and3A_1493, %ne3A_1495 : vector<16x128xi32>
    %select_n3A_1497 = arith.select %ne3A_1496, %min3A_1488, %max3A_1489 : vector<16x128xi1>, vector<16x128xf32>
    %select_n3A_1498 = arith.select %ne3A_1496, %max3A_1489, %min3A_1488 : vector<16x128xi1>, vector<16x128xf32>
    %slice3A_1499 = vector.extract_strided_slice %concatenate3A_1459 {offsets = [96, 0], sizes = [16, 128], strides = [1, 1]} : vector<256x128xf32> to vector<16x128xf32>
    %slice3A_1500 = vector.extract_strided_slice %concatenate3A_1459 {offsets = [112, 0], sizes = [16, 128], strides = [1, 1]} : vector<256x128xf32> to vector<16x128xf32>
    %min3A_1501 = arith.minimumf %slice3A_1499, %slice3A_1500 : vector<16x128xf32>
    %max3A_1502 = arith.maximumf %slice3A_1499, %slice3A_1500 : vector<16x128xf32>
    %iota3A_1503 = tpu.iota {dimensions = array<i32: 0>} : vector<16x128xi32>
    %and3A_1504 = arith.constant 1 : i32
    %and3A_1505 = vector.broadcast %and3A_1504 : i32 to vector<16x128xi32>
    %and3A_1506 = arith.andi %iota3A_1503, %and3A_1505 : vector<16x128xi32>
    %ne3A_1507 = arith.constant 0 : i32
    %ne3A_1508 = vector.broadcast %ne3A_1507 : i32 to vector<16x128xi32>
    %ne3A_1509 = arith.cmpi ne, %and3A_1506, %ne3A_1508 : vector<16x128xi32>
    %select_n3A_1510 = arith.select %ne3A_1509, %min3A_1501, %max3A_1502 : vector<16x128xi1>, vector<16x128xf32>
    %select_n3A_1511 = arith.select %ne3A_1509, %max3A_1502, %min3A_1501 : vector<16x128xi1>, vector<16x128xf32>
    %slice3A_1512 = vector.extract_strided_slice %concatenate3A_1459 {offsets = [128, 0], sizes = [16, 128], strides = [1, 1]} : vector<256x128xf32> to vector<16x128xf32>
    %slice3A_1513 = vector.extract_strided_slice %concatenate3A_1459 {offsets = [144, 0], sizes = [16, 128], strides = [1, 1]} : vector<256x128xf32> to vector<16x128xf32>
    %min3A_1514 = arith.minimumf %slice3A_1512, %slice3A_1513 : vector<16x128xf32>
    %max3A_1515 = arith.maximumf %slice3A_1512, %slice3A_1513 : vector<16x128xf32>
    %iota3A_1516 = tpu.iota {dimensions = array<i32: 0>} : vector<16x128xi32>
    %and3A_1517 = arith.constant 1 : i32
    %and3A_1518 = vector.broadcast %and3A_1517 : i32 to vector<16x128xi32>
    %and3A_1519 = arith.andi %iota3A_1516, %and3A_1518 : vector<16x128xi32>
    %ne3A_1520 = arith.constant 0 : i32
    %ne3A_1521 = vector.broadcast %ne3A_1520 : i32 to vector<16x128xi32>
    %ne3A_1522 = arith.cmpi ne, %and3A_1519, %ne3A_1521 : vector<16x128xi32>
    %select_n3A_1523 = arith.select %ne3A_1522, %min3A_1514, %max3A_1515 : vector<16x128xi1>, vector<16x128xf32>
    %select_n3A_1524 = arith.select %ne3A_1522, %max3A_1515, %min3A_1514 : vector<16x128xi1>, vector<16x128xf32>
    %slice3A_1525 = vector.extract_strided_slice %concatenate3A_1459 {offsets = [160, 0], sizes = [16, 128], strides = [1, 1]} : vector<256x128xf32> to vector<16x128xf32>
    %slice3A_1526 = vector.extract_strided_slice %concatenate3A_1459 {offsets = [176, 0], sizes = [16, 128], strides = [1, 1]} : vector<256x128xf32> to vector<16x128xf32>
    %min3A_1527 = arith.minimumf %slice3A_1525, %slice3A_1526 : vector<16x128xf32>
    %max3A_1528 = arith.maximumf %slice3A_1525, %slice3A_1526 : vector<16x128xf32>
    %iota3A_1529 = tpu.iota {dimensions = array<i32: 0>} : vector<16x128xi32>
    %and3A_1530 = arith.constant 1 : i32
    %and3A_1531 = vector.broadcast %and3A_1530 : i32 to vector<16x128xi32>
    %and3A_1532 = arith.andi %iota3A_1529, %and3A_1531 : vector<16x128xi32>
    %ne3A_1533 = arith.constant 0 : i32
    %ne3A_1534 = vector.broadcast %ne3A_1533 : i32 to vector<16x128xi32>
    %ne3A_1535 = arith.cmpi ne, %and3A_1532, %ne3A_1534 : vector<16x128xi32>
    %select_n3A_1536 = arith.select %ne3A_1535, %min3A_1527, %max3A_1528 : vector<16x128xi1>, vector<16x128xf32>
    %select_n3A_1537 = arith.select %ne3A_1535, %max3A_1528, %min3A_1527 : vector<16x128xi1>, vector<16x128xf32>
    %slice3A_1538 = vector.extract_strided_slice %concatenate3A_1459 {offsets = [192, 0], sizes = [16, 128], strides = [1, 1]} : vector<256x128xf32> to vector<16x128xf32>
    %slice3A_1539 = vector.extract_strided_slice %concatenate3A_1459 {offsets = [208, 0], sizes = [16, 128], strides = [1, 1]} : vector<256x128xf32> to vector<16x128xf32>
    %min3A_1540 = arith.minimumf %slice3A_1538, %slice3A_1539 : vector<16x128xf32>
    %max3A_1541 = arith.maximumf %slice3A_1538, %slice3A_1539 : vector<16x128xf32>
    %iota3A_1542 = tpu.iota {dimensions = array<i32: 0>} : vector<16x128xi32>
    %and3A_1543 = arith.constant 1 : i32
    %and3A_1544 = vector.broadcast %and3A_1543 : i32 to vector<16x128xi32>
    %and3A_1545 = arith.andi %iota3A_1542, %and3A_1544 : vector<16x128xi32>
    %ne3A_1546 = arith.constant 0 : i32
    %ne3A_1547 = vector.broadcast %ne3A_1546 : i32 to vector<16x128xi32>
    %ne3A_1548 = arith.cmpi ne, %and3A_1545, %ne3A_1547 : vector<16x128xi32>
    %select_n3A_1549 = arith.select %ne3A_1548, %min3A_1540, %max3A_1541 : vector<16x128xi1>, vector<16x128xf32>
    %select_n3A_1550 = arith.select %ne3A_1548, %max3A_1541, %min3A_1540 : vector<16x128xi1>, vector<16x128xf32>
    %slice3A_1551 = vector.extract_strided_slice %concatenate3A_1459 {offsets = [224, 0], sizes = [16, 128], strides = [1, 1]} : vector<256x128xf32> to vector<16x128xf32>
    %slice3A_1552 = vector.extract_strided_slice %concatenate3A_1459 {offsets = [240, 0], sizes = [16, 128], strides = [1, 1]} : vector<256x128xf32> to vector<16x128xf32>
    %min3A_1553 = arith.minimumf %slice3A_1551, %slice3A_1552 : vector<16x128xf32>
    %max3A_1554 = arith.maximumf %slice3A_1551, %slice3A_1552 : vector<16x128xf32>
    %iota3A_1555 = tpu.iota {dimensions = array<i32: 0>} : vector<16x128xi32>
    %and3A_1556 = arith.constant 1 : i32
    %and3A_1557 = vector.broadcast %and3A_1556 : i32 to vector<16x128xi32>
    %and3A_1558 = arith.andi %iota3A_1555, %and3A_1557 : vector<16x128xi32>
    %ne3A_1559 = arith.constant 0 : i32
    %ne3A_1560 = vector.broadcast %ne3A_1559 : i32 to vector<16x128xi32>
    %ne3A_1561 = arith.cmpi ne, %and3A_1558, %ne3A_1560 : vector<16x128xi32>
    %select_n3A_1562 = arith.select %ne3A_1561, %min3A_1553, %max3A_1554 : vector<16x128xi1>, vector<16x128xf32>
    %select_n3A_1563 = arith.select %ne3A_1561, %max3A_1554, %min3A_1553 : vector<16x128xi1>, vector<16x128xf32>
    %concatenate3A_1564 = tpu.concatenate %select_n3A_1471, %select_n3A_1472, %select_n3A_1484, %select_n3A_1485, %select_n3A_1497, %select_n3A_1498, %select_n3A_1510, %select_n3A_1511, %select_n3A_1523, %select_n3A_1524, %select_n3A_1536, %select_n3A_1537, %select_n3A_1549, %select_n3A_1550, %select_n3A_1562, %select_n3A_1563 in 0 : vector<16x128xf32>, vector<16x128xf32>, vector<16x128xf32>, vector<16x128xf32>, vector<16x128xf32>, vector<16x128xf32>, vector<16x128xf32>, vector<16x128xf32>, vector<16x128xf32>, vector<16x128xf32>, vector<16x128xf32>, vector<16x128xf32>, vector<16x128xf32>, vector<16x128xf32>, vector<16x128xf32>, vector<16x128xf32> -> vector<256x128xf32>
    %slice3A_1565 = vector.extract_strided_slice %concatenate3A_1564 {offsets = [0, 0], sizes = [32, 128], strides = [1, 1]} : vector<256x128xf32> to vector<32x128xf32>
    %slice3A_1566 = vector.extract_strided_slice %concatenate3A_1564 {offsets = [32, 0], sizes = [32, 128], strides = [1, 1]} : vector<256x128xf32> to vector<32x128xf32>
    %min3A_1567 = arith.minimumf %slice3A_1565, %slice3A_1566 : vector<32x128xf32>
    %max3A_1568 = arith.maximumf %slice3A_1565, %slice3A_1566 : vector<32x128xf32>
    %iota3A_1569 = tpu.iota {dimensions = array<i32: 0>} : vector<32x128xi32>
    %and3A_1570 = arith.constant 1 : i32
    %and3A_1571 = vector.broadcast %and3A_1570 : i32 to vector<32x128xi32>
    %and3A_1572 = arith.andi %iota3A_1569, %and3A_1571 : vector<32x128xi32>
    %ne3A_1573 = arith.constant 0 : i32
    %ne3A_1574 = vector.broadcast %ne3A_1573 : i32 to vector<32x128xi32>
    %ne3A_1575 = arith.cmpi ne, %and3A_1572, %ne3A_1574 : vector<32x128xi32>
    %select_n3A_1576 = arith.select %ne3A_1575, %min3A_1567, %max3A_1568 : vector<32x128xi1>, vector<32x128xf32>
    %select_n3A_1577 = arith.select %ne3A_1575, %max3A_1568, %min3A_1567 : vector<32x128xi1>, vector<32x128xf32>
    %slice3A_1578 = vector.extract_strided_slice %concatenate3A_1564 {offsets = [64, 0], sizes = [32, 128], strides = [1, 1]} : vector<256x128xf32> to vector<32x128xf32>
    %slice3A_1579 = vector.extract_strided_slice %concatenate3A_1564 {offsets = [96, 0], sizes = [32, 128], strides = [1, 1]} : vector<256x128xf32> to vector<32x128xf32>
    %min3A_1580 = arith.minimumf %slice3A_1578, %slice3A_1579 : vector<32x128xf32>
    %max3A_1581 = arith.maximumf %slice3A_1578, %slice3A_1579 : vector<32x128xf32>
    %iota3A_1582 = tpu.iota {dimensions = array<i32: 0>} : vector<32x128xi32>
    %and3A_1583 = arith.constant 1 : i32
    %and3A_1584 = vector.broadcast %and3A_1583 : i32 to vector<32x128xi32>
    %and3A_1585 = arith.andi %iota3A_1582, %and3A_1584 : vector<32x128xi32>
    %ne3A_1586 = arith.constant 0 : i32
    %ne3A_1587 = vector.broadcast %ne3A_1586 : i32 to vector<32x128xi32>
    %ne3A_1588 = arith.cmpi ne, %and3A_1585, %ne3A_1587 : vector<32x128xi32>
    %select_n3A_1589 = arith.select %ne3A_1588, %min3A_1580, %max3A_1581 : vector<32x128xi1>, vector<32x128xf32>
    %select_n3A_1590 = arith.select %ne3A_1588, %max3A_1581, %min3A_1580 : vector<32x128xi1>, vector<32x128xf32>
    %slice3A_1591 = vector.extract_strided_slice %concatenate3A_1564 {offsets = [128, 0], sizes = [32, 128], strides = [1, 1]} : vector<256x128xf32> to vector<32x128xf32>
    %slice3A_1592 = vector.extract_strided_slice %concatenate3A_1564 {offsets = [160, 0], sizes = [32, 128], strides = [1, 1]} : vector<256x128xf32> to vector<32x128xf32>
    %min3A_1593 = arith.minimumf %slice3A_1591, %slice3A_1592 : vector<32x128xf32>
    %max3A_1594 = arith.maximumf %slice3A_1591, %slice3A_1592 : vector<32x128xf32>
    %iota3A_1595 = tpu.iota {dimensions = array<i32: 0>} : vector<32x128xi32>
    %and3A_1596 = arith.constant 1 : i32
    %and3A_1597 = vector.broadcast %and3A_1596 : i32 to vector<32x128xi32>
    %and3A_1598 = arith.andi %iota3A_1595, %and3A_1597 : vector<32x128xi32>
    %ne3A_1599 = arith.constant 0 : i32
    %ne3A_1600 = vector.broadcast %ne3A_1599 : i32 to vector<32x128xi32>
    %ne3A_1601 = arith.cmpi ne, %and3A_1598, %ne3A_1600 : vector<32x128xi32>
    %select_n3A_1602 = arith.select %ne3A_1601, %min3A_1593, %max3A_1594 : vector<32x128xi1>, vector<32x128xf32>
    %select_n3A_1603 = arith.select %ne3A_1601, %max3A_1594, %min3A_1593 : vector<32x128xi1>, vector<32x128xf32>
    %slice3A_1604 = vector.extract_strided_slice %concatenate3A_1564 {offsets = [192, 0], sizes = [32, 128], strides = [1, 1]} : vector<256x128xf32> to vector<32x128xf32>
    %slice3A_1605 = vector.extract_strided_slice %concatenate3A_1564 {offsets = [224, 0], sizes = [32, 128], strides = [1, 1]} : vector<256x128xf32> to vector<32x128xf32>
    %min3A_1606 = arith.minimumf %slice3A_1604, %slice3A_1605 : vector<32x128xf32>
    %max3A_1607 = arith.maximumf %slice3A_1604, %slice3A_1605 : vector<32x128xf32>
    %iota3A_1608 = tpu.iota {dimensions = array<i32: 0>} : vector<32x128xi32>
    %and3A_1609 = arith.constant 1 : i32
    %and3A_1610 = vector.broadcast %and3A_1609 : i32 to vector<32x128xi32>
    %and3A_1611 = arith.andi %iota3A_1608, %and3A_1610 : vector<32x128xi32>
    %ne3A_1612 = arith.constant 0 : i32
    %ne3A_1613 = vector.broadcast %ne3A_1612 : i32 to vector<32x128xi32>
    %ne3A_1614 = arith.cmpi ne, %and3A_1611, %ne3A_1613 : vector<32x128xi32>
    %select_n3A_1615 = arith.select %ne3A_1614, %min3A_1606, %max3A_1607 : vector<32x128xi1>, vector<32x128xf32>
    %select_n3A_1616 = arith.select %ne3A_1614, %max3A_1607, %min3A_1606 : vector<32x128xi1>, vector<32x128xf32>
    %concatenate3A_1617 = tpu.concatenate %select_n3A_1576, %select_n3A_1577, %select_n3A_1589, %select_n3A_1590, %select_n3A_1602, %select_n3A_1603, %select_n3A_1615, %select_n3A_1616 in 0 : vector<32x128xf32>, vector<32x128xf32>, vector<32x128xf32>, vector<32x128xf32>, vector<32x128xf32>, vector<32x128xf32>, vector<32x128xf32>, vector<32x128xf32> -> vector<256x128xf32>
    %slice3A_1618 = vector.extract_strided_slice %concatenate3A_1617 {offsets = [0, 0], sizes = [64, 128], strides = [1, 1]} : vector<256x128xf32> to vector<64x128xf32>
    %slice3A_1619 = vector.extract_strided_slice %concatenate3A_1617 {offsets = [64, 0], sizes = [64, 128], strides = [1, 1]} : vector<256x128xf32> to vector<64x128xf32>
    %min3A_1620 = arith.minimumf %slice3A_1618, %slice3A_1619 : vector<64x128xf32>
    %max3A_1621 = arith.maximumf %slice3A_1618, %slice3A_1619 : vector<64x128xf32>
    %iota3A_1622 = tpu.iota {dimensions = array<i32: 0>} : vector<64x128xi32>
    %and3A_1623 = arith.constant 1 : i32
    %and3A_1624 = vector.broadcast %and3A_1623 : i32 to vector<64x128xi32>
    %and3A_1625 = arith.andi %iota3A_1622, %and3A_1624 : vector<64x128xi32>
    %ne3A_1626 = arith.constant 0 : i32
    %ne3A_1627 = vector.broadcast %ne3A_1626 : i32 to vector<64x128xi32>
    %ne3A_1628 = arith.cmpi ne, %and3A_1625, %ne3A_1627 : vector<64x128xi32>
    %select_n3A_1629 = arith.select %ne3A_1628, %min3A_1620, %max3A_1621 : vector<64x128xi1>, vector<64x128xf32>
    %select_n3A_1630 = arith.select %ne3A_1628, %max3A_1621, %min3A_1620 : vector<64x128xi1>, vector<64x128xf32>
    %slice3A_1631 = vector.extract_strided_slice %concatenate3A_1617 {offsets = [128, 0], sizes = [64, 128], strides = [1, 1]} : vector<256x128xf32> to vector<64x128xf32>
    %slice3A_1632 = vector.extract_strided_slice %concatenate3A_1617 {offsets = [192, 0], sizes = [64, 128], strides = [1, 1]} : vector<256x128xf32> to vector<64x128xf32>
    %min3A_1633 = arith.minimumf %slice3A_1631, %slice3A_1632 : vector<64x128xf32>
    %max3A_1634 = arith.maximumf %slice3A_1631, %slice3A_1632 : vector<64x128xf32>
    %iota3A_1635 = tpu.iota {dimensions = array<i32: 0>} : vector<64x128xi32>
    %and3A_1636 = arith.constant 1 : i32
    %and3A_1637 = vector.broadcast %and3A_1636 : i32 to vector<64x128xi32>
    %and3A_1638 = arith.andi %iota3A_1635, %and3A_1637 : vector<64x128xi32>
    %ne3A_1639 = arith.constant 0 : i32
    %ne3A_1640 = vector.broadcast %ne3A_1639 : i32 to vector<64x128xi32>
    %ne3A_1641 = arith.cmpi ne, %and3A_1638, %ne3A_1640 : vector<64x128xi32>
    %select_n3A_1642 = arith.select %ne3A_1641, %min3A_1633, %max3A_1634 : vector<64x128xi1>, vector<64x128xf32>
    %select_n3A_1643 = arith.select %ne3A_1641, %max3A_1634, %min3A_1633 : vector<64x128xi1>, vector<64x128xf32>
    %concatenate3A_1644 = tpu.concatenate %select_n3A_1629, %select_n3A_1630, %select_n3A_1642, %select_n3A_1643 in 0 : vector<64x128xf32>, vector<64x128xf32>, vector<64x128xf32>, vector<64x128xf32> -> vector<256x128xf32>
    %slice3A_1645 = vector.extract_strided_slice %concatenate3A_1644 {offsets = [0, 0], sizes = [128, 128], strides = [1, 1]} : vector<256x128xf32> to vector<128x128xf32>
    %slice3A_1646 = vector.extract_strided_slice %concatenate3A_1644 {offsets = [128, 0], sizes = [128, 128], strides = [1, 1]} : vector<256x128xf32> to vector<128x128xf32>
    %min3A_1647 = arith.minimumf %slice3A_1645, %slice3A_1646 : vector<128x128xf32>
    %max3A_1648 = arith.maximumf %slice3A_1645, %slice3A_1646 : vector<128x128xf32>
    %iota3A_1649 = tpu.iota {dimensions = array<i32: 0>} : vector<128x128xi32>
    %and3A_1650 = arith.constant 1 : i32
    %and3A_1651 = vector.broadcast %and3A_1650 : i32 to vector<128x128xi32>
    %and3A_1652 = arith.andi %iota3A_1649, %and3A_1651 : vector<128x128xi32>
    %ne3A_1653 = arith.constant 0 : i32
    %ne3A_1654 = vector.broadcast %ne3A_1653 : i32 to vector<128x128xi32>
    %ne3A_1655 = arith.cmpi ne, %and3A_1652, %ne3A_1654 : vector<128x128xi32>
    %select_n3A_1656 = arith.select %ne3A_1655, %min3A_1647, %max3A_1648 : vector<128x128xi1>, vector<128x128xf32>
    %select_n3A_1657 = arith.select %ne3A_1655, %max3A_1648, %min3A_1647 : vector<128x128xi1>, vector<128x128xf32>
    %concatenate3A_1658 = tpu.concatenate %select_n3A_1656, %select_n3A_1657 in 0 : vector<128x128xf32>, vector<128x128xf32> -> vector<256x128xf32>
    %iota3A_1659 = tpu.iota {dimensions = array<i32: 0>} : vector<256x128xi32>
    %slice3A_1660 = vector.extract_strided_slice %concatenate3A_1658 {offsets = [1, 0], sizes = [255, 128], strides = [1, 1]} : vector<256x128xf32> to vector<255x128xf32>
    %slice3A_1661 = vector.extract_strided_slice %concatenate3A_1658 {offsets = [0, 0], sizes = [1, 128], strides = [1, 1]} : vector<256x128xf32> to vector<1x128xf32>
    %concatenate3A_1662 = tpu.concatenate %slice3A_1660, %slice3A_1661 in 0 : vector<255x128xf32>, vector<1x128xf32> -> vector<256x128xf32>
    %slice3A_1663 = vector.extract_strided_slice %concatenate3A_1658 {offsets = [255, 0], sizes = [1, 128], strides = [1, 1]} : vector<256x128xf32> to vector<1x128xf32>
    %slice3A_1664 = vector.extract_strided_slice %concatenate3A_1658 {offsets = [0, 0], sizes = [255, 128], strides = [1, 1]} : vector<256x128xf32> to vector<255x128xf32>
    %concatenate3A_1665 = tpu.concatenate %slice3A_1663, %slice3A_1664 in 0 : vector<1x128xf32>, vector<255x128xf32> -> vector<256x128xf32>
    %and3A_1666 = arith.constant 1 : i32
    %and3A_1667 = vector.broadcast %and3A_1666 : i32 to vector<256x128xi32>
    %and3A_1668 = arith.andi %iota3A_1659, %and3A_1667 : vector<256x128xi32>
    %ne3A_1669 = arith.constant 0 : i32
    %ne3A_1670 = vector.broadcast %ne3A_1669 : i32 to vector<256x128xi32>
    %ne3A_1671 = arith.cmpi ne, %and3A_1668, %ne3A_1670 : vector<256x128xi32>
    %select_n3A_1672 = arith.select %ne3A_1671, %concatenate3A_1665, %concatenate3A_1662 : vector<256x128xi1>, vector<256x128xf32>
    %and3A_1673 = arith.constant 0 : i32
    %and3A_1674 = vector.broadcast %and3A_1673 : i32 to vector<256x128xi32>
    %and3A_1675 = arith.andi %iota3A_1659, %and3A_1674 : vector<256x128xi32>
    %ne3A_1676 = arith.constant 0 : i32
    %ne3A_1677 = vector.broadcast %ne3A_1676 : i32 to vector<256x128xi32>
    %ne3A_1678 = arith.cmpi ne, %and3A_1675, %ne3A_1677 : vector<256x128xi32>
    %eq3A_1679 = arith.xori %ne3A_1671, %ne3A_1678 : vector<256x128xi1>
    %eq3A_1680 = arith.constant dense<true> : vector<256x128xi1>
    %eq3A_1681 = arith.xori %eq3A_1679, %eq3A_1680 : vector<256x128xi1>
    %max3A_1682 = arith.maximumf %concatenate3A_1658, %select_n3A_1672 : vector<256x128xf32>
    %min3A_1683 = arith.minimumf %concatenate3A_1658, %select_n3A_1672 : vector<256x128xf32>
    %select_n3A_1684 = arith.select %eq3A_1681, %max3A_1682, %min3A_1683 : vector<256x128xi1>, vector<256x128xf32>
    %iota3A_1685 = tpu.iota {dimensions = array<i32: 0>} : vector<256x128xi32>
    %slice3A_1686 = vector.extract_strided_slice %select_n3A_1684 {offsets = [2, 0], sizes = [254, 128], strides = [1, 1]} : vector<256x128xf32> to vector<254x128xf32>
    %slice3A_1687 = vector.extract_strided_slice %select_n3A_1684 {offsets = [0, 0], sizes = [2, 128], strides = [1, 1]} : vector<256x128xf32> to vector<2x128xf32>
    %concatenate3A_1688 = tpu.concatenate %slice3A_1686, %slice3A_1687 in 0 : vector<254x128xf32>, vector<2x128xf32> -> vector<256x128xf32>
    %slice3A_1689 = vector.extract_strided_slice %select_n3A_1684 {offsets = [254, 0], sizes = [2, 128], strides = [1, 1]} : vector<256x128xf32> to vector<2x128xf32>
    %slice3A_1690 = vector.extract_strided_slice %select_n3A_1684 {offsets = [0, 0], sizes = [254, 128], strides = [1, 1]} : vector<256x128xf32> to vector<254x128xf32>
    %concatenate3A_1691 = tpu.concatenate %slice3A_1689, %slice3A_1690 in 0 : vector<2x128xf32>, vector<254x128xf32> -> vector<256x128xf32>
    %and3A_1692 = arith.constant 2 : i32
    %and3A_1693 = vector.broadcast %and3A_1692 : i32 to vector<256x128xi32>
    %and3A_1694 = arith.andi %iota3A_1685, %and3A_1693 : vector<256x128xi32>
    %ne3A_1695 = arith.constant 0 : i32
    %ne3A_1696 = vector.broadcast %ne3A_1695 : i32 to vector<256x128xi32>
    %ne3A_1697 = arith.cmpi ne, %and3A_1694, %ne3A_1696 : vector<256x128xi32>
    %select_n3A_1698 = arith.select %ne3A_1697, %concatenate3A_1691, %concatenate3A_1688 : vector<256x128xi1>, vector<256x128xf32>
    %and3A_1699 = arith.constant 0 : i32
    %and3A_1700 = vector.broadcast %and3A_1699 : i32 to vector<256x128xi32>
    %and3A_1701 = arith.andi %iota3A_1685, %and3A_1700 : vector<256x128xi32>
    %ne3A_1702 = arith.constant 0 : i32
    %ne3A_1703 = vector.broadcast %ne3A_1702 : i32 to vector<256x128xi32>
    %ne3A_1704 = arith.cmpi ne, %and3A_1701, %ne3A_1703 : vector<256x128xi32>
    %eq3A_1705 = arith.xori %ne3A_1697, %ne3A_1704 : vector<256x128xi1>
    %eq3A_1706 = arith.constant dense<true> : vector<256x128xi1>
    %eq3A_1707 = arith.xori %eq3A_1705, %eq3A_1706 : vector<256x128xi1>
    %max3A_1708 = arith.maximumf %select_n3A_1684, %select_n3A_1698 : vector<256x128xf32>
    %min3A_1709 = arith.minimumf %select_n3A_1684, %select_n3A_1698 : vector<256x128xf32>
    %select_n3A_1710 = arith.select %eq3A_1707, %max3A_1708, %min3A_1709 : vector<256x128xi1>, vector<256x128xf32>
    %iota3A_1711 = tpu.iota {dimensions = array<i32: 0>} : vector<256x128xi32>
    %slice3A_1712 = vector.extract_strided_slice %select_n3A_1710 {offsets = [4, 0], sizes = [252, 128], strides = [1, 1]} : vector<256x128xf32> to vector<252x128xf32>
    %slice3A_1713 = vector.extract_strided_slice %select_n3A_1710 {offsets = [0, 0], sizes = [4, 128], strides = [1, 1]} : vector<256x128xf32> to vector<4x128xf32>
    %concatenate3A_1714 = tpu.concatenate %slice3A_1712, %slice3A_1713 in 0 : vector<252x128xf32>, vector<4x128xf32> -> vector<256x128xf32>
    %slice3A_1715 = vector.extract_strided_slice %select_n3A_1710 {offsets = [252, 0], sizes = [4, 128], strides = [1, 1]} : vector<256x128xf32> to vector<4x128xf32>
    %slice3A_1716 = vector.extract_strided_slice %select_n3A_1710 {offsets = [0, 0], sizes = [252, 128], strides = [1, 1]} : vector<256x128xf32> to vector<252x128xf32>
    %concatenate3A_1717 = tpu.concatenate %slice3A_1715, %slice3A_1716 in 0 : vector<4x128xf32>, vector<252x128xf32> -> vector<256x128xf32>
    %and3A_1718 = arith.constant 4 : i32
    %and3A_1719 = vector.broadcast %and3A_1718 : i32 to vector<256x128xi32>
    %and3A_1720 = arith.andi %iota3A_1711, %and3A_1719 : vector<256x128xi32>
    %ne3A_1721 = arith.constant 0 : i32
    %ne3A_1722 = vector.broadcast %ne3A_1721 : i32 to vector<256x128xi32>
    %ne3A_1723 = arith.cmpi ne, %and3A_1720, %ne3A_1722 : vector<256x128xi32>
    %select_n3A_1724 = arith.select %ne3A_1723, %concatenate3A_1717, %concatenate3A_1714 : vector<256x128xi1>, vector<256x128xf32>
    %and3A_1725 = arith.constant 0 : i32
    %and3A_1726 = vector.broadcast %and3A_1725 : i32 to vector<256x128xi32>
    %and3A_1727 = arith.andi %iota3A_1711, %and3A_1726 : vector<256x128xi32>
    %ne3A_1728 = arith.constant 0 : i32
    %ne3A_1729 = vector.broadcast %ne3A_1728 : i32 to vector<256x128xi32>
    %ne3A_1730 = arith.cmpi ne, %and3A_1727, %ne3A_1729 : vector<256x128xi32>
    %eq3A_1731 = arith.xori %ne3A_1723, %ne3A_1730 : vector<256x128xi1>
    %eq3A_1732 = arith.constant dense<true> : vector<256x128xi1>
    %eq3A_1733 = arith.xori %eq3A_1731, %eq3A_1732 : vector<256x128xi1>
    %max3A_1734 = arith.maximumf %select_n3A_1710, %select_n3A_1724 : vector<256x128xf32>
    %min3A_1735 = arith.minimumf %select_n3A_1710, %select_n3A_1724 : vector<256x128xf32>
    %select_n3A_1736 = arith.select %eq3A_1733, %max3A_1734, %min3A_1735 : vector<256x128xi1>, vector<256x128xf32>
    %slice3A_1737 = vector.extract_strided_slice %select_n3A_1736 {offsets = [0, 0], sizes = [8, 128], strides = [1, 1]} : vector<256x128xf32> to vector<8x128xf32>
    %slice3A_1738 = vector.extract_strided_slice %select_n3A_1736 {offsets = [8, 0], sizes = [8, 128], strides = [1, 1]} : vector<256x128xf32> to vector<8x128xf32>
    %min3A_1739 = arith.minimumf %slice3A_1737, %slice3A_1738 : vector<8x128xf32>
    %max3A_1740 = arith.maximumf %slice3A_1737, %slice3A_1738 : vector<8x128xf32>
    %slice3A_1741 = vector.extract_strided_slice %select_n3A_1736 {offsets = [16, 0], sizes = [8, 128], strides = [1, 1]} : vector<256x128xf32> to vector<8x128xf32>
    %slice3A_1742 = vector.extract_strided_slice %select_n3A_1736 {offsets = [24, 0], sizes = [8, 128], strides = [1, 1]} : vector<256x128xf32> to vector<8x128xf32>
    %min3A_1743 = arith.minimumf %slice3A_1741, %slice3A_1742 : vector<8x128xf32>
    %max3A_1744 = arith.maximumf %slice3A_1741, %slice3A_1742 : vector<8x128xf32>
    %slice3A_1745 = vector.extract_strided_slice %select_n3A_1736 {offsets = [32, 0], sizes = [8, 128], strides = [1, 1]} : vector<256x128xf32> to vector<8x128xf32>
    %slice3A_1746 = vector.extract_strided_slice %select_n3A_1736 {offsets = [40, 0], sizes = [8, 128], strides = [1, 1]} : vector<256x128xf32> to vector<8x128xf32>
    %min3A_1747 = arith.minimumf %slice3A_1745, %slice3A_1746 : vector<8x128xf32>
    %max3A_1748 = arith.maximumf %slice3A_1745, %slice3A_1746 : vector<8x128xf32>
    %slice3A_1749 = vector.extract_strided_slice %select_n3A_1736 {offsets = [48, 0], sizes = [8, 128], strides = [1, 1]} : vector<256x128xf32> to vector<8x128xf32>
    %slice3A_1750 = vector.extract_strided_slice %select_n3A_1736 {offsets = [56, 0], sizes = [8, 128], strides = [1, 1]} : vector<256x128xf32> to vector<8x128xf32>
    %min3A_1751 = arith.minimumf %slice3A_1749, %slice3A_1750 : vector<8x128xf32>
    %max3A_1752 = arith.maximumf %slice3A_1749, %slice3A_1750 : vector<8x128xf32>
    %slice3A_1753 = vector.extract_strided_slice %select_n3A_1736 {offsets = [64, 0], sizes = [8, 128], strides = [1, 1]} : vector<256x128xf32> to vector<8x128xf32>
    %slice3A_1754 = vector.extract_strided_slice %select_n3A_1736 {offsets = [72, 0], sizes = [8, 128], strides = [1, 1]} : vector<256x128xf32> to vector<8x128xf32>
    %min3A_1755 = arith.minimumf %slice3A_1753, %slice3A_1754 : vector<8x128xf32>
    %max3A_1756 = arith.maximumf %slice3A_1753, %slice3A_1754 : vector<8x128xf32>
    %slice3A_1757 = vector.extract_strided_slice %select_n3A_1736 {offsets = [80, 0], sizes = [8, 128], strides = [1, 1]} : vector<256x128xf32> to vector<8x128xf32>
    %slice3A_1758 = vector.extract_strided_slice %select_n3A_1736 {offsets = [88, 0], sizes = [8, 128], strides = [1, 1]} : vector<256x128xf32> to vector<8x128xf32>
    %min3A_1759 = arith.minimumf %slice3A_1757, %slice3A_1758 : vector<8x128xf32>
    %max3A_1760 = arith.maximumf %slice3A_1757, %slice3A_1758 : vector<8x128xf32>
    %slice3A_1761 = vector.extract_strided_slice %select_n3A_1736 {offsets = [96, 0], sizes = [8, 128], strides = [1, 1]} : vector<256x128xf32> to vector<8x128xf32>
    %slice3A_1762 = vector.extract_strided_slice %select_n3A_1736 {offsets = [104, 0], sizes = [8, 128], strides = [1, 1]} : vector<256x128xf32> to vector<8x128xf32>
    %min3A_1763 = arith.minimumf %slice3A_1761, %slice3A_1762 : vector<8x128xf32>
    %max3A_1764 = arith.maximumf %slice3A_1761, %slice3A_1762 : vector<8x128xf32>
    %slice3A_1765 = vector.extract_strided_slice %select_n3A_1736 {offsets = [112, 0], sizes = [8, 128], strides = [1, 1]} : vector<256x128xf32> to vector<8x128xf32>
    %slice3A_1766 = vector.extract_strided_slice %select_n3A_1736 {offsets = [120, 0], sizes = [8, 128], strides = [1, 1]} : vector<256x128xf32> to vector<8x128xf32>
    %min3A_1767 = arith.minimumf %slice3A_1765, %slice3A_1766 : vector<8x128xf32>
    %max3A_1768 = arith.maximumf %slice3A_1765, %slice3A_1766 : vector<8x128xf32>
    %slice3A_1769 = vector.extract_strided_slice %select_n3A_1736 {offsets = [128, 0], sizes = [8, 128], strides = [1, 1]} : vector<256x128xf32> to vector<8x128xf32>
    %slice3A_1770 = vector.extract_strided_slice %select_n3A_1736 {offsets = [136, 0], sizes = [8, 128], strides = [1, 1]} : vector<256x128xf32> to vector<8x128xf32>
    %min3A_1771 = arith.minimumf %slice3A_1769, %slice3A_1770 : vector<8x128xf32>
    %max3A_1772 = arith.maximumf %slice3A_1769, %slice3A_1770 : vector<8x128xf32>
    %slice3A_1773 = vector.extract_strided_slice %select_n3A_1736 {offsets = [144, 0], sizes = [8, 128], strides = [1, 1]} : vector<256x128xf32> to vector<8x128xf32>
    %slice3A_1774 = vector.extract_strided_slice %select_n3A_1736 {offsets = [152, 0], sizes = [8, 128], strides = [1, 1]} : vector<256x128xf32> to vector<8x128xf32>
    %min3A_1775 = arith.minimumf %slice3A_1773, %slice3A_1774 : vector<8x128xf32>
    %max3A_1776 = arith.maximumf %slice3A_1773, %slice3A_1774 : vector<8x128xf32>
    %slice3A_1777 = vector.extract_strided_slice %select_n3A_1736 {offsets = [160, 0], sizes = [8, 128], strides = [1, 1]} : vector<256x128xf32> to vector<8x128xf32>
    %slice3A_1778 = vector.extract_strided_slice %select_n3A_1736 {offsets = [168, 0], sizes = [8, 128], strides = [1, 1]} : vector<256x128xf32> to vector<8x128xf32>
    %min3A_1779 = arith.minimumf %slice3A_1777, %slice3A_1778 : vector<8x128xf32>
    %max3A_1780 = arith.maximumf %slice3A_1777, %slice3A_1778 : vector<8x128xf32>
    %slice3A_1781 = vector.extract_strided_slice %select_n3A_1736 {offsets = [176, 0], sizes = [8, 128], strides = [1, 1]} : vector<256x128xf32> to vector<8x128xf32>
    %slice3A_1782 = vector.extract_strided_slice %select_n3A_1736 {offsets = [184, 0], sizes = [8, 128], strides = [1, 1]} : vector<256x128xf32> to vector<8x128xf32>
    %min3A_1783 = arith.minimumf %slice3A_1781, %slice3A_1782 : vector<8x128xf32>
    %max3A_1784 = arith.maximumf %slice3A_1781, %slice3A_1782 : vector<8x128xf32>
    %slice3A_1785 = vector.extract_strided_slice %select_n3A_1736 {offsets = [192, 0], sizes = [8, 128], strides = [1, 1]} : vector<256x128xf32> to vector<8x128xf32>
    %slice3A_1786 = vector.extract_strided_slice %select_n3A_1736 {offsets = [200, 0], sizes = [8, 128], strides = [1, 1]} : vector<256x128xf32> to vector<8x128xf32>
    %min3A_1787 = arith.minimumf %slice3A_1785, %slice3A_1786 : vector<8x128xf32>
    %max3A_1788 = arith.maximumf %slice3A_1785, %slice3A_1786 : vector<8x128xf32>
    %slice3A_1789 = vector.extract_strided_slice %select_n3A_1736 {offsets = [208, 0], sizes = [8, 128], strides = [1, 1]} : vector<256x128xf32> to vector<8x128xf32>
    %slice3A_1790 = vector.extract_strided_slice %select_n3A_1736 {offsets = [216, 0], sizes = [8, 128], strides = [1, 1]} : vector<256x128xf32> to vector<8x128xf32>
    %min3A_1791 = arith.minimumf %slice3A_1789, %slice3A_1790 : vector<8x128xf32>
    %max3A_1792 = arith.maximumf %slice3A_1789, %slice3A_1790 : vector<8x128xf32>
    %slice3A_1793 = vector.extract_strided_slice %select_n3A_1736 {offsets = [224, 0], sizes = [8, 128], strides = [1, 1]} : vector<256x128xf32> to vector<8x128xf32>
    %slice3A_1794 = vector.extract_strided_slice %select_n3A_1736 {offsets = [232, 0], sizes = [8, 128], strides = [1, 1]} : vector<256x128xf32> to vector<8x128xf32>
    %min3A_1795 = arith.minimumf %slice3A_1793, %slice3A_1794 : vector<8x128xf32>
    %max3A_1796 = arith.maximumf %slice3A_1793, %slice3A_1794 : vector<8x128xf32>
    %slice3A_1797 = vector.extract_strided_slice %select_n3A_1736 {offsets = [240, 0], sizes = [8, 128], strides = [1, 1]} : vector<256x128xf32> to vector<8x128xf32>
    %slice3A_1798 = vector.extract_strided_slice %select_n3A_1736 {offsets = [248, 0], sizes = [8, 128], strides = [1, 1]} : vector<256x128xf32> to vector<8x128xf32>
    %min3A_1799 = arith.minimumf %slice3A_1797, %slice3A_1798 : vector<8x128xf32>
    %max3A_1800 = arith.maximumf %slice3A_1797, %slice3A_1798 : vector<8x128xf32>
    %concatenate3A_1801 = tpu.concatenate %max3A_1740, %min3A_1739, %max3A_1744, %min3A_1743, %max3A_1748, %min3A_1747, %max3A_1752, %min3A_1751, %max3A_1756, %min3A_1755, %max3A_1760, %min3A_1759, %max3A_1764, %min3A_1763, %max3A_1768, %min3A_1767, %max3A_1772, %min3A_1771, %max3A_1776, %min3A_1775, %max3A_1780, %min3A_1779, %max3A_1784, %min3A_1783, %max3A_1788, %min3A_1787, %max3A_1792, %min3A_1791, %max3A_1796, %min3A_1795, %max3A_1800, %min3A_1799 in 0 : vector<8x128xf32>, vector<8x128xf32>, vector<8x128xf32>, vector<8x128xf32>, vector<8x128xf32>, vector<8x128xf32>, vector<8x128xf32>, vector<8x128xf32>, vector<8x128xf32>, vector<8x128xf32>, vector<8x128xf32>, vector<8x128xf32>, vector<8x128xf32>, vector<8x128xf32>, vector<8x128xf32>, vector<8x128xf32>, vector<8x128xf32>, vector<8x128xf32>, vector<8x128xf32>, vector<8x128xf32>, vector<8x128xf32>, vector<8x128xf32>, vector<8x128xf32>, vector<8x128xf32>, vector<8x128xf32>, vector<8x128xf32>, vector<8x128xf32>, vector<8x128xf32>, vector<8x128xf32>, vector<8x128xf32>, vector<8x128xf32>, vector<8x128xf32> -> vector<256x128xf32>
    %slice3A_1802 = vector.extract_strided_slice %concatenate3A_1801 {offsets = [0, 0], sizes = [16, 128], strides = [1, 1]} : vector<256x128xf32> to vector<16x128xf32>
    %slice3A_1803 = vector.extract_strided_slice %concatenate3A_1801 {offsets = [16, 0], sizes = [16, 128], strides = [1, 1]} : vector<256x128xf32> to vector<16x128xf32>
    %min3A_1804 = arith.minimumf %slice3A_1802, %slice3A_1803 : vector<16x128xf32>
    %max3A_1805 = arith.maximumf %slice3A_1802, %slice3A_1803 : vector<16x128xf32>
    %slice3A_1806 = vector.extract_strided_slice %concatenate3A_1801 {offsets = [32, 0], sizes = [16, 128], strides = [1, 1]} : vector<256x128xf32> to vector<16x128xf32>
    %slice3A_1807 = vector.extract_strided_slice %concatenate3A_1801 {offsets = [48, 0], sizes = [16, 128], strides = [1, 1]} : vector<256x128xf32> to vector<16x128xf32>
    %min3A_1808 = arith.minimumf %slice3A_1806, %slice3A_1807 : vector<16x128xf32>
    %max3A_1809 = arith.maximumf %slice3A_1806, %slice3A_1807 : vector<16x128xf32>
    %slice3A_1810 = vector.extract_strided_slice %concatenate3A_1801 {offsets = [64, 0], sizes = [16, 128], strides = [1, 1]} : vector<256x128xf32> to vector<16x128xf32>
    %slice3A_1811 = vector.extract_strided_slice %concatenate3A_1801 {offsets = [80, 0], sizes = [16, 128], strides = [1, 1]} : vector<256x128xf32> to vector<16x128xf32>
    %min3A_1812 = arith.minimumf %slice3A_1810, %slice3A_1811 : vector<16x128xf32>
    %max3A_1813 = arith.maximumf %slice3A_1810, %slice3A_1811 : vector<16x128xf32>
    %slice3A_1814 = vector.extract_strided_slice %concatenate3A_1801 {offsets = [96, 0], sizes = [16, 128], strides = [1, 1]} : vector<256x128xf32> to vector<16x128xf32>
    %slice3A_1815 = vector.extract_strided_slice %concatenate3A_1801 {offsets = [112, 0], sizes = [16, 128], strides = [1, 1]} : vector<256x128xf32> to vector<16x128xf32>
    %min3A_1816 = arith.minimumf %slice3A_1814, %slice3A_1815 : vector<16x128xf32>
    %max3A_1817 = arith.maximumf %slice3A_1814, %slice3A_1815 : vector<16x128xf32>
    %slice3A_1818 = vector.extract_strided_slice %concatenate3A_1801 {offsets = [128, 0], sizes = [16, 128], strides = [1, 1]} : vector<256x128xf32> to vector<16x128xf32>
    %slice3A_1819 = vector.extract_strided_slice %concatenate3A_1801 {offsets = [144, 0], sizes = [16, 128], strides = [1, 1]} : vector<256x128xf32> to vector<16x128xf32>
    %min3A_1820 = arith.minimumf %slice3A_1818, %slice3A_1819 : vector<16x128xf32>
    %max3A_1821 = arith.maximumf %slice3A_1818, %slice3A_1819 : vector<16x128xf32>
    %slice3A_1822 = vector.extract_strided_slice %concatenate3A_1801 {offsets = [160, 0], sizes = [16, 128], strides = [1, 1]} : vector<256x128xf32> to vector<16x128xf32>
    %slice3A_1823 = vector.extract_strided_slice %concatenate3A_1801 {offsets = [176, 0], sizes = [16, 128], strides = [1, 1]} : vector<256x128xf32> to vector<16x128xf32>
    %min3A_1824 = arith.minimumf %slice3A_1822, %slice3A_1823 : vector<16x128xf32>
    %max3A_1825 = arith.maximumf %slice3A_1822, %slice3A_1823 : vector<16x128xf32>
    %slice3A_1826 = vector.extract_strided_slice %concatenate3A_1801 {offsets = [192, 0], sizes = [16, 128], strides = [1, 1]} : vector<256x128xf32> to vector<16x128xf32>
    %slice3A_1827 = vector.extract_strided_slice %concatenate3A_1801 {offsets = [208, 0], sizes = [16, 128], strides = [1, 1]} : vector<256x128xf32> to vector<16x128xf32>
    %min3A_1828 = arith.minimumf %slice3A_1826, %slice3A_1827 : vector<16x128xf32>
    %max3A_1829 = arith.maximumf %slice3A_1826, %slice3A_1827 : vector<16x128xf32>
    %slice3A_1830 = vector.extract_strided_slice %concatenate3A_1801 {offsets = [224, 0], sizes = [16, 128], strides = [1, 1]} : vector<256x128xf32> to vector<16x128xf32>
    %slice3A_1831 = vector.extract_strided_slice %concatenate3A_1801 {offsets = [240, 0], sizes = [16, 128], strides = [1, 1]} : vector<256x128xf32> to vector<16x128xf32>
    %min3A_1832 = arith.minimumf %slice3A_1830, %slice3A_1831 : vector<16x128xf32>
    %max3A_1833 = arith.maximumf %slice3A_1830, %slice3A_1831 : vector<16x128xf32>
    %concatenate3A_1834 = tpu.concatenate %max3A_1805, %min3A_1804, %max3A_1809, %min3A_1808, %max3A_1813, %min3A_1812, %max3A_1817, %min3A_1816, %max3A_1821, %min3A_1820, %max3A_1825, %min3A_1824, %max3A_1829, %min3A_1828, %max3A_1833, %min3A_1832 in 0 : vector<16x128xf32>, vector<16x128xf32>, vector<16x128xf32>, vector<16x128xf32>, vector<16x128xf32>, vector<16x128xf32>, vector<16x128xf32>, vector<16x128xf32>, vector<16x128xf32>, vector<16x128xf32>, vector<16x128xf32>, vector<16x128xf32>, vector<16x128xf32>, vector<16x128xf32>, vector<16x128xf32>, vector<16x128xf32> -> vector<256x128xf32>
    %slice3A_1835 = vector.extract_strided_slice %concatenate3A_1834 {offsets = [0, 0], sizes = [32, 128], strides = [1, 1]} : vector<256x128xf32> to vector<32x128xf32>
    %slice3A_1836 = vector.extract_strided_slice %concatenate3A_1834 {offsets = [32, 0], sizes = [32, 128], strides = [1, 1]} : vector<256x128xf32> to vector<32x128xf32>
    %min3A_1837 = arith.minimumf %slice3A_1835, %slice3A_1836 : vector<32x128xf32>
    %max3A_1838 = arith.maximumf %slice3A_1835, %slice3A_1836 : vector<32x128xf32>
    %slice3A_1839 = vector.extract_strided_slice %concatenate3A_1834 {offsets = [64, 0], sizes = [32, 128], strides = [1, 1]} : vector<256x128xf32> to vector<32x128xf32>
    %slice3A_1840 = vector.extract_strided_slice %concatenate3A_1834 {offsets = [96, 0], sizes = [32, 128], strides = [1, 1]} : vector<256x128xf32> to vector<32x128xf32>
    %min3A_1841 = arith.minimumf %slice3A_1839, %slice3A_1840 : vector<32x128xf32>
    %max3A_1842 = arith.maximumf %slice3A_1839, %slice3A_1840 : vector<32x128xf32>
    %slice3A_1843 = vector.extract_strided_slice %concatenate3A_1834 {offsets = [128, 0], sizes = [32, 128], strides = [1, 1]} : vector<256x128xf32> to vector<32x128xf32>
    %slice3A_1844 = vector.extract_strided_slice %concatenate3A_1834 {offsets = [160, 0], sizes = [32, 128], strides = [1, 1]} : vector<256x128xf32> to vector<32x128xf32>
    %min3A_1845 = arith.minimumf %slice3A_1843, %slice3A_1844 : vector<32x128xf32>
    %max3A_1846 = arith.maximumf %slice3A_1843, %slice3A_1844 : vector<32x128xf32>
    %slice3A_1847 = vector.extract_strided_slice %concatenate3A_1834 {offsets = [192, 0], sizes = [32, 128], strides = [1, 1]} : vector<256x128xf32> to vector<32x128xf32>
    %slice3A_1848 = vector.extract_strided_slice %concatenate3A_1834 {offsets = [224, 0], sizes = [32, 128], strides = [1, 1]} : vector<256x128xf32> to vector<32x128xf32>
    %min3A_1849 = arith.minimumf %slice3A_1847, %slice3A_1848 : vector<32x128xf32>
    %max3A_1850 = arith.maximumf %slice3A_1847, %slice3A_1848 : vector<32x128xf32>
    %concatenate3A_1851 = tpu.concatenate %max3A_1838, %min3A_1837, %max3A_1842, %min3A_1841, %max3A_1846, %min3A_1845, %max3A_1850, %min3A_1849 in 0 : vector<32x128xf32>, vector<32x128xf32>, vector<32x128xf32>, vector<32x128xf32>, vector<32x128xf32>, vector<32x128xf32>, vector<32x128xf32>, vector<32x128xf32> -> vector<256x128xf32>
    %slice3A_1852 = vector.extract_strided_slice %concatenate3A_1851 {offsets = [0, 0], sizes = [64, 128], strides = [1, 1]} : vector<256x128xf32> to vector<64x128xf32>
    %slice3A_1853 = vector.extract_strided_slice %concatenate3A_1851 {offsets = [64, 0], sizes = [64, 128], strides = [1, 1]} : vector<256x128xf32> to vector<64x128xf32>
    %min3A_1854 = arith.minimumf %slice3A_1852, %slice3A_1853 : vector<64x128xf32>
    %max3A_1855 = arith.maximumf %slice3A_1852, %slice3A_1853 : vector<64x128xf32>
    %slice3A_1856 = vector.extract_strided_slice %concatenate3A_1851 {offsets = [128, 0], sizes = [64, 128], strides = [1, 1]} : vector<256x128xf32> to vector<64x128xf32>
    %slice3A_1857 = vector.extract_strided_slice %concatenate3A_1851 {offsets = [192, 0], sizes = [64, 128], strides = [1, 1]} : vector<256x128xf32> to vector<64x128xf32>
    %min3A_1858 = arith.minimumf %slice3A_1856, %slice3A_1857 : vector<64x128xf32>
    %max3A_1859 = arith.maximumf %slice3A_1856, %slice3A_1857 : vector<64x128xf32>
    %concatenate3A_1860 = tpu.concatenate %max3A_1855, %min3A_1854, %max3A_1859, %min3A_1858 in 0 : vector<64x128xf32>, vector<64x128xf32>, vector<64x128xf32>, vector<64x128xf32> -> vector<256x128xf32>
    %slice3A_1861 = vector.extract_strided_slice %concatenate3A_1860 {offsets = [0, 0], sizes = [128, 128], strides = [1, 1]} : vector<256x128xf32> to vector<128x128xf32>
    %slice3A_1862 = vector.extract_strided_slice %concatenate3A_1860 {offsets = [128, 0], sizes = [128, 128], strides = [1, 1]} : vector<256x128xf32> to vector<128x128xf32>
    %min3A_1863 = arith.minimumf %slice3A_1861, %slice3A_1862 : vector<128x128xf32>
    %max3A_1864 = arith.maximumf %slice3A_1861, %slice3A_1862 : vector<128x128xf32>
    %concatenate3A_1865 = tpu.concatenate %max3A_1864, %min3A_1863 in 0 : vector<128x128xf32>, vector<128x128xf32> -> vector<256x128xf32>
    %get3A_1866 = arith.constant 0 : index
    %get3A_1867 = arith.constant 0 : index
    %get3A_1868 = vector.load %arg3[%get3A_1866, %get3A_1867] : memref<256x128xf32, #tpu.memory_space<vmem>>, vector<256x128xf32>
    %mul3A = arith.mulf %concatenate3A_1865, %get3A_1868 : vector<256x128xf32>
    %reduce_sum3A = arith.constant dense<0.000000e+00> : vector<128xf32>
    %reduce_sum3A_1869 = vector.multi_reduction <add>, %mul3A, %reduce_sum3A [0] : vector<256x128xf32> to vector<128xf32>
    %get3A_1870 = arith.constant 0 : index
    %get3A_1871 = vector.load %arg4[%get3A_1870] : memref<128xf32, #tpu.memory_space<vmem>>, vector<128xf32>
    %add3A = arith.addf %reduce_sum3A_1869, %get3A_1871 : vector<128xf32>
    %swap3A = arith.constant 0 : index
    %swap3A_1872 = arith.constant 0 : index
    %swap3A_1873 = arith.constant 0 : index
    %swap3A_1874 = vector.load %arg5[%swap3A, %swap3A_1872, %swap3A_1873] : memref<1x1x128xf32, #tpu.memory_space<vmem>>, vector<1x1x128xf32>
    %swap3A_1875 = vector.shape_cast %swap3A_1874 : vector<1x1x128xf32> to vector<128xf32>
    %swap3A_1876 = vector.shape_cast %add3A : vector<128xf32> to vector<1x1x128xf32>
    tpu.vector_store %arg5[%swap3A, %swap3A_1872, %swap3A_1873], %swap3A_1876 {strides = array<i32>} : memref<1x1x128xf32, #tpu.memory_space<vmem>>, vector<1x1x128xf32>,
    return
  }
  func.func @transform_0(%arg0: i32, %arg1: i32) -> (i32, i32, i32) {
    %c0_i32 = arith.constant 0 : i32
    %c0_i32_0 = arith.constant 0 : i32
    return %arg0, %c0_i32, %arg1 : i32, i32, i32
  }
  func.func @transform_1(%arg0: i32, %arg1: i32) -> (i32, i32) {
    %c0_i32 = arith.constant 0 : i32
    %c0_i32_0 = arith.constant 0 : i32
    return %c0_i32, %arg1 : i32, i32
  }
  func.func @transform_2(%arg0: i32, %arg1: i32) -> i32 {
    %c0_i32 = arith.constant 0 : i32
    return %arg1 : i32
  }
  func.func @transform_3(%arg0: i32, %arg1: i32) -> (i32, i32, i32) {
    %c0_i32 = arith.constant 0 : i32
    %c0_i32_0 = arith.constant 0 : i32
    return %arg0, %c0_i32, %arg1 : i32, i32, i32
  }
}

</mosaic_0001>

<sc_bundles>
// kernel: sparse-core-data-format-call.cloned.1.call-start
scs
called_computation_lowered:
.L_overlay_start_0:
0x0: {  	s2 =	sld [smem:$0x3FD9]  }
0x1: {  	s3 =	sld [smem:$0x3FFE];
	_ =	sdelay $0x1  }
0x2: {  	s1 =	srdreg.scid  }
0x3: {  	s0 =	sand.u32 $0x1, s1  }
0x4: {  	s18 =	sshll.u32 s0, $0xA;
	s2 =	sadd.s32 s3, s2  }
0x5: {  	s2 =	sadd.s32 s2, s18  }
0x6: {  	[smem:$0x3FC5] =	sst s2  }
0x7: {  	_ = 	snop  }
0x8: {  	s2 =	sld [smem:$0x3FC9];
	(tm) =	ssettm $0x1  }
0x9: {  	s19 =	sld [smem:$0x3FFB];
	_ =	sdelay $0x3  }
0xa: {  	_ =	strace s19  }
0xb: {  	s3 =	sld [smem:$0x3FFC];
	_ =	sdelay $0x3  }
0xc: {  	_ =	strace s3  }
0xd: {  	s3 =	sld [smem:$0x3FFD];
	_ =	sdelay $0x3  }
0xe: {  	_ =	strace s3  }
0xf: {  	_ =	strace $0x8FFFFFFF  }
0x10: {  	s20 =	sld [smem:$0x3FDB];
	_ =	sdelay $0x1  }
0x11: {  	s4 =	simm.s32 $_scs_section_size  }
0x12: {  	s5 =	simm.s32 $_size__tile_overlayer_lowered;
	s6 =	simm.s32 $_tile_overlayer_lowered  }
0x13: {  	s23 =	simm.s32 $0x1BFF;
	s22 =	sshll.u32 s6, $0x1;
	s3 =	sadd.s32 s4, s20  }
0x14: {  	s7 =	simm.s32 $0x0;
	s21 =	sshll.u32 s5, $0x1;
	s5 =	sadd.s32 s22, s3  }
0x15: {  	[timem:s7], [sflag:s23] =	dma.local [hbm:s5], s21  }
0x16: {  	_ =	swait.ge [sflag:s23], s21  }
0x17: {  	s4 =	ssub.s32 $0x0, s21;
	[sflag:s23] =	ssyncset.done $0x0  }
0x18: {  	[sflag:s23] =	ssyncadd.s32 s4;
	_ =	sdelay $0x1  }
0x19: {  	s24 =	simm.s32 $0x1B8B  }
0x1a: {  	_ =	swait.ge [sflag:s24], $0x1  }
0x1b: {  	[sflag:s24] =	ssyncset.done $0x0  }
0x1c: {  	s26 =	simm.s32 $0x1B8E;
	s25 =	sld [smem:$0x3FFE];
	[sflag:s24] =	ssyncadd.s32 $0xFFFFFFFF  }
0x1d: {  	s27 =	simm.s32 $execute0_lowered;
	[smem:$0x3FD2] =	sst s26  }
0x1e: {  	s5 =	sshll.u32 s27, $0x1;
	_ =	strace $0x80000046;
	[dreg:$0x1] =	wrdreg $0xFFFFFFFF  }
0x1f: {  	s28 =	simm.s32 $_size_execute0_lowered;
	s3 =	sadd.s32 s3, s5;
	[dreg:$0x0] =	wrdreg $0x0  }
0x20: {  	s5 =	sshll.u32 s28, $0x1;
	[dreg:$0x2] =	wrdreg s3  }
0x21: {  	[dreg:$0x3] =	wrdreg s5  }
0x22: {  	[dreg:$0x4] =	wrdreg $0xC0  }
0x23: {  	_ =	task [dreg:s7], $0x5FFFF  }
0x24: {  	[dreg:$0x1] =	wrdreg $0xFFFFFFFF  }
0x25: {  	[dreg:$0x0] =	wrdreg $0x60  }
0x26: {  	[dreg:$0x2] =	wrdreg s2  }
0x27: {  	[dreg:$0x3] =	wrdreg s25  }
0x28: {  	[dreg:$0x4] =	wrdreg $0x9  }
0x29: {  	_ =	task.clear_ibuf [dreg:s7], $0x5FFFF;
	_ =	strace $0x90000046  }
0x2a: {  	s29 =	simm.s32 $0x9;
	_ =	strace $0x80000048  }
0x2b: {  	_ =	swait.ge [sflag:s29], $0x1  }
0x2c: {  	[sflag:s29] =	ssyncadd.s32 $0xFFFFFFFF  }
0x2d: {  	_ =	strace $0x90000048  }
0x2e: {  	_ =	sfence  }
0x2f: {  	s30 =	sld [smem:$0x0];
	_ =	sdelay $0x2  }
0x30: {  	s31 =	sshll.u32 s1, $0xD;
	s1 =	sshrl.u32 s1, $0x2  }
0x31: {  	s3 =	sand.u32 $0x4000, s31;
	s1 =	sadd.s32 s1, s30  }
0x32: {  	s0 =	sor.u32 s3, s0;
	s1 =	sshll.u32 s1, $0x11  }
0x33: {  	s0 =	sor.u32 s1, s0  }
0x34: {  	s0 =	sadd.s32 $0x8F2B, s0  }
0x35: {  	[sflag:s0] =	ssyncadd.remote.s32 $0x1  }
0x36: {  	_ =	sfence.sel $0xFFFF  }
0x37: {  	[dreg:$0x0] =	wrdreg $0xFFFFFFFF;
	(pc) =	sbr.abs _section_cstart, $3  }
0x38: {  	[dreg:$0x1] =	wrdreg $0xFFFFFFFF  }
0x39: {  	_ =	task.clear_ibuf [dreg:s7], $0x2FFFF;
	_ =	strace $0x9FFFFFFF  }
0x3a: {  	(tm) =	ssettm $0x7FFFFFFF  }
0x3b: {  	_ =	shalt  }
tec
execute0_lowered:
.L_overlay_start_1:
0x0: {  	(tag) =	ssettag $0x1  }
0x1: {  	s0 =	srdreg.scid  }
0x2: {  	s1 =	sshll.u32 s0, $0x4  }
0x3: {  	s3 =	rddreg [dreg:$0x0];
	s0 =	stileid.u32;
	s1 =	sand.u32 $0x10, s1  }
0x4: {  	s6 =	rddreg [dreg:$0x1];
	s5 =	simm.s32 $0x1;
	s1 =	sor.u32 s0, s1  }
0x5: {  	s31 =	simm.s32 $0x2;
	s15 =	simm.s32 $0x0;
	s2 =	sshll.u32 s1, $0x1  }
0x6: {  	s8 =	simm.s32 $0x25800;
	s9 =	simm.s32 $0x0;
	s4 =	ssub.s32 $0xC4, s2  }
0x7: {  	s14 =	simm.s32 $0x0;
	s16 =	simm.s32 $0x0;
	s30 =	sand.u32 $0x3E, s4  }
0x8: {  	s10 =	simm.s32 $0x0;
	s11 =	simm.s32 $0x0;
	p0 =	sne.s32 s30, $0x0  }
.Ltmp0:
0x9: {  	s7 =	sshrl.u32 s4, $0x6;
	s5 =	simm.s32 @!p0 $0x0;
	(pc) =	sbr.rel .LBB1_1-.Ltmp0, $4  }
0xa: {  	s13 =	simm.s32 $0x0;
	s1 =	rddreg [dreg:$0x2];
	s5 =	sadd.s32 s5, s7  }
0xb: {  	_ =	strace $0x80000047;
	s4 =	simm.s32 $0x1;
	s5 =	smul.u32 $0x6, s5  }
0xc: {  	s23 =	simm.s32 $0x0;
	s6 =	sadd.s32 $0xA00, s6;
	[sflag:s4] =	ssyncpa.u1 $0x0  }
0xd: {  	s12 =	smov.u32 s2;
	[sflag:s31] =	ssyncpa.u1 $0x0;
	s7 =	sor.u32 $0x1, s5  }
.LBB1_7:
0xe: {  	s17 =	sadd.s32 $0x80, s10  }
0xf: {  	s14 =	sadd.s32 $0x40, s11;
	s18 =	smov.u32 s11;
	p1 =	sgt.s32 s17, $0x2FF  }
0x10: {  	s18 =	smov.u32 @p1 s14  }
0x11: {  	s20 =	smov.u32 s12;
	s14 =	sadd.s32 $0x40, s12;
	p2 =	sgt.s32 s18, $0x3F  }
0x12: {  	s20 =	smov.u32 @p2 s14  }
0x13: {  	s17 =	simm.s32 @p1 $0x0;
	p1 =	sgt.s32 s20, $0xC3  }
0x14: {  	p0 =	slt.u32 s13, $0x2;
	s20 =	smov.u32 @p1 s2;
	p1 =	sne.s32 s13, s7  }
.Ltmp1:
0x15: {  	s19 =	simm.s32 @!p0 $0x2;
	(pc) =	sbr.rel @!p1 .LBB1_8-.Ltmp1, $4  }
0x16: {  	s15 =	smov.u32 s10;
	s16 =	smov.u32 s12;
	_ =	swait.ge @!p0 [sflag:s19], $0x4000  }
0x17: {  	s9 =	sadd.s32 $0x4000, s9;
	[sflag:s19] =	ssyncset.done @!p0 $0x0;
	s10 =	smov.u32 s17  }
0x18: {  	s18 =	simm.s32 @p2 $0x0;
	s14 =	smov.u32 s11;
	[sflag:s19] =	ssyncadd.s32 @!p0 $0xFFFFC000  }
0x19: {  	s11 =	smov.u32 s18;
	s13 =	sadd.s32 $0x1, s13;
	s12 =	smov.u32 s20  }
.LBB1_1:
0x1a: {  	p0 =	sge.u32 s13, s5  }
0x1b: {  	s17 =	sshrl.u32 @!p0 s11, $0x3  }
0x1c: {  	s18 =	sshll.u32 @!p0 s10, $0x3;
	s17 =	smul.u32 @!p0 $0x1800, s17  }
0x1d: {  	s19 =	sshll.u32 @!p0 s11, $0x7;
	s18 =	sand.u32 @!p0 $0xFFFFFC00, s18  }
0x1e: {  	s17 =	sadd.s32 @!p0 s17, s18;
	s18 =	sand.u32 @!p0 $0x380, s19  }
0x1f: {  	s19 =	sand.u32 @!p0 $0x7F, s10;
	s17 =	sor.u32 @!p0 s18, s17  }
0x20: {  	s18 =	sor.u32 @!p0 s19, s17  }
0x21: {  	s19 =	smulhi.u32 @!p0 $0xAAAAAAAB, s18  }
0x22: {  	s17 =	smulhi.u32 @!p0 $0xAAAAAAAB, s17  }
0x23: {  	s19 =	sshrl.u32 @!p0 s19, $0x9  }
0x24: {  	s31 =	sadd.s32 $0xFFFFFFFF, s13;
	s17 =	sshrl.u32 @!p0 s17, $0x9;
	s19 =	smul.u32 @!p0 $0x300, s19  }
0x25: {  	s20 =	sxor.u32 @!p0 $0xFFFFFFFF, s13;
	s21 =	smul.u32 @!p0 $0x1800, s12;
	s17 =	sand.u32 @!p0 $0x3F, s17  }
0x26: {  	s20 =	sshll.u32 @!p0 s20, $0xE;
	s17 =	smul.u32 @!p0 $0x60, s17;
	s18 =	ssub.s32 @!p0 s18, s19  }
0x27: {  	s19 =	sand.u32 @!p0 $0x4000, s20;
	s20 =	sadd.s32 @!p0 s3, s21;
	s21 =	sand.u32 @!p0 $0x7, s18  }
0x28: {  	s18 =	sshrl.u32 @!p0 s18, $0x3;
	s17 =	sadd.s32 @!p0 s17, s20;
	s20 =	sshll.u32 @!p0 s21, $0x12  }
0x29: {  	s17 =	sadd.s32 @!p0 s18, s17;
	s18 =	sor.u32 @!p0 $0x400, s20;
	s20 =	simm.s32 @!p0 $0x1800  }
0x2a: {  	[tilespmem:s19], [sflag:$0x1] =	stream.strided.gather @!p0 [hbm4b:s17+s18], $0x4000, s20, s18, $0x38;
	[tilespmem:$0x10000] =	vst v63  }
0x2b: {  	p0 =	sge.u32 s31, s5  }
.Ltmp2:
0x2c: {  	_ = 	snop;
	(pc) =	sbr.rel @p0 .LBB1_7-.Ltmp2, $1  }
0x2d: {  	_ =	sdelay $0x3  }
0x2e: {  	s17 =	sshll.u32 s9, $0x2  }
0x2f: {  	_ =	swait.ge [sflag:s4], $0x4000;
	s18 =	sshll.u32 s13, $0xE;
	s20 =	simm.s32 $0x0  }
0x30: {  	p1 =	por $0x1, $0x1;
	s17 =	sand.u32 $0x10000, s17;
	[sflag:s4] =	ssyncset.done $0x0  }
0x31: {  	s18 =	sand.u32 $0x4000, s18;
	s19 =	sshrl.u32 s17, $0x2;
	[sflag:s4] =	ssyncadd.s32 $0xFFFFC000  }
0x32: {  	s17 =	sor.u32 $0x8000, s18;
	s18 =	sadd.s32 $0x8040, s19;
	s19 =	sadd.s32 $0x40, s19  }
.LBB1_3:
0x33: {  	s21 =	sshll.u32 s20, $0xD  }
0x34: {  	s21 =	sand.u32 $0x3FFFE000, s21  }
0x35: {  	s21 =	sadd.s32 s21, s19  }
0x36: {  	v0 =	vmov s21;
	_ =	sdelay $0x4  }
0x37: {  	v6 =	vld.idx.msk [tilespmem:v0+s23+$0x30 ss:$0x1], $0xffff  }
0x38: {  	v7 =	vld.idx.msk [tilespmem:v0+s23+$0xFFFFFFC0 ss:$0x1], $0xffff  }
0x39: {  	v1 =	vld.idx.msk [tilespmem:v0+s23+$0xFFFFFFD0 ss:$0x1], $0xffff  }
0x3a: {  	s31 =	sshll.u32 s20, $0x7;
	v2 =	vld.idx.msk [tilespmem:v0+s23+$0xFFFFFFE0 ss:$0x1], $0xffff  }
0x3b: {  	s20 =	sand.u32 $0x3FFFFF80, s31;
	v3 =	vld.idx.msk [tilespmem:v0+s23+$0xFFFFFFF0 ss:$0x1], $0xffff  }
0x3c: {  	s20 =	sadd.s32 s20, s18;
	v4 =	vld.idx.msk [tilespmem:v0+s23+$0x0 ss:$0x1], $0xffff  }
0x3d: {  	v5 =	vld.idx.msk [tilespmem:v0+s23+$0x10 ss:$0x1], $0xffff;
	[tilespmem:s20+$0x30] =	vst v6  }
0x3e: {  	p0 =	por p1, p1;
	s22 =	simm.s32 $0x400;
	s21 =	simm.s32 $0x80;
	[tilespmem:s20+$0xFFFFFFC0] =	vst v7;
	v6 =	vld.idx.msk [tilespmem:v0+s23+$0x20 ss:$0x1], $0xffff  }
.LBB1_4:
0x3f: {  	p1 =	sne.s32 s22, $0x7E00;
	v7 =	vld.idx.msk [tilespmem:v0+s21+$0x30 ss:$0x1], $0xffff;
	[tilespmem:s20+$0xFFFFFFD0] =	vst v1  }
0x40: {  	v8 =	vld.idx.msk [tilespmem:v0+s21+$0xFFFFFFC0 ss:$0x1], $0xffff;
	[tilespmem:s20+$0xFFFFFFE0] =	vst v2  }
0x41: {  	v1 =	vld.idx.msk [tilespmem:v0+s21+$0xFFFFFFD0 ss:$0x1], $0xffff;
	[tilespmem:s20+$0xFFFFFFF0] =	vst v3  }
.Ltmp3:
0x42: {  	v2 =	vld.idx.msk [tilespmem:v0+s21+$0xFFFFFFE0 ss:$0x1], $0xffff;
	[tilespmem:s20+$0x0] =	vst v4;
	(pc) =	sbr.rel @p1 .LBB1_4-.Ltmp3, $4  }
0x43: {  	v3 =	vld.idx.msk [tilespmem:v0+s21+$0xFFFFFFF0 ss:$0x1], $0xffff;
	[tilespmem:s20+$0x10] =	vst v5  }
0x44: {  	v4 =	vld.idx.msk [tilespmem:v0+s21+$0x0 ss:$0x1], $0xffff;
	[tilespmem:s20+$0x20] =	vst v6;
	s20 =	sadd.s32 $0x100, s20  }
0x45: {  	v5 =	vld.idx.msk [tilespmem:v0+s21+$0x10 ss:$0x1], $0xffff;
	[tilespmem:s20+$0x30] =	vst v7  }
0x46: {  	[tilespmem:s20+$0xFFFFFFC0] =	vst v8;
	v6 =	vld.idx.msk [tilespmem:v0+s21+$0x20 ss:$0x1], $0xffff;
	s21 =	sshra.s32 s22, $0x2;
	s22 =	sadd.s32 $0x200, s22  }
0x47: {  	_ =	sdelay $0x2  }
0x48: {  	[tilespmem:s20+$0xFFFFFFD0] =	vst v1  }
0x49: {  	v56 =	vld.idx.msk [tilespmem:v0+s21+$0x30 ss:$0x1], $0xffff;
	[tilespmem:s20+$0xFFFFFFE0] =	vst v2  }
0x4a: {  	v57 =	vld.idx.msk [tilespmem:v0+s21+$0xFFFFFFC0 ss:$0x1], $0xffff;
	[tilespmem:s20+$0xFFFFFFF0] =	vst v3  }
0x4b: {  	v58 =	vld.idx.msk [tilespmem:v0+s21+$0xFFFFFFD0 ss:$0x1], $0xffff;
	[tilespmem:s20+$0x0] =	vst v4  }
0x4c: {  	v59 =	vld.idx.msk [tilespmem:v0+s21+$0xFFFFFFE0 ss:$0x1], $0xffff;
	[tilespmem:s20+$0x10] =	vst v5  }
0x4d: {  	v60 =	vld.idx.msk [tilespmem:v0+s21+$0xFFFFFFF0 ss:$0x1], $0xffff;
	s31 =	sadd.s32 $0x100, s20;
	[tilespmem:s20+$0x20] =	vst v6  }
0x4e: {  	v61 =	vld.idx.msk [tilespmem:v0+s21+$0x0 ss:$0x1], $0xffff;
	[tilespmem:s31+$0x30] =	vst v56  }
0x4f: {  	v62 =	vld.idx.msk [tilespmem:v0+s21+$0x10 ss:$0x1], $0xffff;
	[tilespmem:s31+$0xFFFFFFC0] =	vst v57  }
0x50: {  	v63 =	vld.idx.msk [tilespmem:v0+s21+$0x20 ss:$0x1], $0xffff;
	[tilespmem:s31+$0xFFFFFFD0] =	vst v58  }
.Ltmp4:
0x51: {  	[tilespmem:s31+$0xFFFFFFE0] =	vst v59;
	(pc) =	sbr.rel @p0 .LBB1_3-.Ltmp4, $4  }
0x52: {  	[tilespmem:s31+$0xFFFFFFF0] =	vst v60  }
0x53: {  	[tilespmem:s31+$0x0] =	vst v61  }
0x54: {  	[tilespmem:s31+$0x10] =	vst v62  }
0x55: {  	p1 =	por $0x0, $0x0;
	s20 =	simm.s32 $0x1;
	[tilespmem:s31+$0x20] =	vst v63  }
0x56: {  	s18 =	sshrl.u32 s16, $0x3  }
0x57: {  	s19 =	sshll.u32 s15, $0x3;
	s18 =	smul.u32 $0x1800, s18  }
0x58: {  	s25 =	sshll.u32 s16, $0x7;
	s19 =	sand.u32 $0xFFFFFC00, s19  }
0x59: {  	s16 =	sand.u32 $0x380, s25;
	s18 =	sadd.s32 s18, s19  }
0x5a: {  	s16 =	sor.u32 s16, s18  }
0x5b: {  	s18 =	smulhi.u32 $0xAAAAAAAB, s16;
	_ =	sdelay $0x1  }
0x5c: {  	s26 =	sand.u32 $0x7F, s15;
	s18 =	sshrl.u32 s18, $0x9  }
0x5d: {  	s15 =	sor.u32 s26, s16;
	s27 =	smulhi.u32 $0x147AE15, s18  }
0x5e: {  	s16 =	smulhi.u32 $0xAAAAAAAB, s15  }
0x5f: {  	s19 =	smul.u32 $0xC8, s27  }
0x60: {  	s14 =	smul.u32 $0x4B00, s14;
	s16 =	sshrl.u32 s16, $0x9  }
0x61: {  	s16 =	smul.u32 $0x300, s16;
	s18 =	ssub.s32 s18, s19  }
0x62: {  	s28 =	smul.u32 $0x60, s18  }
.Ltmp5:
0x63: {  	s15 =	ssub.s32 s15, s16;
	(pc) =	sbr.rel .LBB1_7-.Ltmp5, $4  }
0x64: {  	s14 =	sadd.s32 s6, s14;
	s29 =	sand.u32 $0x7, s15  }
0x65: {  	s15 =	sshrl.u32 s15, $0x3;
	s30 =	sshll.u32 s29, $0x12;
	s14 =	sadd.s32 s28, s14  }
0x66: {  	s31 =	sor.u32 $0x100, s30;
	s14 =	sadd.s32 s15, s14  }
0x67: {  	[hbm4b:s14+s31] =	stream.strided.scatter [tilespmem:s17], [sflag:$0x2], $0x4000, s8, s31, $0x38;
	[tilespmem:$0x10000] =	vst v63  }
.LBB1_8:
0x68: {  	_ =	sfence.sel $0x180000  }
0x69: {  	s2 =	simm.s32 $0x1;
	[bflag:$0x0] =	sbarrier.arrive $0xFFFF  }
0x6a: {  	s31 =	simm.s32 $0x2;
	[sflag:s2] =	ssyncpa.u1 $0x1  }
0x6b: {  	[sflag:s31] =	ssyncpa.u1 $0x1  }
0x6c: {  	p0 =	sne.s32 s0, $0x0;
	_ =	strace $0x90000047  }
0x6d: {  	s0 =	sadd.s32 @!p0 $0x100000, s1;
	[bflag:$0x2] =	sbarrier.arrive $0xFFFF  }
0x6e: {  	[sflag:s0] =	ssyncadd.tile.s32 @!p0 $0x1;
	_ =	shalt  }
.Lfunc_end1:
_tile_overlayer_lowered:
.L_overlay_start_2:
0x6f: {  	(tag) =	ssettag $0x2  }
0x70: {  	s0 =	rddreg [dreg:$0x0];
	s2 =	stileid.u32  }
0x71: {  	s1 =	rddreg [dreg:$0x1];
	p0 =	sne.s32 s2, $0x0  }
0x72: {  	s3 =	rddreg [dreg:$0x2];
	[bflag:$0x3] =	sbarrier.arrive $0xFFFF;
	s2 =	simm.s32 @!p0 $0x1C01  }
0x73: {  	[timem:s3], [sflag:s2] =	dma.local @!p0 [hbm:s0], s1  }
0x74: {  	s0 =	simm.s32 @!p0 $0x1  }
0x75: {  	_ =	swait.ge @!p0 [sflag:s0], s1  }
0x76: {  	s1 =	ssub.s32 @!p0 $0x0, s1;
	[sflag:s0] =	ssyncset.done @!p0 $0x0  }
0x77: {  	[sflag:s0] =	ssyncadd.s32 @!p0 s1  }
0x78: {  	[bflag:$0x3] =	sbarrier.arrive $0xFFFF  }
0x79: {  	_ =	shalt  }

</sc_bundles>
